<compile_context>
chip_gen: v7x
topology: tpu7x:2x2x1
jax: 0.10.2.dev20260603
libtpu: 0.0.44.dev20260713+nightly
codegen_flags: <defaults>
</compile_context>

<pallas_src>
import functools

import jax
import jax.numpy as jnp
from jax import lax
from jax.experimental import pallas as pl
from jax.experimental.pallas import tpu as pltpu
from jax.experimental.pallas import tpu_sc as plsc

ALPHA = 0.1
N_PROP = 5

NC = 2
NS = 16
LANES = 16

EK = 128
RB = 160


def _mesh():
    return plsc.VectorSubcoreMesh(
        core_axis_name="c", subcore_axis_name="s",
        num_cores=NC, num_subcores=NS)


_SC_PARAMS = pltpu.CompilerParams(use_tc_tiling_on_sc=False)


def _pad_geometry(E):
    per_tile = -(-E // (NS * EK)) * EK
    ep = per_tile * NS
    return ep, per_tile // EK


def _make_deg(N, E):
    ep, tg = _pad_geometry(E)
    nrb = N // RB
    trb = (nrb + NS - 1) // NS

    @functools.partial(
        pl.kernel,
        out_type=jax.ShapeDtypeStruct((N, LANES), jnp.float32),
        mesh=_mesh(),
        compiler_params=_SC_PARAMS,
        scratch_types=[
            pltpu.VMEM_SHARED((N + LANES, LANES), jnp.float32),
            pltpu.VMEM((EK,), jnp.int32),
            pltpu.VMEM((EK, LANES), jnp.float32),
            pltpu.VMEM((RB, LANES), jnp.float32),
        ],
    )
    def deg_k(row1d_h, deg_h, acc, idx, ones, zbuf):
        c = lax.axis_index("c")
        s = lax.axis_index("s")
        one16 = jnp.full((LANES,), 1.0, jnp.float32)
        zero16 = jnp.zeros((LANES,), jnp.float32)

        @pl.loop(0, EK)
        def _(i):
            ones[i, :] = one16

        @pl.loop(0, RB)
        def _(i):
            zbuf[i, :] = zero16

        @pl.loop(0, trb)
        def _(t):
            rb = s + NS * t

            @pl.when(rb < nrb)
            def _():
                pltpu.sync_copy(zbuf, acc.at[pl.ds(rb * RB, RB)])

        @pl.when(s == 0)
        def _():
            pltpu.sync_copy(zbuf.at[pl.ds(0, LANES)], acc.at[pl.ds(N, LANES)])

        plsc.subcore_barrier()

        @pl.loop(0, tg)
        def _(t):
            e0 = (s * tg + t) * EK
            pltpu.sync_copy(row1d_h.at[pl.ds(e0, EK)], idx)
            pltpu.sync_copy(ones, acc.at[idx], add=True)

        plsc.subcore_barrier()

        @pl.when(c == 0)
        def _():
            @pl.loop(0, trb)
            def _(t):
                rb = s + NS * t

                @pl.when(rb < nrb)
                def _():
                    pltpu.sync_copy(acc.at[pl.ds(rb * RB, RB)], zbuf)
                    pltpu.sync_copy(zbuf, deg_h.at[pl.ds(rb * RB, RB)])
                    z16 = jnp.zeros((LANES,), jnp.float32)

                    @pl.loop(0, RB)
                    def _(i):
                        zbuf[i, :] = z16

    return deg_k


def _make_mlptab(N, DF, DH, C):
    RT = 1000
    nb = N // RT
    ch = C // NC
    f32 = jnp.float32

    def body(x_ref, w0_ref, b0_ref, w1_ref, b1_ref, deg_ref,
             z0_ref, a_ref, b2_ref, af_ref, bf2_ref):
        x = x_ref[...]
        h = lax.dot_general(x, w0_ref[...], (((1,), (1,)), ((), ())),
                            preferred_element_type=f32)
        h = jnp.maximum(h + b0_ref[...], 0.0)
        ini = lax.dot_general(h, w1_ref[...], (((1,), (1,)), ((), ())),
                              preferred_element_type=f32)
        ini = ini + b1_ref[pl.ds(pl.program_id(1), 1), :]
        dis = lax.rsqrt(jnp.maximum(deg_ref[...], 1e-24))
        z0 = dis * ini
        z0_ref[...] = z0
        a_ref[...] = ALPHA * z0
        af_ref[...] = ALPHA * ini
        b2_ref[...] = (1.0 - ALPHA) * dis * dis
        bf2_ref[...] = (1.0 - ALPHA) * dis

    return pl.pallas_call(
        body,
        grid=(nb, NC),
        in_specs=[
            pl.BlockSpec((RT, DF), lambda i, c: (i, 0)),
            pl.BlockSpec((DH, DF), lambda i, c: (0, 0)),
            pl.BlockSpec((1, DH), lambda i, c: (0, 0)),
            pl.BlockSpec((ch, DH), lambda i, c: (c, 0)),
            pl.BlockSpec((NC, ch), lambda i, c: (0, 0)),
            pl.BlockSpec((RT, LANES), lambda i, c: (i, 0)),
        ],
        out_specs=[
            pl.BlockSpec((RT, ch), lambda i, c: (c * nb + i, 0)),
            pl.BlockSpec((RT, ch), lambda i, c: (c * nb + i, 0)),
            pl.BlockSpec((RT, ch), lambda i, c: (i, 0)),
            pl.BlockSpec((RT, ch), lambda i, c: (c * nb + i, 0)),
            pl.BlockSpec((RT, ch), lambda i, c: (i, 0)),
        ],
        out_shape=[
            jax.ShapeDtypeStruct((NC * N, ch), f32),
            jax.ShapeDtypeStruct((NC * N, ch), f32),
            jax.ShapeDtypeStruct((N, ch), f32),
            jax.ShapeDtypeStruct((NC * N, ch), f32),
            jax.ShapeDtypeStruct((N, ch), f32),
        ],
    )


def _make_prop(N, E):
    ep, tg = _pad_geometry(E)
    nrb = N // RB
    trb = (nrb + NS - 1) // NS
    ch = LANES
    shp2 = jax.ShapeDtypeStruct((NC * N, ch), jnp.float32)

    @functools.partial(
        pl.kernel,
        out_type=(shp2, shp2, shp2),
        mesh=_mesh(),
        compiler_params=_SC_PARAMS,
        scratch_types=[
            pltpu.VMEM_SHARED((N + LANES, ch), jnp.float32),
            pltpu.VMEM((EK,), jnp.int32),
            pltpu.VMEM((EK,), jnp.int32),
            pltpu.VMEM((EK, ch), jnp.float32),
            pltpu.VMEM((RB, ch), jnp.float32),
            pltpu.VMEM((RB, ch), jnp.float32),
            pltpu.VMEM((RB, ch), jnp.float32),
            pltpu.VMEM((RB, ch), jnp.float32),
        ],
    )
    def prop_k(z0, a_t, b2_t, af_t, bf2_t, col1d_h, row1d_h,
               out_h, za_h, zb_h,
               acc, ecol, erow, gath, uacc, ua, ub, zb):
        c = lax.axis_index("c")
        s = lax.axis_index("s")
        coff = c * N
        ceoff = c * ep
        zero16 = jnp.zeros((ch,), jnp.float32)

        @pl.loop(0, RB)
        def _(i):
            zb[i, :] = zero16

        @pl.loop(0, trb)
        def _(t):
            rb = s + NS * t

            @pl.when(rb < nrb)
            def _():
                pltpu.sync_copy(zb, acc.at[pl.ds(rb * RB, RB)])

        @pl.when(s == 0)
        def _():
            pltpu.sync_copy(zb.at[pl.ds(0, LANES)], acc.at[pl.ds(N, LANES)])

        plsc.subcore_barrier()

        srcs = [z0, za_h, zb_h, za_h, zb_h]
        dsts = [za_h, zb_h, za_h, zb_h, out_h]
        for p in range(N_PROP):
            zsrc, zdst = srcs[p], dsts[p]
            at_ = a_t if p < N_PROP - 1 else af_t
            bt_ = b2_t if p < N_PROP - 1 else bf2_t

            @pl.loop(0, tg)
            def _(t):
                e0 = (s * tg + t) * EK
                pltpu.sync_copy(col1d_h.at[pl.ds(ceoff + e0, EK)], ecol)
                pltpu.sync_copy(zsrc.at[ecol], gath)
                pltpu.sync_copy(row1d_h.at[pl.ds(e0, EK)], erow)
                pltpu.sync_copy(gath, acc.at[erow], add=True)

            plsc.subcore_barrier()

            @pl.loop(0, trb)
            def _(t):
                rb = s + NS * t

                @pl.when(rb < nrb)
                def _():
                    r0 = rb * RB
                    pltpu.sync_copy(acc.at[pl.ds(r0, RB)], uacc)
                    pltpu.sync_copy(at_.at[pl.ds(coff + r0, RB)], ua)
                    pltpu.sync_copy(bt_.at[pl.ds(r0, RB)], ub)

                    @pl.loop(0, RB)
                    def _(i):
                        ua[i, :] = ua[i, :] + ub[i, :] * uacc[i, :]

                    pltpu.sync_copy(ua, zdst.at[pl.ds(coff + r0, RB)])
                    pltpu.sync_copy(zb, acc.at[pl.ds(r0, RB)])

            plsc.subcore_barrier()

    return prop_k


def kernel(X, edge_index, W0, b0, W1, b1):
    N, DF = X.shape
    DH = W0.shape[0]
    C = W1.shape[0]
    E = edge_index.shape[1]
    row = edge_index[0]
    col = edge_index[1]
    ep, _ = _pad_geometry(E)
    pad = ep - E
    row_p = jnp.concatenate([row, jnp.full((pad,), N, jnp.int32)])
    col_p = jnp.concatenate([col, jnp.zeros((pad,), jnp.int32)])
    colb = jnp.concatenate([col_p, col_p + N])
    b0r = b0.reshape(1, DH)
    b1r = b1.reshape(NC, C // NC)

    deg16 = _make_deg(N, E)(row_p)
    Z0, A, B2, AF, BF2 = _make_mlptab(N, DF, DH, C)(X, W0, b0r, W1, b1r, deg16)
    O, _, _ = _make_prop(N, E)(Z0, A, B2, AF, BF2, colb, row_p)
    return jnp.concatenate([O[:N], O[N:]], axis=1)

# --- scband reference (transcript-rebuilt; emitter-appended) ---
"""Pipeline reference for scband-appnp-8297876816013 (READ-ONLY COPY).

The authoritative reference and input builder live on the scoring server;
editing this copy changes nothing except your own understanding.
"""

import jax, jax.numpy as jnp
import numpy as np

N = 100000
E = 1600000
D_FEAT = 128
D_HID = 64
N_CLASSES = 32
ALPHA = 0.1
N_PROP = 5


def setup_inputs(seed: int = 0) -> dict:
    key = jax.random.key(seed)
    ks = jax.random.split(key, 6)
    X = jax.random.normal(ks[0], (N, D_FEAT), dtype=jnp.float32)
    edge_index = jax.random.randint(ks[1], (2, E), 0, N, dtype=jnp.int32)
    # transform_features MLP params (torch nn.Linear convention: W[out,in], b[out])
    W0 = jax.random.normal(ks[2], (D_HID, D_FEAT), dtype=jnp.float32) * 0.05
    b0 = jnp.zeros((D_HID,), dtype=jnp.float32)
    W1 = jax.random.normal(ks[3], (N_CLASSES, D_HID), dtype=jnp.float32) * 0.05
    b1 = jnp.zeros((N_CLASSES,), dtype=jnp.float32)
    return {"X": X, "edge_index": edge_index, "W0": W0, "b0": b0, "W1": W1, "b1": b1}


def reference(X, edge_index, W0, b0, W1, b1):
    # --- transform_features (eval mode: dropout = identity) ---
    h = jnp.maximum(X @ W0.T + b0, 0.0)          # linear_0 + ReLU
    logits = h @ W1.T + b1                       # linear_1

    # --- _normalize: A_hat = D^{-1/2} A D^{-1/2} (A given as edge list, weight 1) ---
    row = edge_index[0]
    col = edge_index[1]
    ones = jnp.ones((row.shape[0],), dtype=jnp.float32)
    deg = jax.ops.segment_sum(ones, row, num_segments=N)         # row sums of A
    deg_sqrt = jnp.clip(jnp.sqrt(deg), 1e-12, None)
    d_inv_sqrt = 1.0 / deg_sqrt
    w = d_inv_sqrt[row] * d_inv_sqrt[col]                        # edge weights of A_hat

    # --- PowerIterationPageRank (eval mode: no propagation dropout) ---
    initial_logits = logits
    for _ in range(N_PROP):
        msg = w[:, None] * logits[col]                           # gather
        agg = jax.ops.segment_sum(msg, row, num_segments=N)      # scatter-add (sparse mm)
        logits = ALPHA * initial_logits + (1.0 - ALPHA) * agg
    return logits

if __name__ == "__main__":
    import jax
    _d = setup_inputs()
    print(jax.jit(kernel)(*tuple(_d.values())))

</pallas_src>

<mosaic_0001>
#map = affine_map<(d0, d1) -> (0, 0)>
#map1 = affine_map<(d0, d1) -> (0)>
module attributes {stable_mosaic.version = 14 : i64} {
  func.func @prop_k(%arg0: i32, %arg1: i32, %arg2: memref<200000x16xf32, #tpu.memory_space<hbm>>, %arg3: memref<200000x16xf32, #tpu.memory_space<hbm>>, %arg4: memref<100000x16xf32, #tpu.memory_space<hbm>>, %arg5: memref<200000x16xf32, #tpu.memory_space<hbm>>, %arg6: memref<100000x16xf32, #tpu.memory_space<hbm>>, %arg7: memref<3203072xi32, #tpu.memory_space<hbm>>, %arg8: memref<1601536xi32, #tpu.memory_space<hbm>>, %arg9: memref<200000x16xf32, #tpu.memory_space<hbm>>, %arg10: memref<200000x16xf32, #tpu.memory_space<hbm>>, %arg11: memref<200000x16xf32, #tpu.memory_space<hbm>>, %arg12: memref<100016x16xf32, #tpu.memory_space<vmem_shared>>, %arg13: memref<128xi32, #tpu.memory_space<vmem>>, %arg14: memref<128xi32, #tpu.memory_space<vmem>>, %arg15: memref<128x16xf32, #tpu.memory_space<vmem>>, %arg16: memref<160x16xf32, #tpu.memory_space<vmem>>, %arg17: memref<160x16xf32, #tpu.memory_space<vmem>>, %arg18: memref<160x16xf32, #tpu.memory_space<vmem>>, %arg19: memref<160x16xf32, #tpu.memory_space<vmem>>) attributes {dimension_semantics = [#tpu.dimension_semantics<core_parallel>, #tpu.dimension_semantics<subcore_parallel>], iteration_bounds = array<i64: 2, 16>, scalar_prefetch = 0 : i64, scratch_operands = 8 : i64, tpu.core_type = #tpu.core_type<sc_vector_subcore>, window_params = [{transform_indices = #map}, {transform_indices = #map}, {transform_indices = #map}, {transform_indices = #map}, {transform_indices = #map}, {transform_indices = #map1}, {transform_indices = #map1}, {transform_indices = #map}, {transform_indices = #map}, {transform_indices = #map}]} {
    %mul3A = arith.constant 100000 : i32
    %mul3A_0 = arith.muli %arg0, %mul3A : i32
    %mul3A_1 = arith.constant 1601536 : i32
    %mul3A_2 = arith.muli %arg0, %mul3A_1 : i32
    %broadcast_in_dim3A = arith.constant 0.000000e+00 : f32
    %broadcast_in_dim3A_3 = vector.broadcast %broadcast_in_dim3A : f32 to vector<16xf32>
    %scan3A = arith.constant 0 : i32
    %scan3A_4 = arith.constant 160 : i32
    %scan3A_5 = arith.addi %scan3A, %scan3A_4 : i32
    %scan3A_6 = arith.constant 1 : i32
    scf.for %scan3A_75 = %scan3A to %scan3A_5 step %scan3A_6  : i32 {
      %mul3A_76 = arith.constant 1 : i32
      %mul3A_77 = arith.muli %scan3A_75, %mul3A_76 : i32
      %add3A = arith.constant 0 : i32
      %add3A_78 = arith.addi %add3A, %mul3A_77 : i32
      %swap3A = arith.index_cast %add3A_78 : i32 to index
      %swap3A_79 = arith.constant 0 : index
      %swap3A_80 = tpu.vector_load %arg19[%swap3A, %swap3A_79] {strides = array<i32>} : memref<160x16xf32, #tpu.memory_space<vmem>>, vector<1x16xf32>,
      %swap3A_81 = vector.shape_cast %swap3A_80 : vector<1x16xf32> to vector<16xf32>
      %swap3A_82 = vector.shape_cast %broadcast_in_dim3A_3 : vector<16xf32> to vector<1x16xf32>
      tpu.vector_store %arg19[%swap3A, %swap3A_79], %swap3A_82 {strides = array<i32>} : memref<160x16xf32, #tpu.memory_space<vmem>>, vector<1x16xf32>,
    }
    %scan3A_7 = arith.constant 160 : i32
    %scan3A_8 = arith.constant 0 : i32
    %scan3A_9 = arith.constant 40 : i32
    %scan3A_10 = arith.addi %scan3A_8, %scan3A_9 : i32
    %scan3A_11 = arith.constant 1 : i32
    scf.for %scan3A_75 = %scan3A_8 to %scan3A_10 step %scan3A_11  : i32 {
      %mul3A_76 = arith.constant 1 : i32
      %mul3A_77 = arith.muli %scan3A_75, %mul3A_76 : i32
      %add3A = arith.constant 0 : i32
      %add3A_78 = arith.addi %add3A, %mul3A_77 : i32
      %mul3A_79 = arith.constant 16 : i32
      %mul3A_80 = arith.muli %mul3A_79, %add3A_78 : i32
      %add3A_81 = arith.addi %arg1, %mul3A_80 : i32
      %lt3A = arith.constant 625 : i32
      %lt3A_82 = arith.cmpi slt, %add3A_81, %lt3A : i32
      %convert_element_type3A_83 = arith.extui %lt3A_82 : i1 to i32
      %cond3A_84 = arith.constant 0 : i32
      %cond3A_85 = arith.cmpi ne, %convert_element_type3A_83, %cond3A_84 : i32
      scf.if %cond3A_85 {
        %mul3A_86 = arith.constant 160 : i32
        %mul3A_87 = arith.muli %add3A_81, %mul3A_86 : i32
        "tpu.region"() ({
          %run_scoped3A = tpu.sem_alloc : memref<!tpu.dma_semaphore, #tpu.memory_space<semaphore_mem>>
          %dma_start3A = arith.constant 0 : i32
          %dma_start3A_88 = tpu.memref_slice %arg12[%mul3A_87, %dma_start3A] : memref<100016x16xf32, #tpu.memory_space<vmem_shared>> -> memref<160x16xf32, #tpu.memory_space<vmem_shared>>
          %dma_start3A_89 = arith.constant 0 : i32
          %dma_start3A_90 = tpu.memref_slice %arg12[%mul3A_87, %dma_start3A_89] : memref<100016x16xf32, #tpu.memory_space<vmem_shared>> -> memref<160x16xf32, #tpu.memory_space<vmem_shared>>
          tpu.enqueue_dma source(%arg19 : memref<160x16xf32, #tpu.memory_space<vmem>>) target(%dma_start3A_90 : memref<160x16xf32, #tpu.memory_space<vmem_shared>>) target_semaphore(%run_scoped3A : memref<!tpu.dma_semaphore, #tpu.memory_space<semaphore_mem>>)
          %dma_wait3A = arith.constant 0 : i32
          %dma_wait3A_91 = tpu.memref_slice %arg12[%mul3A_87, %dma_wait3A] : memref<100016x16xf32, #tpu.memory_space<vmem_shared>> -> memref<160x16xf32, #tpu.memory_space<vmem_shared>>
          %dma_wait3A_92 = arith.constant 0 : i32
          %dma_wait3A_93 = tpu.memref_slice %arg12[%mul3A_87, %dma_wait3A_92] : memref<100016x16xf32, #tpu.memory_space<vmem_shared>> -> memref<160x16xf32, #tpu.memory_space<vmem_shared>>
          tpu.wait_dma2 semaphore(%run_scoped3A : memref<!tpu.dma_semaphore, #tpu.memory_space<semaphore_mem>>) src(%arg19 : memref<160x16xf32, #tpu.memory_space<vmem>>) dst(%dma_wait3A_93 : memref<160x16xf32, #tpu.memory_space<vmem_shared>>)
          tpu.yield
        }) : () -> ()
      } else {
      }
    }
    %scan3A_12 = arith.constant 40 : i32
    %eq3A = arith.constant 0 : i32
    %eq3A_13 = arith.cmpi eq, %arg1, %eq3A : i32
    %convert_element_type3A = arith.extui %eq3A_13 : i1 to i32
    %cond3A = arith.constant 0 : i32
    %cond3A_14 = arith.cmpi ne, %convert_element_type3A, %cond3A : i32
    scf.if %cond3A_14 {
      "tpu.region"() ({
        %run_scoped3A = tpu.sem_alloc : memref<!tpu.dma_semaphore, #tpu.memory_space<semaphore_mem>>
        %dma_start3A = arith.constant 0 : i32
        %dma_start3A_75 = arith.constant 0 : i32
        %dma_start3A_76 = tpu.memref_slice %arg19[%dma_start3A, %dma_start3A_75] : memref<160x16xf32, #tpu.memory_space<vmem>> -> memref<16x16xf32, #tpu.memory_space<vmem>>
        %dma_start3A_77 = arith.constant 100000 : i32
        %dma_start3A_78 = arith.constant 0 : i32
        %dma_start3A_79 = tpu.memref_slice %arg12[%dma_start3A_77, %dma_start3A_78] : memref<100016x16xf32, #tpu.memory_space<vmem_shared>> -> memref<16x16xf32, #tpu.memory_space<vmem_shared>>
        %dma_start3A_80 = arith.constant 100000 : i32
        %dma_start3A_81 = arith.constant 0 : i32
        %dma_start3A_82 = tpu.memref_slice %arg12[%dma_start3A_80, %dma_start3A_81] : memref<100016x16xf32, #tpu.memory_space<vmem_shared>> -> memref<16x16xf32, #tpu.memory_space<vmem_shared>>
        %dma_start3A_83 = arith.constant 0 : i32
        %dma_start3A_84 = arith.constant 0 : i32
        %dma_start3A_85 = tpu.memref_slice %arg19[%dma_start3A_83, %dma_start3A_84] : memref<160x16xf32, #tpu.memory_space<vmem>> -> memref<16x16xf32, #tpu.memory_space<vmem>>
        tpu.enqueue_dma source(%dma_start3A_85 : memref<16x16xf32, #tpu.memory_space<vmem>>) target(%dma_start3A_82 : memref<16x16xf32, #tpu.memory_space<vmem_shared>>) target_semaphore(%run_scoped3A : memref<!tpu.dma_semaphore, #tpu.memory_space<semaphore_mem>>)
        %dma_wait3A = arith.constant 0 : i32
        %dma_wait3A_86 = arith.constant 0 : i32
        %dma_wait3A_87 = tpu.memref_slice %arg19[%dma_wait3A, %dma_wait3A_86] : memref<160x16xf32, #tpu.memory_space<vmem>> -> memref<16x16xf32, #tpu.memory_space<vmem>>
        %dma_wait3A_88 = arith.constant 100000 : i32
        %dma_wait3A_89 = arith.constant 0 : i32
        %dma_wait3A_90 = tpu.memref_slice %arg12[%dma_wait3A_88, %dma_wait3A_89] : memref<100016x16xf32, #tpu.memory_space<vmem_shared>> -> memref<16x16xf32, #tpu.memory_space<vmem_shared>>
        %dma_wait3A_91 = arith.constant 100000 : i32
        %dma_wait3A_92 = arith.constant 0 : i32
        %dma_wait3A_93 = tpu.memref_slice %arg12[%dma_wait3A_91, %dma_wait3A_92] : memref<100016x16xf32, #tpu.memory_space<vmem_shared>> -> memref<16x16xf32, #tpu.memory_space<vmem_shared>>
        %dma_wait3A_94 = arith.constant 0 : i32
        %dma_wait3A_95 = arith.constant 0 : i32
        %dma_wait3A_96 = tpu.memref_slice %arg19[%dma_wait3A_94, %dma_wait3A_95] : memref<160x16xf32, #tpu.memory_space<vmem>> -> memref<16x16xf32, #tpu.memory_space<vmem>>
        tpu.wait_dma2 semaphore(%run_scoped3A : memref<!tpu.dma_semaphore, #tpu.memory_space<semaphore_mem>>) src(%dma_wait3A_96 : memref<16x16xf32, #tpu.memory_space<vmem>>) dst(%dma_wait3A_93 : memref<16x16xf32, #tpu.memory_space<vmem_shared>>)
        tpu.yield
      }) : () -> ()
    } else {
    }
    %barrier3A = arith.constant 0 : index
    tpu.barrier barrier_id(%barrier3A)
    %scan3A_15 = arith.constant 0 : i32
    %scan3A_16 = arith.constant 782 : i32
    %scan3A_17 = arith.addi %scan3A_15, %scan3A_16 : i32
    %scan3A_18 = arith.constant 1 : i32
    scf.for %scan3A_75 = %scan3A_15 to %scan3A_17 step %scan3A_18  : i32 {
      %mul3A_76 = arith.constant 1 : i32
      %mul3A_77 = arith.muli %scan3A_75, %mul3A_76 : i32
      %add3A = arith.constant 0 : i32
      %add3A_78 = arith.addi %add3A, %mul3A_77 : i32
      %mul3A_79 = arith.constant 782 : i32
      %mul3A_80 = arith.muli %arg1, %mul3A_79 : i32
      %add3A_81 = arith.addi %mul3A_80, %add3A_78 : i32
      %mul3A_82 = arith.constant 128 : i32
      %mul3A_83 = arith.muli %add3A_81, %mul3A_82 : i32
      %add3A_84 = arith.addi %mul3A_2, %mul3A_83 : i32
      "tpu.region"() ({
        %run_scoped3A = tpu.sem_alloc : memref<!tpu.dma_semaphore, #tpu.memory_space<semaphore_mem>>
        %dma_start3A = tpu.memref_slice %arg7[%add3A_84] : memref<3203072xi32, #tpu.memory_space<hbm>> -> memref<128xi32, #tpu.memory_space<hbm>>
        %dma_start3A_85 = tpu.memref_slice %arg7[%add3A_84] : memref<3203072xi32, #tpu.memory_space<hbm>> -> memref<128xi32, #tpu.memory_space<hbm>>
        tpu.enqueue_dma source(%dma_start3A_85 : memref<128xi32, #tpu.memory_space<hbm>>) target(%arg13 : memref<128xi32, #tpu.memory_space<vmem>>) target_semaphore(%run_scoped3A : memref<!tpu.dma_semaphore, #tpu.memory_space<semaphore_mem>>)
        %dma_wait3A = tpu.memref_slice %arg7[%add3A_84] : memref<3203072xi32, #tpu.memory_space<hbm>> -> memref<128xi32, #tpu.memory_space<hbm>>
        %dma_wait3A_86 = tpu.memref_slice %arg7[%add3A_84] : memref<3203072xi32, #tpu.memory_space<hbm>> -> memref<128xi32, #tpu.memory_space<hbm>>
        tpu.wait_dma2 semaphore(%run_scoped3A : memref<!tpu.dma_semaphore, #tpu.memory_space<semaphore_mem>>) src(%dma_wait3A_86 : memref<128xi32, #tpu.memory_space<hbm>>) dst(%arg13 : memref<128xi32, #tpu.memory_space<vmem>>)
        tpu.yield
      }) : () -> ()
      "tpu.region"() ({
        %run_scoped3A = tpu.sem_alloc : memref<!tpu.dma_semaphore, #tpu.memory_space<semaphore_mem>>
        %dma_start3A = arith.constant 0 : i32
        %dma_start3A_85 = arith.constant 0 : i32
        %dma_start3A_86 = tpu.memref_slice %arg2[%dma_start3A, %dma_start3A_85] : memref<200000x16xf32, #tpu.memory_space<hbm>> -> memref<200000x16xf32, #tpu.memory_space<hbm>>
        tpu.enqueue_indirect_dma source(%dma_start3A_86 : memref<200000x16xf32, #tpu.memory_space<hbm>>) target(%arg15 : memref<128x16xf32, #tpu.memory_space<vmem>>) offsets(%arg13 : memref<128xi32, #tpu.memory_space<vmem>>) semaphore(%run_scoped3A : memref<!tpu.dma_semaphore, #tpu.memory_space<semaphore_mem>>)
        %dma_wait3A = arith.constant 0 : i32
        %dma_wait3A_87 = arith.constant 0 : i32
        %dma_wait3A_88 = tpu.memref_slice %arg2[%dma_wait3A, %dma_wait3A_87] : memref<200000x16xf32, #tpu.memory_space<hbm>> -> memref<200000x16xf32, #tpu.memory_space<hbm>>
        tpu.wait_indirect_dma semaphore(%run_scoped3A : memref<!tpu.dma_semaphore, #tpu.memory_space<semaphore_mem>>) src(%dma_wait3A_88 : memref<200000x16xf32, #tpu.memory_space<hbm>>) dst(%arg15 : memref<128x16xf32, #tpu.memory_space<vmem>>)
        tpu.yield
      }) : () -> ()
      "tpu.region"() ({
        %run_scoped3A = tpu.sem_alloc : memref<!tpu.dma_semaphore, #tpu.memory_space<semaphore_mem>>
        %dma_start3A = tpu.memref_slice %arg8[%mul3A_83] : memref<1601536xi32, #tpu.memory_space<hbm>> -> memref<128xi32, #tpu.memory_space<hbm>>
        %dma_start3A_85 = tpu.memref_slice %arg8[%mul3A_83] : memref<1601536xi32, #tpu.memory_space<hbm>> -> memref<128xi32, #tpu.memory_space<hbm>>
        tpu.enqueue_dma source(%dma_start3A_85 : memref<128xi32, #tpu.memory_space<hbm>>) target(%arg14 : memref<128xi32, #tpu.memory_space<vmem>>) target_semaphore(%run_scoped3A : memref<!tpu.dma_semaphore, #tpu.memory_space<semaphore_mem>>)
        %dma_wait3A = tpu.memref_slice %arg8[%mul3A_83] : memref<1601536xi32, #tpu.memory_space<hbm>> -> memref<128xi32, #tpu.memory_space<hbm>>
        %dma_wait3A_86 = tpu.memref_slice %arg8[%mul3A_83] : memref<1601536xi32, #tpu.memory_space<hbm>> -> memref<128xi32, #tpu.memory_space<hbm>>
        tpu.wait_dma2 semaphore(%run_scoped3A : memref<!tpu.dma_semaphore, #tpu.memory_space<semaphore_mem>>) src(%dma_wait3A_86 : memref<128xi32, #tpu.memory_space<hbm>>) dst(%arg14 : memref<128xi32, #tpu.memory_space<vmem>>)
        tpu.yield
      }) : () -> ()
      "tpu.region"() ({
        %run_scoped3A = tpu.sem_alloc : memref<!tpu.dma_semaphore, #tpu.memory_space<semaphore_mem>>
        %dma_start3A = arith.constant 0 : i32
        %dma_start3A_85 = arith.constant 0 : i32
        %dma_start3A_86 = tpu.memref_slice %arg12[%dma_start3A, %dma_start3A_85] : memref<100016x16xf32, #tpu.memory_space<vmem_shared>> -> memref<100016x16xf32, #tpu.memory_space<vmem_shared>>
        tpu.enqueue_indirect_dma source(%arg15 : memref<128x16xf32, #tpu.memory_space<vmem>>) target(%dma_start3A_86 : memref<100016x16xf32, #tpu.memory_space<vmem_shared>>) offsets(%arg14 : memref<128xi32, #tpu.memory_space<vmem>>) semaphore(%run_scoped3A : memref<!tpu.dma_semaphore, #tpu.memory_space<semaphore_mem>>) {add = true}
        %dma_wait3A = arith.constant 0 : i32
        %dma_wait3A_87 = arith.constant 0 : i32
        %dma_wait3A_88 = tpu.memref_slice %arg12[%dma_wait3A, %dma_wait3A_87] : memref<100016x16xf32, #tpu.memory_space<vmem_shared>> -> memref<100016x16xf32, #tpu.memory_space<vmem_shared>>
        tpu.wait_indirect_dma semaphore(%run_scoped3A : memref<!tpu.dma_semaphore, #tpu.memory_space<semaphore_mem>>) src(%arg15 : memref<128x16xf32, #tpu.memory_space<vmem>>) dst(%dma_wait3A_88 : memref<100016x16xf32, #tpu.memory_space<vmem_shared>>)
        tpu.yield
      }) : () -> ()
    }
    %scan3A_19 = arith.constant 782 : i32
    %barrier3A_20 = arith.constant 0 : index
    tpu.barrier barrier_id(%barrier3A_20)
    %scan3A_21 = arith.constant 0 : i32
    %scan3A_22 = arith.constant 40 : i32
    %scan3A_23 = arith.addi %scan3A_21, %scan3A_22 : i32
    %scan3A_24 = arith.constant 1 : i32
    scf.for %scan3A_75 = %scan3A_21 to %scan3A_23 step %scan3A_24  : i32 {
      %mul3A_76 = arith.constant 1 : i32
      %mul3A_77 = arith.muli %scan3A_75, %mul3A_76 : i32
      %add3A = arith.constant 0 : i32
      %add3A_78 = arith.addi %add3A, %mul3A_77 : i32
      %mul3A_79 = arith.constant 16 : i32
      %mul3A_80 = arith.muli %mul3A_79, %add3A_78 : i32
      %add3A_81 = arith.addi %arg1, %mul3A_80 : i32
      %lt3A = arith.constant 625 : i32
      %lt3A_82 = arith.cmpi slt, %add3A_81, %lt3A : i32
      %convert_element_type3A_83 = arith.extui %lt3A_82 : i1 to i32
      %cond3A_84 = arith.constant 0 : i32
      %cond3A_85 = arith.cmpi ne, %convert_element_type3A_83, %cond3A_84 : i32
      scf.if %cond3A_85 {
        %mul3A_86 = arith.constant 160 : i32
        %mul3A_87 = arith.muli %add3A_81, %mul3A_86 : i32
        "tpu.region"() ({
          %run_scoped3A = tpu.sem_alloc : memref<!tpu.dma_semaphore, #tpu.memory_space<semaphore_mem>>
          %dma_start3A = arith.constant 0 : i32
          %dma_start3A_95 = tpu.memref_slice %arg12[%mul3A_87, %dma_start3A] : memref<100016x16xf32, #tpu.memory_space<vmem_shared>> -> memref<160x16xf32, #tpu.memory_space<vmem_shared>>
          %dma_start3A_96 = arith.constant 0 : i32
          %dma_start3A_97 = tpu.memref_slice %arg12[%mul3A_87, %dma_start3A_96] : memref<100016x16xf32, #tpu.memory_space<vmem_shared>> -> memref<160x16xf32, #tpu.memory_space<vmem_shared>>
          tpu.enqueue_dma source(%dma_start3A_97 : memref<160x16xf32, #tpu.memory_space<vmem_shared>>) target(%arg16 : memref<160x16xf32, #tpu.memory_space<vmem>>) target_semaphore(%run_scoped3A : memref<!tpu.dma_semaphore, #tpu.memory_space<semaphore_mem>>)
          %dma_wait3A = arith.constant 0 : i32
          %dma_wait3A_98 = tpu.memref_slice %arg12[%mul3A_87, %dma_wait3A] : memref<100016x16xf32, #tpu.memory_space<vmem_shared>> -> memref<160x16xf32, #tpu.memory_space<vmem_shared>>
          %dma_wait3A_99 = arith.constant 0 : i32
          %dma_wait3A_100 = tpu.memref_slice %arg12[%mul3A_87, %dma_wait3A_99] : memref<100016x16xf32, #tpu.memory_space<vmem_shared>> -> memref<160x16xf32, #tpu.memory_space<vmem_shared>>
          tpu.wait_dma2 semaphore(%run_scoped3A : memref<!tpu.dma_semaphore, #tpu.memory_space<semaphore_mem>>) src(%dma_wait3A_100 : memref<160x16xf32, #tpu.memory_space<vmem_shared>>) dst(%arg16 : memref<160x16xf32, #tpu.memory_space<vmem>>)
          tpu.yield
        }) : () -> ()
        %add3A_88 = arith.addi %mul3A_0, %mul3A_87 : i32
        "tpu.region"() ({
          %run_scoped3A = tpu.sem_alloc : memref<!tpu.dma_semaphore, #tpu.memory_space<semaphore_mem>>
          %dma_start3A = arith.constant 0 : i32
          %dma_start3A_95 = tpu.memref_slice %arg3[%add3A_88, %dma_start3A] : memref<200000x16xf32, #tpu.memory_space<hbm>> -> memref<160x16xf32, #tpu.memory_space<hbm>>
          %dma_start3A_96 = arith.constant 0 : i32
          %dma_start3A_97 = tpu.memref_slice %arg3[%add3A_88, %dma_start3A_96] : memref<200000x16xf32, #tpu.memory_space<hbm>> -> memref<160x16xf32, #tpu.memory_space<hbm>>
          tpu.enqueue_dma source(%dma_start3A_97 : memref<160x16xf32, #tpu.memory_space<hbm>>) target(%arg17 : memref<160x16xf32, #tpu.memory_space<vmem>>) target_semaphore(%run_scoped3A : memref<!tpu.dma_semaphore, #tpu.memory_space<semaphore_mem>>)
          %dma_wait3A = arith.constant 0 : i32
          %dma_wait3A_98 = tpu.memref_slice %arg3[%add3A_88, %dma_wait3A] : memref<200000x16xf32, #tpu.memory_space<hbm>> -> memref<160x16xf32, #tpu.memory_space<hbm>>
          %dma_wait3A_99 = arith.constant 0 : i32
          %dma_wait3A_100 = tpu.memref_slice %arg3[%add3A_88, %dma_wait3A_99] : memref<200000x16xf32, #tpu.memory_space<hbm>> -> memref<160x16xf32, #tpu.memory_space<hbm>>
          tpu.wait_dma2 semaphore(%run_scoped3A : memref<!tpu.dma_semaphore, #tpu.memory_space<semaphore_mem>>) src(%dma_wait3A_100 : memref<160x16xf32, #tpu.memory_space<hbm>>) dst(%arg17 : memref<160x16xf32, #tpu.memory_space<vmem>>)
          tpu.yield
        }) : () -> ()
        "tpu.region"() ({
          %run_scoped3A = tpu.sem_alloc : memref<!tpu.dma_semaphore, #tpu.memory_space<semaphore_mem>>
          %dma_start3A = arith.constant 0 : i32
          %dma_start3A_95 = tpu.memref_slice %arg4[%mul3A_87, %dma_start3A] : memref<100000x16xf32, #tpu.memory_space<hbm>> -> memref<160x16xf32, #tpu.memory_space<hbm>>
          %dma_start3A_96 = arith.constant 0 : i32
          %dma_start3A_97 = tpu.memref_slice %arg4[%mul3A_87, %dma_start3A_96] : memref<100000x16xf32, #tpu.memory_space<hbm>> -> memref<160x16xf32, #tpu.memory_space<hbm>>
          tpu.enqueue_dma source(%dma_start3A_97 : memref<160x16xf32, #tpu.memory_space<hbm>>) target(%arg18 : memref<160x16xf32, #tpu.memory_space<vmem>>) target_semaphore(%run_scoped3A : memref<!tpu.dma_semaphore, #tpu.memory_space<semaphore_mem>>)
          %dma_wait3A = arith.constant 0 : i32
          %dma_wait3A_98 = tpu.memref_slice %arg4[%mul3A_87, %dma_wait3A] : memref<100000x16xf32, #tpu.memory_space<hbm>> -> memref<160x16xf32, #tpu.memory_space<hbm>>
          %dma_wait3A_99 = arith.constant 0 : i32
          %dma_wait3A_100 = tpu.memref_slice %arg4[%mul3A_87, %dma_wait3A_99] : memref<100000x16xf32, #tpu.memory_space<hbm>> -> memref<160x16xf32, #tpu.memory_space<hbm>>
          tpu.wait_dma2 semaphore(%run_scoped3A : memref<!tpu.dma_semaphore, #tpu.memory_space<semaphore_mem>>) src(%dma_wait3A_100 : memref<160x16xf32, #tpu.memory_space<hbm>>) dst(%arg18 : memref<160x16xf32, #tpu.memory_space<vmem>>)
          tpu.yield
        }) : () -> ()
        %scan3A_89 = arith.constant 0 : i32
        %scan3A_90 = arith.constant 160 : i32
        %scan3A_91 = arith.addi %scan3A_89, %scan3A_90 : i32
        %scan3A_92 = arith.constant 1 : i32
        scf.for %scan3A_95 = %scan3A_89 to %scan3A_91 step %scan3A_92  : i32 {
          %mul3A_96 = arith.constant 1 : i32
          %mul3A_97 = arith.muli %scan3A_95, %mul3A_96 : i32
          %add3A_98 = arith.constant 0 : i32
          %add3A_99 = arith.addi %add3A_98, %mul3A_97 : i32
          %get3A = arith.index_cast %add3A_99 : i32 to index
          %get3A_100 = arith.constant 0 : index
          %get3A_101 = tpu.vector_load %arg17[%get3A, %get3A_100] {strides = array<i32>} : memref<160x16xf32, #tpu.memory_space<vmem>>, vector<1x16xf32>,
          %get3A_102 = vector.shape_cast %get3A_101 : vector<1x16xf32> to vector<16xf32>
          %get3A_103 = arith.index_cast %add3A_99 : i32 to index
          %get3A_104 = arith.constant 0 : index
          %get3A_105 = tpu.vector_load %arg18[%get3A_103, %get3A_104] {strides = array<i32>} : memref<160x16xf32, #tpu.memory_space<vmem>>, vector<1x16xf32>,
          %get3A_106 = vector.shape_cast %get3A_105 : vector<1x16xf32> to vector<16xf32>
          %get3A_107 = arith.index_cast %add3A_99 : i32 to index
          %get3A_108 = arith.constant 0 : index
          %get3A_109 = tpu.vector_load %arg16[%get3A_107, %get3A_108] {strides = array<i32>} : memref<160x16xf32, #tpu.memory_space<vmem>>, vector<1x16xf32>,
          %get3A_110 = vector.shape_cast %get3A_109 : vector<1x16xf32> to vector<16xf32>
          %mul3A_111 = arith.mulf %get3A_106, %get3A_110 : vector<16xf32>
          %add3A_112 = arith.addf %get3A_102, %mul3A_111 : vector<16xf32>
          %swap3A = arith.index_cast %add3A_99 : i32 to index
          %swap3A_113 = arith.constant 0 : index
          %swap3A_114 = tpu.vector_load %arg17[%swap3A, %swap3A_113] {strides = array<i32>} : memref<160x16xf32, #tpu.memory_space<vmem>>, vector<1x16xf32>,
          %swap3A_115 = vector.shape_cast %swap3A_114 : vector<1x16xf32> to vector<16xf32>
          %swap3A_116 = vector.shape_cast %add3A_112 : vector<16xf32> to vector<1x16xf32>
          tpu.vector_store %arg17[%swap3A, %swap3A_113], %swap3A_116 {strides = array<i32>} : memref<160x16xf32, #tpu.memory_space<vmem>>, vector<1x16xf32>,
        }
        %scan3A_93 = arith.constant 160 : i32
        %add3A_94 = arith.addi %mul3A_0, %mul3A_87 : i32
        "tpu.region"() ({
          %run_scoped3A = tpu.sem_alloc : memref<!tpu.dma_semaphore, #tpu.memory_space<semaphore_mem>>
          %dma_start3A = arith.constant 0 : i32
          %dma_start3A_95 = tpu.memref_slice %arg10[%add3A_94, %dma_start3A] : memref<200000x16xf32, #tpu.memory_space<hbm>> -> memref<160x16xf32, #tpu.memory_space<hbm>>
          %dma_start3A_96 = arith.constant 0 : i32
          %dma_start3A_97 = tpu.memref_slice %arg10[%add3A_94, %dma_start3A_96] : memref<200000x16xf32, #tpu.memory_space<hbm>> -> memref<160x16xf32, #tpu.memory_space<hbm>>
          tpu.enqueue_dma source(%arg17 : memref<160x16xf32, #tpu.memory_space<vmem>>) target(%dma_start3A_97 : memref<160x16xf32, #tpu.memory_space<hbm>>) target_semaphore(%run_scoped3A : memref<!tpu.dma_semaphore, #tpu.memory_space<semaphore_mem>>)
          %dma_wait3A = arith.constant 0 : i32
          %dma_wait3A_98 = tpu.memref_slice %arg10[%add3A_94, %dma_wait3A] : memref<200000x16xf32, #tpu.memory_space<hbm>> -> memref<160x16xf32, #tpu.memory_space<hbm>>
          %dma_wait3A_99 = arith.constant 0 : i32
          %dma_wait3A_100 = tpu.memref_slice %arg10[%add3A_94, %dma_wait3A_99] : memref<200000x16xf32, #tpu.memory_space<hbm>> -> memref<160x16xf32, #tpu.memory_space<hbm>>
          tpu.wait_dma2 semaphore(%run_scoped3A : memref<!tpu.dma_semaphore, #tpu.memory_space<semaphore_mem>>) src(%arg17 : memref<160x16xf32, #tpu.memory_space<vmem>>) dst(%dma_wait3A_100 : memref<160x16xf32, #tpu.memory_space<hbm>>)
          tpu.yield
        }) : () -> ()
        "tpu.region"() ({
          %run_scoped3A = tpu.sem_alloc : memref<!tpu.dma_semaphore, #tpu.memory_space<semaphore_mem>>
          %dma_start3A = arith.constant 0 : i32
          %dma_start3A_95 = tpu.memref_slice %arg12[%mul3A_87, %dma_start3A] : memref<100016x16xf32, #tpu.memory_space<vmem_shared>> -> memref<160x16xf32, #tpu.memory_space<vmem_shared>>
          %dma_start3A_96 = arith.constant 0 : i32
          %dma_start3A_97 = tpu.memref_slice %arg12[%mul3A_87, %dma_start3A_96] : memref<100016x16xf32, #tpu.memory_space<vmem_shared>> -> memref<160x16xf32, #tpu.memory_space<vmem_shared>>
          tpu.enqueue_dma source(%arg19 : memref<160x16xf32, #tpu.memory_space<vmem>>) target(%dma_start3A_97 : memref<160x16xf32, #tpu.memory_space<vmem_shared>>) target_semaphore(%run_scoped3A : memref<!tpu.dma_semaphore, #tpu.memory_space<semaphore_mem>>)
          %dma_wait3A = arith.constant 0 : i32
          %dma_wait3A_98 = tpu.memref_slice %arg12[%mul3A_87, %dma_wait3A] : memref<100016x16xf32, #tpu.memory_space<vmem_shared>> -> memref<160x16xf32, #tpu.memory_space<vmem_shared>>
          %dma_wait3A_99 = arith.constant 0 : i32
          %dma_wait3A_100 = tpu.memref_slice %arg12[%mul3A_87, %dma_wait3A_99] : memref<100016x16xf32, #tpu.memory_space<vmem_shared>> -> memref<160x16xf32, #tpu.memory_space<vmem_shared>>
          tpu.wait_dma2 semaphore(%run_scoped3A : memref<!tpu.dma_semaphore, #tpu.memory_space<semaphore_mem>>) src(%arg19 : memref<160x16xf32, #tpu.memory_space<vmem>>) dst(%dma_wait3A_100 : memref<160x16xf32, #tpu.memory_space<vmem_shared>>)
          tpu.yield
        }) : () -> ()
      } else {
      }
    }
    %scan3A_25 = arith.constant 40 : i32
    %barrier3A_26 = arith.constant 0 : index
    tpu.barrier barrier_id(%barrier3A_26)
    %scan3A_27 = arith.constant 0 : i32
    %scan3A_28 = arith.constant 782 : i32
    %scan3A_29 = arith.addi %scan3A_27, %scan3A_28 : i32
    %scan3A_30 = arith.constant 1 : i32
    scf.for %scan3A_75 = %scan3A_27 to %scan3A_29 step %scan3A_30  : i32 {
      %mul3A_76 = arith.constant 1 : i32
      %mul3A_77 = arith.muli %scan3A_75, %mul3A_76 : i32
      %add3A = arith.constant 0 : i32
      %add3A_78 = arith.addi %add3A, %mul3A_77 : i32
      %mul3A_79 = arith.constant 782 : i32
      %mul3A_80 = arith.muli %arg1, %mul3A_79 : i32
      %add3A_81 = arith.addi %mul3A_80, %add3A_78 : i32
      %mul3A_82 = arith.constant 128 : i32
      %mul3A_83 = arith.muli %add3A_81, %mul3A_82 : i32
      %add3A_84 = arith.addi %mul3A_2, %mul3A_83 : i32
      "tpu.region"() ({
        %run_scoped3A = tpu.sem_alloc : memref<!tpu.dma_semaphore, #tpu.memory_space<semaphore_mem>>
        %dma_start3A = tpu.memref_slice %arg7[%add3A_84] : memref<3203072xi32, #tpu.memory_space<hbm>> -> memref<128xi32, #tpu.memory_space<hbm>>
        %dma_start3A_85 = tpu.memref_slice %arg7[%add3A_84] : memref<3203072xi32, #tpu.memory_space<hbm>> -> memref<128xi32, #tpu.memory_space<hbm>>
        tpu.enqueue_dma source(%dma_start3A_85 : memref<128xi32, #tpu.memory_space<hbm>>) target(%arg13 : memref<128xi32, #tpu.memory_space<vmem>>) target_semaphore(%run_scoped3A : memref<!tpu.dma_semaphore, #tpu.memory_space<semaphore_mem>>)
        %dma_wait3A = tpu.memref_slice %arg7[%add3A_84] : memref<3203072xi32, #tpu.memory_space<hbm>> -> memref<128xi32, #tpu.memory_space<hbm>>
        %dma_wait3A_86 = tpu.memref_slice %arg7[%add3A_84] : memref<3203072xi32, #tpu.memory_space<hbm>> -> memref<128xi32, #tpu.memory_space<hbm>>
        tpu.wait_dma2 semaphore(%run_scoped3A : memref<!tpu.dma_semaphore, #tpu.memory_space<semaphore_mem>>) src(%dma_wait3A_86 : memref<128xi32, #tpu.memory_space<hbm>>) dst(%arg13 : memref<128xi32, #tpu.memory_space<vmem>>)
        tpu.yield
      }) : () -> ()
      "tpu.region"() ({
        %run_scoped3A = tpu.sem_alloc : memref<!tpu.dma_semaphore, #tpu.memory_space<semaphore_mem>>
        %dma_start3A = arith.constant 0 : i32
        %dma_start3A_85 = arith.constant 0 : i32
        %dma_start3A_86 = tpu.memref_slice %arg10[%dma_start3A, %dma_start3A_85] : memref<200000x16xf32, #tpu.memory_space<hbm>> -> memref<200000x16xf32, #tpu.memory_space<hbm>>
        tpu.enqueue_indirect_dma source(%dma_start3A_86 : memref<200000x16xf32, #tpu.memory_space<hbm>>) target(%arg15 : memref<128x16xf32, #tpu.memory_space<vmem>>) offsets(%arg13 : memref<128xi32, #tpu.memory_space<vmem>>) semaphore(%run_scoped3A : memref<!tpu.dma_semaphore, #tpu.memory_space<semaphore_mem>>)
        %dma_wait3A = arith.constant 0 : i32
        %dma_wait3A_87 = arith.constant 0 : i32
        %dma_wait3A_88 = tpu.memref_slice %arg10[%dma_wait3A, %dma_wait3A_87] : memref<200000x16xf32, #tpu.memory_space<hbm>> -> memref<200000x16xf32, #tpu.memory_space<hbm>>
        tpu.wait_indirect_dma semaphore(%run_scoped3A : memref<!tpu.dma_semaphore, #tpu.memory_space<semaphore_mem>>) src(%dma_wait3A_88 : memref<200000x16xf32, #tpu.memory_space<hbm>>) dst(%arg15 : memref<128x16xf32, #tpu.memory_space<vmem>>)
        tpu.yield
      }) : () -> ()
      "tpu.region"() ({
        %run_scoped3A = tpu.sem_alloc : memref<!tpu.dma_semaphore, #tpu.memory_space<semaphore_mem>>
        %dma_start3A = tpu.memref_slice %arg8[%mul3A_83] : memref<1601536xi32, #tpu.memory_space<hbm>> -> memref<128xi32, #tpu.memory_space<hbm>>
        %dma_start3A_85 = tpu.memref_slice %arg8[%mul3A_83] : memref<1601536xi32, #tpu.memory_space<hbm>> -> memref<128xi32, #tpu.memory_space<hbm>>
        tpu.enqueue_dma source(%dma_start3A_85 : memref<128xi32, #tpu.memory_space<hbm>>) target(%arg14 : memref<128xi32, #tpu.memory_space<vmem>>) target_semaphore(%run_scoped3A : memref<!tpu.dma_semaphore, #tpu.memory_space<semaphore_mem>>)
        %dma_wait3A = tpu.memref_slice %arg8[%mul3A_83] : memref<1601536xi32, #tpu.memory_space<hbm>> -> memref<128xi32, #tpu.memory_space<hbm>>
        %dma_wait3A_86 = tpu.memref_slice %arg8[%mul3A_83] : memref<1601536xi32, #tpu.memory_space<hbm>> -> memref<128xi32, #tpu.memory_space<hbm>>
        tpu.wait_dma2 semaphore(%run_scoped3A : memref<!tpu.dma_semaphore, #tpu.memory_space<semaphore_mem>>) src(%dma_wait3A_86 : memref<128xi32, #tpu.memory_space<hbm>>) dst(%arg14 : memref<128xi32, #tpu.memory_space<vmem>>)
        tpu.yield
      }) : () -> ()
      "tpu.region"() ({
        %run_scoped3A = tpu.sem_alloc : memref<!tpu.dma_semaphore, #tpu.memory_space<semaphore_mem>>
        %dma_start3A = arith.constant 0 : i32
        %dma_start3A_85 = arith.constant 0 : i32
        %dma_start3A_86 = tpu.memref_slice %arg12[%dma_start3A, %dma_start3A_85] : memref<100016x16xf32, #tpu.memory_space<vmem_shared>> -> memref<100016x16xf32, #tpu.memory_space<vmem_shared>>
        tpu.enqueue_indirect_dma source(%arg15 : memref<128x16xf32, #tpu.memory_space<vmem>>) target(%dma_start3A_86 : memref<100016x16xf32, #tpu.memory_space<vmem_shared>>) offsets(%arg14 : memref<128xi32, #tpu.memory_space<vmem>>) semaphore(%run_scoped3A : memref<!tpu.dma_semaphore, #tpu.memory_space<semaphore_mem>>) {add = true}
        %dma_wait3A = arith.constant 0 : i32
        %dma_wait3A_87 = arith.constant 0 : i32
        %dma_wait3A_88 = tpu.memref_slice %arg12[%dma_wait3A, %dma_wait3A_87] : memref<100016x16xf32, #tpu.memory_space<vmem_shared>> -> memref<100016x16xf32, #tpu.memory_space<vmem_shared>>
        tpu.wait_indirect_dma semaphore(%run_scoped3A : memref<!tpu.dma_semaphore, #tpu.memory_space<semaphore_mem>>) src(%arg15 : memref<128x16xf32, #tpu.memory_space<vmem>>) dst(%dma_wait3A_88 : memref<100016x16xf32, #tpu.memory_space<vmem_shared>>)
        tpu.yield
      }) : () -> ()
    }
    %scan3A_31 = arith.constant 782 : i32
    %barrier3A_32 = arith.constant 0 : index
    tpu.barrier barrier_id(%barrier3A_32)
    %scan3A_33 = arith.constant 0 : i32
    %scan3A_34 = arith.constant 40 : i32
    %scan3A_35 = arith.addi %scan3A_33, %scan3A_34 : i32
    %scan3A_36 = arith.constant 1 : i32
    scf.for %scan3A_75 = %scan3A_33 to %scan3A_35 step %scan3A_36  : i32 {
      %mul3A_76 = arith.constant 1 : i32
      %mul3A_77 = arith.muli %scan3A_75, %mul3A_76 : i32
      %add3A = arith.constant 0 : i32
      %add3A_78 = arith.addi %add3A, %mul3A_77 : i32
      %mul3A_79 = arith.constant 16 : i32
      %mul3A_80 = arith.muli %mul3A_79, %add3A_78 : i32
      %add3A_81 = arith.addi %arg1, %mul3A_80 : i32
      %lt3A = arith.constant 625 : i32
      %lt3A_82 = arith.cmpi slt, %add3A_81, %lt3A : i32
      %convert_element_type3A_83 = arith.extui %lt3A_82 : i1 to i32
      %cond3A_84 = arith.constant 0 : i32
      %cond3A_85 = arith.cmpi ne, %convert_element_type3A_83, %cond3A_84 : i32
      scf.if %cond3A_85 {
        %mul3A_86 = arith.constant 160 : i32
        %mul3A_87 = arith.muli %add3A_81, %mul3A_86 : i32
        "tpu.region"() ({
          %run_scoped3A = tpu.sem_alloc : memref<!tpu.dma_semaphore, #tpu.memory_space<semaphore_mem>>
          %dma_start3A = arith.constant 0 : i32
          %dma_start3A_95 = tpu.memref_slice %arg12[%mul3A_87, %dma_start3A] : memref<100016x16xf32, #tpu.memory_space<vmem_shared>> -> memref<160x16xf32, #tpu.memory_space<vmem_shared>>
          %dma_start3A_96 = arith.constant 0 : i32
          %dma_start3A_97 = tpu.memref_slice %arg12[%mul3A_87, %dma_start3A_96] : memref<100016x16xf32, #tpu.memory_space<vmem_shared>> -> memref<160x16xf32, #tpu.memory_space<vmem_shared>>
          tpu.enqueue_dma source(%dma_start3A_97 : memref<160x16xf32, #tpu.memory_space<vmem_shared>>) target(%arg16 : memref<160x16xf32, #tpu.memory_space<vmem>>) target_semaphore(%run_scoped3A : memref<!tpu.dma_semaphore, #tpu.memory_space<semaphore_mem>>)
          %dma_wait3A = arith.constant 0 : i32
          %dma_wait3A_98 = tpu.memref_slice %arg12[%mul3A_87, %dma_wait3A] : memref<100016x16xf32, #tpu.memory_space<vmem_shared>> -> memref<160x16xf32, #tpu.memory_space<vmem_shared>>
          %dma_wait3A_99 = arith.constant 0 : i32
          %dma_wait3A_100 = tpu.memref_slice %arg12[%mul3A_87, %dma_wait3A_99] : memref<100016x16xf32, #tpu.memory_space<vmem_shared>> -> memref<160x16xf32, #tpu.memory_space<vmem_shared>>
          tpu.wait_dma2 semaphore(%run_scoped3A : memref<!tpu.dma_semaphore, #tpu.memory_space<semaphore_mem>>) src(%dma_wait3A_100 : memref<160x16xf32, #tpu.memory_space<vmem_shared>>) dst(%arg16 : memref<160x16xf32, #tpu.memory_space<vmem>>)
          tpu.yield
        }) : () -> ()
        %add3A_88 = arith.addi %mul3A_0, %mul3A_87 : i32
        "tpu.region"() ({
          %run_scoped3A = tpu.sem_alloc : memref<!tpu.dma_semaphore, #tpu.memory_space<semaphore_mem>>
          %dma_start3A = arith.constant 0 : i32
          %dma_start3A_95 = tpu.memref_slice %arg3[%add3A_88, %dma_start3A] : memref<200000x16xf32, #tpu.memory_space<hbm>> -> memref<160x16xf32, #tpu.memory_space<hbm>>
          %dma_start3A_96 = arith.constant 0 : i32
          %dma_start3A_97 = tpu.memref_slice %arg3[%add3A_88, %dma_start3A_96] : memref<200000x16xf32, #tpu.memory_space<hbm>> -> memref<160x16xf32, #tpu.memory_space<hbm>>
          tpu.enqueue_dma source(%dma_start3A_97 : memref<160x16xf32, #tpu.memory_space<hbm>>) target(%arg17 : memref<160x16xf32, #tpu.memory_space<vmem>>) target_semaphore(%run_scoped3A : memref<!tpu.dma_semaphore, #tpu.memory_space<semaphore_mem>>)
          %dma_wait3A = arith.constant 0 : i32
          %dma_wait3A_98 = tpu.memref_slice %arg3[%add3A_88, %dma_wait3A] : memref<200000x16xf32, #tpu.memory_space<hbm>> -> memref<160x16xf32, #tpu.memory_space<hbm>>
          %dma_wait3A_99 = arith.constant 0 : i32
          %dma_wait3A_100 = tpu.memref_slice %arg3[%add3A_88, %dma_wait3A_99] : memref<200000x16xf32, #tpu.memory_space<hbm>> -> memref<160x16xf32, #tpu.memory_space<hbm>>
          tpu.wait_dma2 semaphore(%run_scoped3A : memref<!tpu.dma_semaphore, #tpu.memory_space<semaphore_mem>>) src(%dma_wait3A_100 : memref<160x16xf32, #tpu.memory_space<hbm>>) dst(%arg17 : memref<160x16xf32, #tpu.memory_space<vmem>>)
          tpu.yield
        }) : () -> ()
        "tpu.region"() ({
          %run_scoped3A = tpu.sem_alloc : memref<!tpu.dma_semaphore, #tpu.memory_space<semaphore_mem>>
          %dma_start3A = arith.constant 0 : i32
          %dma_start3A_95 = tpu.memref_slice %arg4[%mul3A_87, %dma_start3A] : memref<100000x16xf32, #tpu.memory_space<hbm>> -> memref<160x16xf32, #tpu.memory_space<hbm>>
          %dma_start3A_96 = arith.constant 0 : i32
          %dma_start3A_97 = tpu.memref_slice %arg4[%mul3A_87, %dma_start3A_96] : memref<100000x16xf32, #tpu.memory_space<hbm>> -> memref<160x16xf32, #tpu.memory_space<hbm>>
          tpu.enqueue_dma source(%dma_start3A_97 : memref<160x16xf32, #tpu.memory_space<hbm>>) target(%arg18 : memref<160x16xf32, #tpu.memory_space<vmem>>) target_semaphore(%run_scoped3A : memref<!tpu.dma_semaphore, #tpu.memory_space<semaphore_mem>>)
          %dma_wait3A = arith.constant 0 : i32
          %dma_wait3A_98 = tpu.memref_slice %arg4[%mul3A_87, %dma_wait3A] : memref<100000x16xf32, #tpu.memory_space<hbm>> -> memref<160x16xf32, #tpu.memory_space<hbm>>
          %dma_wait3A_99 = arith.constant 0 : i32
          %dma_wait3A_100 = tpu.memref_slice %arg4[%mul3A_87, %dma_wait3A_99] : memref<100000x16xf32, #tpu.memory_space<hbm>> -> memref<160x16xf32, #tpu.memory_space<hbm>>
          tpu.wait_dma2 semaphore(%run_scoped3A : memref<!tpu.dma_semaphore, #tpu.memory_space<semaphore_mem>>) src(%dma_wait3A_100 : memref<160x16xf32, #tpu.memory_space<hbm>>) dst(%arg18 : memref<160x16xf32, #tpu.memory_space<vmem>>)
          tpu.yield
        }) : () -> ()
        %scan3A_89 = arith.constant 0 : i32
        %scan3A_90 = arith.constant 160 : i32
        %scan3A_91 = arith.addi %scan3A_89, %scan3A_90 : i32
        %scan3A_92 = arith.constant 1 : i32
        scf.for %scan3A_95 = %scan3A_89 to %scan3A_91 step %scan3A_92  : i32 {
          %mul3A_96 = arith.constant 1 : i32
          %mul3A_97 = arith.muli %scan3A_95, %mul3A_96 : i32
          %add3A_98 = arith.constant 0 : i32
          %add3A_99 = arith.addi %add3A_98, %mul3A_97 : i32
          %get3A = arith.index_cast %add3A_99 : i32 to index
          %get3A_100 = arith.constant 0 : index
          %get3A_101 = tpu.vector_load %arg17[%get3A, %get3A_100] {strides = array<i32>} : memref<160x16xf32, #tpu.memory_space<vmem>>, vector<1x16xf32>,
          %get3A_102 = vector.shape_cast %get3A_101 : vector<1x16xf32> to vector<16xf32>
          %get3A_103 = arith.index_cast %add3A_99 : i32 to index
          %get3A_104 = arith.constant 0 : index
          %get3A_105 = tpu.vector_load %arg18[%get3A_103, %get3A_104] {strides = array<i32>} : memref<160x16xf32, #tpu.memory_space<vmem>>, vector<1x16xf32>,
          %get3A_106 = vector.shape_cast %get3A_105 : vector<1x16xf32> to vector<16xf32>
          %get3A_107 = arith.index_cast %add3A_99 : i32 to index
          %get3A_108 = arith.constant 0 : index
          %get3A_109 = tpu.vector_load %arg16[%get3A_107, %get3A_108] {strides = array<i32>} : memref<160x16xf32, #tpu.memory_space<vmem>>, vector<1x16xf32>,
          %get3A_110 = vector.shape_cast %get3A_109 : vector<1x16xf32> to vector<16xf32>
          %mul3A_111 = arith.mulf %get3A_106, %get3A_110 : vector<16xf32>
          %add3A_112 = arith.addf %get3A_102, %mul3A_111 : vector<16xf32>
          %swap3A = arith.index_cast %add3A_99 : i32 to index
          %swap3A_113 = arith.constant 0 : index
          %swap3A_114 = tpu.vector_load %arg17[%swap3A, %swap3A_113] {strides = array<i32>} : memref<160x16xf32, #tpu.memory_space<vmem>>, vector<1x16xf32>,
          %swap3A_115 = vector.shape_cast %swap3A_114 : vector<1x16xf32> to vector<16xf32>
          %swap3A_116 = vector.shape_cast %add3A_112 : vector<16xf32> to vector<1x16xf32>
          tpu.vector_store %arg17[%swap3A, %swap3A_113], %swap3A_116 {strides = array<i32>} : memref<160x16xf32, #tpu.memory_space<vmem>>, vector<1x16xf32>,
        }
        %scan3A_93 = arith.constant 160 : i32
        %add3A_94 = arith.addi %mul3A_0, %mul3A_87 : i32
        "tpu.region"() ({
          %run_scoped3A = tpu.sem_alloc : memref<!tpu.dma_semaphore, #tpu.memory_space<semaphore_mem>>
          %dma_start3A = arith.constant 0 : i32
          %dma_start3A_95 = tpu.memref_slice %arg11[%add3A_94, %dma_start3A] : memref<200000x16xf32, #tpu.memory_space<hbm>> -> memref<160x16xf32, #tpu.memory_space<hbm>>
          %dma_start3A_96 = arith.constant 0 : i32
          %dma_start3A_97 = tpu.memref_slice %arg11[%add3A_94, %dma_start3A_96] : memref<200000x16xf32, #tpu.memory_space<hbm>> -> memref<160x16xf32, #tpu.memory_space<hbm>>
          tpu.enqueue_dma source(%arg17 : memref<160x16xf32, #tpu.memory_space<vmem>>) target(%dma_start3A_97 : memref<160x16xf32, #tpu.memory_space<hbm>>) target_semaphore(%run_scoped3A : memref<!tpu.dma_semaphore, #tpu.memory_space<semaphore_mem>>)
          %dma_wait3A = arith.constant 0 : i32
          %dma_wait3A_98 = tpu.memref_slice %arg11[%add3A_94, %dma_wait3A] : memref<200000x16xf32, #tpu.memory_space<hbm>> -> memref<160x16xf32, #tpu.memory_space<hbm>>
          %dma_wait3A_99 = arith.constant 0 : i32
          %dma_wait3A_100 = tpu.memref_slice %arg11[%add3A_94, %dma_wait3A_99] : memref<200000x16xf32, #tpu.memory_space<hbm>> -> memref<160x16xf32, #tpu.memory_space<hbm>>
          tpu.wait_dma2 semaphore(%run_scoped3A : memref<!tpu.dma_semaphore, #tpu.memory_space<semaphore_mem>>) src(%arg17 : memref<160x16xf32, #tpu.memory_space<vmem>>) dst(%dma_wait3A_100 : memref<160x16xf32, #tpu.memory_space<hbm>>)
          tpu.yield
        }) : () -> ()
        "tpu.region"() ({
          %run_scoped3A = tpu.sem_alloc : memref<!tpu.dma_semaphore, #tpu.memory_space<semaphore_mem>>
          %dma_start3A = arith.constant 0 : i32
          %dma_start3A_95 = tpu.memref_slice %arg12[%mul3A_87, %dma_start3A] : memref<100016x16xf32, #tpu.memory_space<vmem_shared>> -> memref<160x16xf32, #tpu.memory_space<vmem_shared>>
          %dma_start3A_96 = arith.constant 0 : i32
          %dma_start3A_97 = tpu.memref_slice %arg12[%mul3A_87, %dma_start3A_96] : memref<100016x16xf32, #tpu.memory_space<vmem_shared>> -> memref<160x16xf32, #tpu.memory_space<vmem_shared>>
          tpu.enqueue_dma source(%arg19 : memref<160x16xf32, #tpu.memory_space<vmem>>) target(%dma_start3A_97 : memref<160x16xf32, #tpu.memory_space<vmem_shared>>) target_semaphore(%run_scoped3A : memref<!tpu.dma_semaphore, #tpu.memory_space<semaphore_mem>>)
          %dma_wait3A = arith.constant 0 : i32
          %dma_wait3A_98 = tpu.memref_slice %arg12[%mul3A_87, %dma_wait3A] : memref<100016x16xf32, #tpu.memory_space<vmem_shared>> -> memref<160x16xf32, #tpu.memory_space<vmem_shared>>
          %dma_wait3A_99 = arith.constant 0 : i32
          %dma_wait3A_100 = tpu.memref_slice %arg12[%mul3A_87, %dma_wait3A_99] : memref<100016x16xf32, #tpu.memory_space<vmem_shared>> -> memref<160x16xf32, #tpu.memory_space<vmem_shared>>
          tpu.wait_dma2 semaphore(%run_scoped3A : memref<!tpu.dma_semaphore, #tpu.memory_space<semaphore_mem>>) src(%arg19 : memref<160x16xf32, #tpu.memory_space<vmem>>) dst(%dma_wait3A_100 : memref<160x16xf32, #tpu.memory_space<vmem_shared>>)
          tpu.yield
        }) : () -> ()
      } else {
      }
    }
    %scan3A_37 = arith.constant 40 : i32
    %barrier3A_38 = arith.constant 0 : index
    tpu.barrier barrier_id(%barrier3A_38)
    %scan3A_39 = arith.constant 0 : i32
    %scan3A_40 = arith.constant 782 : i32
    %scan3A_41 = arith.addi %scan3A_39, %scan3A_40 : i32
    %scan3A_42 = arith.constant 1 : i32
    scf.for %scan3A_75 = %scan3A_39 to %scan3A_41 step %scan3A_42  : i32 {
      %mul3A_76 = arith.constant 1 : i32
      %mul3A_77 = arith.muli %scan3A_75, %mul3A_76 : i32
      %add3A = arith.constant 0 : i32
      %add3A_78 = arith.addi %add3A, %mul3A_77 : i32
      %mul3A_79 = arith.constant 782 : i32
      %mul3A_80 = arith.muli %arg1, %mul3A_79 : i32
      %add3A_81 = arith.addi %mul3A_80, %add3A_78 : i32
      %mul3A_82 = arith.constant 128 : i32
      %mul3A_83 = arith.muli %add3A_81, %mul3A_82 : i32
      %add3A_84 = arith.addi %mul3A_2, %mul3A_83 : i32
      "tpu.region"() ({
        %run_scoped3A = tpu.sem_alloc : memref<!tpu.dma_semaphore, #tpu.memory_space<semaphore_mem>>
        %dma_start3A = tpu.memref_slice %arg7[%add3A_84] : memref<3203072xi32, #tpu.memory_space<hbm>> -> memref<128xi32, #tpu.memory_space<hbm>>
        %dma_start3A_85 = tpu.memref_slice %arg7[%add3A_84] : memref<3203072xi32, #tpu.memory_space<hbm>> -> memref<128xi32, #tpu.memory_space<hbm>>
        tpu.enqueue_dma source(%dma_start3A_85 : memref<128xi32, #tpu.memory_space<hbm>>) target(%arg13 : memref<128xi32, #tpu.memory_space<vmem>>) target_semaphore(%run_scoped3A : memref<!tpu.dma_semaphore, #tpu.memory_space<semaphore_mem>>)
        %dma_wait3A = tpu.memref_slice %arg7[%add3A_84] : memref<3203072xi32, #tpu.memory_space<hbm>> -> memref<128xi32, #tpu.memory_space<hbm>>
        %dma_wait3A_86 = tpu.memref_slice %arg7[%add3A_84] : memref<3203072xi32, #tpu.memory_space<hbm>> -> memref<128xi32, #tpu.memory_space<hbm>>
        tpu.wait_dma2 semaphore(%run_scoped3A : memref<!tpu.dma_semaphore, #tpu.memory_space<semaphore_mem>>) src(%dma_wait3A_86 : memref<128xi32, #tpu.memory_space<hbm>>) dst(%arg13 : memref<128xi32, #tpu.memory_space<vmem>>)
        tpu.yield
      }) : () -> ()
      "tpu.region"() ({
        %run_scoped3A = tpu.sem_alloc : memref<!tpu.dma_semaphore, #tpu.memory_space<semaphore_mem>>
        %dma_start3A = arith.constant 0 : i32
        %dma_start3A_85 = arith.constant 0 : i32
        %dma_start3A_86 = tpu.memref_slice %arg11[%dma_start3A, %dma_start3A_85] : memref<200000x16xf32, #tpu.memory_space<hbm>> -> memref<200000x16xf32, #tpu.memory_space<hbm>>
        tpu.enqueue_indirect_dma source(%dma_start3A_86 : memref<200000x16xf32, #tpu.memory_space<hbm>>) target(%arg15 : memref<128x16xf32, #tpu.memory_space<vmem>>) offsets(%arg13 : memref<128xi32, #tpu.memory_space<vmem>>) semaphore(%run_scoped3A : memref<!tpu.dma_semaphore, #tpu.memory_space<semaphore_mem>>)
        %dma_wait3A = arith.constant 0 : i32
        %dma_wait3A_87 = arith.constant 0 : i32
        %dma_wait3A_88 = tpu.memref_slice %arg11[%dma_wait3A, %dma_wait3A_87] : memref<200000x16xf32, #tpu.memory_space<hbm>> -> memref<200000x16xf32, #tpu.memory_space<hbm>>
        tpu.wait_indirect_dma semaphore(%run_scoped3A : memref<!tpu.dma_semaphore, #tpu.memory_space<semaphore_mem>>) src(%dma_wait3A_88 : memref<200000x16xf32, #tpu.memory_space<hbm>>) dst(%arg15 : memref<128x16xf32, #tpu.memory_space<vmem>>)
        tpu.yield
      }) : () -> ()
      "tpu.region"() ({
        %run_scoped3A = tpu.sem_alloc : memref<!tpu.dma_semaphore, #tpu.memory_space<semaphore_mem>>
        %dma_start3A = tpu.memref_slice %arg8[%mul3A_83] : memref<1601536xi32, #tpu.memory_space<hbm>> -> memref<128xi32, #tpu.memory_space<hbm>>
        %dma_start3A_85 = tpu.memref_slice %arg8[%mul3A_83] : memref<1601536xi32, #tpu.memory_space<hbm>> -> memref<128xi32, #tpu.memory_space<hbm>>
        tpu.enqueue_dma source(%dma_start3A_85 : memref<128xi32, #tpu.memory_space<hbm>>) target(%arg14 : memref<128xi32, #tpu.memory_space<vmem>>) target_semaphore(%run_scoped3A : memref<!tpu.dma_semaphore, #tpu.memory_space<semaphore_mem>>)
        %dma_wait3A = tpu.memref_slice %arg8[%mul3A_83] : memref<1601536xi32, #tpu.memory_space<hbm>> -> memref<128xi32, #tpu.memory_space<hbm>>
        %dma_wait3A_86 = tpu.memref_slice %arg8[%mul3A_83] : memref<1601536xi32, #tpu.memory_space<hbm>> -> memref<128xi32, #tpu.memory_space<hbm>>
        tpu.wait_dma2 semaphore(%run_scoped3A : memref<!tpu.dma_semaphore, #tpu.memory_space<semaphore_mem>>) src(%dma_wait3A_86 : memref<128xi32, #tpu.memory_space<hbm>>) dst(%arg14 : memref<128xi32, #tpu.memory_space<vmem>>)
        tpu.yield
      }) : () -> ()
      "tpu.region"() ({
        %run_scoped3A = tpu.sem_alloc : memref<!tpu.dma_semaphore, #tpu.memory_space<semaphore_mem>>
        %dma_start3A = arith.constant 0 : i32
        %dma_start3A_85 = arith.constant 0 : i32
        %dma_start3A_86 = tpu.memref_slice %arg12[%dma_start3A, %dma_start3A_85] : memref<100016x16xf32, #tpu.memory_space<vmem_shared>> -> memref<100016x16xf32, #tpu.memory_space<vmem_shared>>
        tpu.enqueue_indirect_dma source(%arg15 : memref<128x16xf32, #tpu.memory_space<vmem>>) target(%dma_start3A_86 : memref<100016x16xf32, #tpu.memory_space<vmem_shared>>) offsets(%arg14 : memref<128xi32, #tpu.memory_space<vmem>>) semaphore(%run_scoped3A : memref<!tpu.dma_semaphore, #tpu.memory_space<semaphore_mem>>) {add = true}
        %dma_wait3A = arith.constant 0 : i32
        %dma_wait3A_87 = arith.constant 0 : i32
        %dma_wait3A_88 = tpu.memref_slice %arg12[%dma_wait3A, %dma_wait3A_87] : memref<100016x16xf32, #tpu.memory_space<vmem_shared>> -> memref<100016x16xf32, #tpu.memory_space<vmem_shared>>
        tpu.wait_indirect_dma semaphore(%run_scoped3A : memref<!tpu.dma_semaphore, #tpu.memory_space<semaphore_mem>>) src(%arg15 : memref<128x16xf32, #tpu.memory_space<vmem>>) dst(%dma_wait3A_88 : memref<100016x16xf32, #tpu.memory_space<vmem_shared>>)
        tpu.yield
      }) : () -> ()
    }
    %scan3A_43 = arith.constant 782 : i32
    %barrier3A_44 = arith.constant 0 : index
    tpu.barrier barrier_id(%barrier3A_44)
    %scan3A_45 = arith.constant 0 : i32
    %scan3A_46 = arith.constant 40 : i32
    %scan3A_47 = arith.addi %scan3A_45, %scan3A_46 : i32
    %scan3A_48 = arith.constant 1 : i32
    scf.for %scan3A_75 = %scan3A_45 to %scan3A_47 step %scan3A_48  : i32 {
      %mul3A_76 = arith.constant 1 : i32
      %mul3A_77 = arith.muli %scan3A_75, %mul3A_76 : i32
      %add3A = arith.constant 0 : i32
      %add3A_78 = arith.addi %add3A, %mul3A_77 : i32
      %mul3A_79 = arith.constant 16 : i32
      %mul3A_80 = arith.muli %mul3A_79, %add3A_78 : i32
      %add3A_81 = arith.addi %arg1, %mul3A_80 : i32
      %lt3A = arith.constant 625 : i32
      %lt3A_82 = arith.cmpi slt, %add3A_81, %lt3A : i32
      %convert_element_type3A_83 = arith.extui %lt3A_82 : i1 to i32
      %cond3A_84 = arith.constant 0 : i32
      %cond3A_85 = arith.cmpi ne, %convert_element_type3A_83, %cond3A_84 : i32
      scf.if %cond3A_85 {
        %mul3A_86 = arith.constant 160 : i32
        %mul3A_87 = arith.muli %add3A_81, %mul3A_86 : i32
        "tpu.region"() ({
          %run_scoped3A = tpu.sem_alloc : memref<!tpu.dma_semaphore, #tpu.memory_space<semaphore_mem>>
          %dma_start3A = arith.constant 0 : i32
          %dma_start3A_95 = tpu.memref_slice %arg12[%mul3A_87, %dma_start3A] : memref<100016x16xf32, #tpu.memory_space<vmem_shared>> -> memref<160x16xf32, #tpu.memory_space<vmem_shared>>
          %dma_start3A_96 = arith.constant 0 : i32
          %dma_start3A_97 = tpu.memref_slice %arg12[%mul3A_87, %dma_start3A_96] : memref<100016x16xf32, #tpu.memory_space<vmem_shared>> -> memref<160x16xf32, #tpu.memory_space<vmem_shared>>
          tpu.enqueue_dma source(%dma_start3A_97 : memref<160x16xf32, #tpu.memory_space<vmem_shared>>) target(%arg16 : memref<160x16xf32, #tpu.memory_space<vmem>>) target_semaphore(%run_scoped3A : memref<!tpu.dma_semaphore, #tpu.memory_space<semaphore_mem>>)
          %dma_wait3A = arith.constant 0 : i32
          %dma_wait3A_98 = tpu.memref_slice %arg12[%mul3A_87, %dma_wait3A] : memref<100016x16xf32, #tpu.memory_space<vmem_shared>> -> memref<160x16xf32, #tpu.memory_space<vmem_shared>>
          %dma_wait3A_99 = arith.constant 0 : i32
          %dma_wait3A_100 = tpu.memref_slice %arg12[%mul3A_87, %dma_wait3A_99] : memref<100016x16xf32, #tpu.memory_space<vmem_shared>> -> memref<160x16xf32, #tpu.memory_space<vmem_shared>>
          tpu.wait_dma2 semaphore(%run_scoped3A : memref<!tpu.dma_semaphore, #tpu.memory_space<semaphore_mem>>) src(%dma_wait3A_100 : memref<160x16xf32, #tpu.memory_space<vmem_shared>>) dst(%arg16 : memref<160x16xf32, #tpu.memory_space<vmem>>)
          tpu.yield
        }) : () -> ()
        %add3A_88 = arith.addi %mul3A_0, %mul3A_87 : i32
        "tpu.region"() ({
          %run_scoped3A = tpu.sem_alloc : memref<!tpu.dma_semaphore, #tpu.memory_space<semaphore_mem>>
          %dma_start3A = arith.constant 0 : i32
          %dma_start3A_95 = tpu.memref_slice %arg3[%add3A_88, %dma_start3A] : memref<200000x16xf32, #tpu.memory_space<hbm>> -> memref<160x16xf32, #tpu.memory_space<hbm>>
          %dma_start3A_96 = arith.constant 0 : i32
          %dma_start3A_97 = tpu.memref_slice %arg3[%add3A_88, %dma_start3A_96] : memref<200000x16xf32, #tpu.memory_space<hbm>> -> memref<160x16xf32, #tpu.memory_space<hbm>>
          tpu.enqueue_dma source(%dma_start3A_97 : memref<160x16xf32, #tpu.memory_space<hbm>>) target(%arg17 : memref<160x16xf32, #tpu.memory_space<vmem>>) target_semaphore(%run_scoped3A : memref<!tpu.dma_semaphore, #tpu.memory_space<semaphore_mem>>)
          %dma_wait3A = arith.constant 0 : i32
          %dma_wait3A_98 = tpu.memref_slice %arg3[%add3A_88, %dma_wait3A] : memref<200000x16xf32, #tpu.memory_space<hbm>> -> memref<160x16xf32, #tpu.memory_space<hbm>>
          %dma_wait3A_99 = arith.constant 0 : i32
          %dma_wait3A_100 = tpu.memref_slice %arg3[%add3A_88, %dma_wait3A_99] : memref<200000x16xf32, #tpu.memory_space<hbm>> -> memref<160x16xf32, #tpu.memory_space<hbm>>
          tpu.wait_dma2 semaphore(%run_scoped3A : memref<!tpu.dma_semaphore, #tpu.memory_space<semaphore_mem>>) src(%dma_wait3A_100 : memref<160x16xf32, #tpu.memory_space<hbm>>) dst(%arg17 : memref<160x16xf32, #tpu.memory_space<vmem>>)
          tpu.yield
        }) : () -> ()
        "tpu.region"() ({
          %run_scoped3A = tpu.sem_alloc : memref<!tpu.dma_semaphore, #tpu.memory_space<semaphore_mem>>
          %dma_start3A = arith.constant 0 : i32
          %dma_start3A_95 = tpu.memref_slice %arg4[%mul3A_87, %dma_start3A] : memref<100000x16xf32, #tpu.memory_space<hbm>> -> memref<160x16xf32, #tpu.memory_space<hbm>>
          %dma_start3A_96 = arith.constant 0 : i32
          %dma_start3A_97 = tpu.memref_slice %arg4[%mul3A_87, %dma_start3A_96] : memref<100000x16xf32, #tpu.memory_space<hbm>> -> memref<160x16xf32, #tpu.memory_space<hbm>>
          tpu.enqueue_dma source(%dma_start3A_97 : memref<160x16xf32, #tpu.memory_space<hbm>>) target(%arg18 : memref<160x16xf32, #tpu.memory_space<vmem>>) target_semaphore(%run_scoped3A : memref<!tpu.dma_semaphore, #tpu.memory_space<semaphore_mem>>)
          %dma_wait3A = arith.constant 0 : i32
          %dma_wait3A_98 = tpu.memref_slice %arg4[%mul3A_87, %dma_wait3A] : memref<100000x16xf32, #tpu.memory_space<hbm>> -> memref<160x16xf32, #tpu.memory_space<hbm>>
          %dma_wait3A_99 = arith.constant 0 : i32
          %dma_wait3A_100 = tpu.memref_slice %arg4[%mul3A_87, %dma_wait3A_99] : memref<100000x16xf32, #tpu.memory_space<hbm>> -> memref<160x16xf32, #tpu.memory_space<hbm>>
          tpu.wait_dma2 semaphore(%run_scoped3A : memref<!tpu.dma_semaphore, #tpu.memory_space<semaphore_mem>>) src(%dma_wait3A_100 : memref<160x16xf32, #tpu.memory_space<hbm>>) dst(%arg18 : memref<160x16xf32, #tpu.memory_space<vmem>>)
          tpu.yield
        }) : () -> ()
        %scan3A_89 = arith.constant 0 : i32
        %scan3A_90 = arith.constant 160 : i32
        %scan3A_91 = arith.addi %scan3A_89, %scan3A_90 : i32
        %scan3A_92 = arith.constant 1 : i32
        scf.for %scan3A_95 = %scan3A_89 to %scan3A_91 step %scan3A_92  : i32 {
          %mul3A_96 = arith.constant 1 : i32
          %mul3A_97 = arith.muli %scan3A_95, %mul3A_96 : i32
          %add3A_98 = arith.constant 0 : i32
          %add3A_99 = arith.addi %add3A_98, %mul3A_97 : i32
          %get3A = arith.index_cast %add3A_99 : i32 to index
          %get3A_100 = arith.constant 0 : index
          %get3A_101 = tpu.vector_load %arg17[%get3A, %get3A_100] {strides = array<i32>} : memref<160x16xf32, #tpu.memory_space<vmem>>, vector<1x16xf32>,
          %get3A_102 = vector.shape_cast %get3A_101 : vector<1x16xf32> to vector<16xf32>
          %get3A_103 = arith.index_cast %add3A_99 : i32 to index
          %get3A_104 = arith.constant 0 : index
          %get3A_105 = tpu.vector_load %arg18[%get3A_103, %get3A_104] {strides = array<i32>} : memref<160x16xf32, #tpu.memory_space<vmem>>, vector<1x16xf32>,
          %get3A_106 = vector.shape_cast %get3A_105 : vector<1x16xf32> to vector<16xf32>
          %get3A_107 = arith.index_cast %add3A_99 : i32 to index
          %get3A_108 = arith.constant 0 : index
          %get3A_109 = tpu.vector_load %arg16[%get3A_107, %get3A_108] {strides = array<i32>} : memref<160x16xf32, #tpu.memory_space<vmem>>, vector<1x16xf32>,
          %get3A_110 = vector.shape_cast %get3A_109 : vector<1x16xf32> to vector<16xf32>
          %mul3A_111 = arith.mulf %get3A_106, %get3A_110 : vector<16xf32>
          %add3A_112 = arith.addf %get3A_102, %mul3A_111 : vector<16xf32>
          %swap3A = arith.index_cast %add3A_99 : i32 to index
          %swap3A_113 = arith.constant 0 : index
          %swap3A_114 = tpu.vector_load %arg17[%swap3A, %swap3A_113] {strides = array<i32>} : memref<160x16xf32, #tpu.memory_space<vmem>>, vector<1x16xf32>,
          %swap3A_115 = vector.shape_cast %swap3A_114 : vector<1x16xf32> to vector<16xf32>
          %swap3A_116 = vector.shape_cast %add3A_112 : vector<16xf32> to vector<1x16xf32>
          tpu.vector_store %arg17[%swap3A, %swap3A_113], %swap3A_116 {strides = array<i32>} : memref<160x16xf32, #tpu.memory_space<vmem>>, vector<1x16xf32>,
        }
        %scan3A_93 = arith.constant 160 : i32
        %add3A_94 = arith.addi %mul3A_0, %mul3A_87 : i32
        "tpu.region"() ({
          %run_scoped3A = tpu.sem_alloc : memref<!tpu.dma_semaphore, #tpu.memory_space<semaphore_mem>>
          %dma_start3A = arith.constant 0 : i32
          %dma_start3A_95 = tpu.memref_slice %arg10[%add3A_94, %dma_start3A] : memref<200000x16xf32, #tpu.memory_space<hbm>> -> memref<160x16xf32, #tpu.memory_space<hbm>>
          %dma_start3A_96 = arith.constant 0 : i32
          %dma_start3A_97 = tpu.memref_slice %arg10[%add3A_94, %dma_start3A_96] : memref<200000x16xf32, #tpu.memory_space<hbm>> -> memref<160x16xf32, #tpu.memory_space<hbm>>
          tpu.enqueue_dma source(%arg17 : memref<160x16xf32, #tpu.memory_space<vmem>>) target(%dma_start3A_97 : memref<160x16xf32, #tpu.memory_space<hbm>>) target_semaphore(%run_scoped3A : memref<!tpu.dma_semaphore, #tpu.memory_space<semaphore_mem>>)
          %dma_wait3A = arith.constant 0 : i32
          %dma_wait3A_98 = tpu.memref_slice %arg10[%add3A_94, %dma_wait3A] : memref<200000x16xf32, #tpu.memory_space<hbm>> -> memref<160x16xf32, #tpu.memory_space<hbm>>
          %dma_wait3A_99 = arith.constant 0 : i32
          %dma_wait3A_100 = tpu.memref_slice %arg10[%add3A_94, %dma_wait3A_99] : memref<200000x16xf32, #tpu.memory_space<hbm>> -> memref<160x16xf32, #tpu.memory_space<hbm>>
          tpu.wait_dma2 semaphore(%run_scoped3A : memref<!tpu.dma_semaphore, #tpu.memory_space<semaphore_mem>>) src(%arg17 : memref<160x16xf32, #tpu.memory_space<vmem>>) dst(%dma_wait3A_100 : memref<160x16xf32, #tpu.memory_space<hbm>>)
          tpu.yield
        }) : () -> ()
        "tpu.region"() ({
          %run_scoped3A = tpu.sem_alloc : memref<!tpu.dma_semaphore, #tpu.memory_space<semaphore_mem>>
          %dma_start3A = arith.constant 0 : i32
          %dma_start3A_95 = tpu.memref_slice %arg12[%mul3A_87, %dma_start3A] : memref<100016x16xf32, #tpu.memory_space<vmem_shared>> -> memref<160x16xf32, #tpu.memory_space<vmem_shared>>
          %dma_start3A_96 = arith.constant 0 : i32
          %dma_start3A_97 = tpu.memref_slice %arg12[%mul3A_87, %dma_start3A_96] : memref<100016x16xf32, #tpu.memory_space<vmem_shared>> -> memref<160x16xf32, #tpu.memory_space<vmem_shared>>
          tpu.enqueue_dma source(%arg19 : memref<160x16xf32, #tpu.memory_space<vmem>>) target(%dma_start3A_97 : memref<160x16xf32, #tpu.memory_space<vmem_shared>>) target_semaphore(%run_scoped3A : memref<!tpu.dma_semaphore, #tpu.memory_space<semaphore_mem>>)
          %dma_wait3A = arith.constant 0 : i32
          %dma_wait3A_98 = tpu.memref_slice %arg12[%mul3A_87, %dma_wait3A] : memref<100016x16xf32, #tpu.memory_space<vmem_shared>> -> memref<160x16xf32, #tpu.memory_space<vmem_shared>>
          %dma_wait3A_99 = arith.constant 0 : i32
          %dma_wait3A_100 = tpu.memref_slice %arg12[%mul3A_87, %dma_wait3A_99] : memref<100016x16xf32, #tpu.memory_space<vmem_shared>> -> memref<160x16xf32, #tpu.memory_space<vmem_shared>>
          tpu.wait_dma2 semaphore(%run_scoped3A : memref<!tpu.dma_semaphore, #tpu.memory_space<semaphore_mem>>) src(%arg19 : memref<160x16xf32, #tpu.memory_space<vmem>>) dst(%dma_wait3A_100 : memref<160x16xf32, #tpu.memory_space<vmem_shared>>)
          tpu.yield
        }) : () -> ()
      } else {
      }
    }
    %scan3A_49 = arith.constant 40 : i32
    %barrier3A_50 = arith.constant 0 : index
    tpu.barrier barrier_id(%barrier3A_50)
    %scan3A_51 = arith.constant 0 : i32
    %scan3A_52 = arith.constant 782 : i32
    %scan3A_53 = arith.addi %scan3A_51, %scan3A_52 : i32
    %scan3A_54 = arith.constant 1 : i32
    scf.for %scan3A_75 = %scan3A_51 to %scan3A_53 step %scan3A_54  : i32 {
      %mul3A_76 = arith.constant 1 : i32
      %mul3A_77 = arith.muli %scan3A_75, %mul3A_76 : i32
      %add3A = arith.constant 0 : i32
      %add3A_78 = arith.addi %add3A, %mul3A_77 : i32
      %mul3A_79 = arith.constant 782 : i32
      %mul3A_80 = arith.muli %arg1, %mul3A_79 : i32
      %add3A_81 = arith.addi %mul3A_80, %add3A_78 : i32
      %mul3A_82 = arith.constant 128 : i32
      %mul3A_83 = arith.muli %add3A_81, %mul3A_82 : i32
      %add3A_84 = arith.addi %mul3A_2, %mul3A_83 : i32
      "tpu.region"() ({
        %run_scoped3A = tpu.sem_alloc : memref<!tpu.dma_semaphore, #tpu.memory_space<semaphore_mem>>
        %dma_start3A = tpu.memref_slice %arg7[%add3A_84] : memref<3203072xi32, #tpu.memory_space<hbm>> -> memref<128xi32, #tpu.memory_space<hbm>>
        %dma_start3A_85 = tpu.memref_slice %arg7[%add3A_84] : memref<3203072xi32, #tpu.memory_space<hbm>> -> memref<128xi32, #tpu.memory_space<hbm>>
        tpu.enqueue_dma source(%dma_start3A_85 : memref<128xi32, #tpu.memory_space<hbm>>) target(%arg13 : memref<128xi32, #tpu.memory_space<vmem>>) target_semaphore(%run_scoped3A : memref<!tpu.dma_semaphore, #tpu.memory_space<semaphore_mem>>)
        %dma_wait3A = tpu.memref_slice %arg7[%add3A_84] : memref<3203072xi32, #tpu.memory_space<hbm>> -> memref<128xi32, #tpu.memory_space<hbm>>
        %dma_wait3A_86 = tpu.memref_slice %arg7[%add3A_84] : memref<3203072xi32, #tpu.memory_space<hbm>> -> memref<128xi32, #tpu.memory_space<hbm>>
        tpu.wait_dma2 semaphore(%run_scoped3A : memref<!tpu.dma_semaphore, #tpu.memory_space<semaphore_mem>>) src(%dma_wait3A_86 : memref<128xi32, #tpu.memory_space<hbm>>) dst(%arg13 : memref<128xi32, #tpu.memory_space<vmem>>)
        tpu.yield
      }) : () -> ()
      "tpu.region"() ({
        %run_scoped3A = tpu.sem_alloc : memref<!tpu.dma_semaphore, #tpu.memory_space<semaphore_mem>>
        %dma_start3A = arith.constant 0 : i32
        %dma_start3A_85 = arith.constant 0 : i32
        %dma_start3A_86 = tpu.memref_slice %arg10[%dma_start3A, %dma_start3A_85] : memref<200000x16xf32, #tpu.memory_space<hbm>> -> memref<200000x16xf32, #tpu.memory_space<hbm>>
        tpu.enqueue_indirect_dma source(%dma_start3A_86 : memref<200000x16xf32, #tpu.memory_space<hbm>>) target(%arg15 : memref<128x16xf32, #tpu.memory_space<vmem>>) offsets(%arg13 : memref<128xi32, #tpu.memory_space<vmem>>) semaphore(%run_scoped3A : memref<!tpu.dma_semaphore, #tpu.memory_space<semaphore_mem>>)
        %dma_wait3A = arith.constant 0 : i32
        %dma_wait3A_87 = arith.constant 0 : i32
        %dma_wait3A_88 = tpu.memref_slice %arg10[%dma_wait3A, %dma_wait3A_87] : memref<200000x16xf32, #tpu.memory_space<hbm>> -> memref<200000x16xf32, #tpu.memory_space<hbm>>
        tpu.wait_indirect_dma semaphore(%run_scoped3A : memref<!tpu.dma_semaphore, #tpu.memory_space<semaphore_mem>>) src(%dma_wait3A_88 : memref<200000x16xf32, #tpu.memory_space<hbm>>) dst(%arg15 : memref<128x16xf32, #tpu.memory_space<vmem>>)
        tpu.yield
      }) : () -> ()
      "tpu.region"() ({
        %run_scoped3A = tpu.sem_alloc : memref<!tpu.dma_semaphore, #tpu.memory_space<semaphore_mem>>
        %dma_start3A = tpu.memref_slice %arg8[%mul3A_83] : memref<1601536xi32, #tpu.memory_space<hbm>> -> memref<128xi32, #tpu.memory_space<hbm>>
        %dma_start3A_85 = tpu.memref_slice %arg8[%mul3A_83] : memref<1601536xi32, #tpu.memory_space<hbm>> -> memref<128xi32, #tpu.memory_space<hbm>>
        tpu.enqueue_dma source(%dma_start3A_85 : memref<128xi32, #tpu.memory_space<hbm>>) target(%arg14 : memref<128xi32, #tpu.memory_space<vmem>>) target_semaphore(%run_scoped3A : memref<!tpu.dma_semaphore, #tpu.memory_space<semaphore_mem>>)
        %dma_wait3A = tpu.memref_slice %arg8[%mul3A_83] : memref<1601536xi32, #tpu.memory_space<hbm>> -> memref<128xi32, #tpu.memory_space<hbm>>
        %dma_wait3A_86 = tpu.memref_slice %arg8[%mul3A_83] : memref<1601536xi32, #tpu.memory_space<hbm>> -> memref<128xi32, #tpu.memory_space<hbm>>
        tpu.wait_dma2 semaphore(%run_scoped3A : memref<!tpu.dma_semaphore, #tpu.memory_space<semaphore_mem>>) src(%dma_wait3A_86 : memref<128xi32, #tpu.memory_space<hbm>>) dst(%arg14 : memref<128xi32, #tpu.memory_space<vmem>>)
        tpu.yield
      }) : () -> ()
      "tpu.region"() ({
        %run_scoped3A = tpu.sem_alloc : memref<!tpu.dma_semaphore, #tpu.memory_space<semaphore_mem>>
        %dma_start3A = arith.constant 0 : i32
        %dma_start3A_85 = arith.constant 0 : i32
        %dma_start3A_86 = tpu.memref_slice %arg12[%dma_start3A, %dma_start3A_85] : memref<100016x16xf32, #tpu.memory_space<vmem_shared>> -> memref<100016x16xf32, #tpu.memory_space<vmem_shared>>
        tpu.enqueue_indirect_dma source(%arg15 : memref<128x16xf32, #tpu.memory_space<vmem>>) target(%dma_start3A_86 : memref<100016x16xf32, #tpu.memory_space<vmem_shared>>) offsets(%arg14 : memref<128xi32, #tpu.memory_space<vmem>>) semaphore(%run_scoped3A : memref<!tpu.dma_semaphore, #tpu.memory_space<semaphore_mem>>) {add = true}
        %dma_wait3A = arith.constant 0 : i32
        %dma_wait3A_87 = arith.constant 0 : i32
        %dma_wait3A_88 = tpu.memref_slice %arg12[%dma_wait3A, %dma_wait3A_87] : memref<100016x16xf32, #tpu.memory_space<vmem_shared>> -> memref<100016x16xf32, #tpu.memory_space<vmem_shared>>
        tpu.wait_indirect_dma semaphore(%run_scoped3A : memref<!tpu.dma_semaphore, #tpu.memory_space<semaphore_mem>>) src(%arg15 : memref<128x16xf32, #tpu.memory_space<vmem>>) dst(%dma_wait3A_88 : memref<100016x16xf32, #tpu.memory_space<vmem_shared>>)
        tpu.yield
      }) : () -> ()
    }
    %scan3A_55 = arith.constant 782 : i32
    %barrier3A_56 = arith.constant 0 : index
    tpu.barrier barrier_id(%barrier3A_56)
    %scan3A_57 = arith.constant 0 : i32
    %scan3A_58 = arith.constant 40 : i32
    %scan3A_59 = arith.addi %scan3A_57, %scan3A_58 : i32
    %scan3A_60 = arith.constant 1 : i32
    scf.for %scan3A_75 = %scan3A_57 to %scan3A_59 step %scan3A_60  : i32 {
      %mul3A_76 = arith.constant 1 : i32
      %mul3A_77 = arith.muli %scan3A_75, %mul3A_76 : i32
      %add3A = arith.constant 0 : i32
      %add3A_78 = arith.addi %add3A, %mul3A_77 : i32
      %mul3A_79 = arith.constant 16 : i32
      %mul3A_80 = arith.muli %mul3A_79, %add3A_78 : i32
      %add3A_81 = arith.addi %arg1, %mul3A_80 : i32
      %lt3A = arith.constant 625 : i32
      %lt3A_82 = arith.cmpi slt, %add3A_81, %lt3A : i32
      %convert_element_type3A_83 = arith.extui %lt3A_82 : i1 to i32
      %cond3A_84 = arith.constant 0 : i32
      %cond3A_85 = arith.cmpi ne, %convert_element_type3A_83, %cond3A_84 : i32
      scf.if %cond3A_85 {
        %mul3A_86 = arith.constant 160 : i32
        %mul3A_87 = arith.muli %add3A_81, %mul3A_86 : i32
        "tpu.region"() ({
          %run_scoped3A = tpu.sem_alloc : memref<!tpu.dma_semaphore, #tpu.memory_space<semaphore_mem>>
          %dma_start3A = arith.constant 0 : i32
          %dma_start3A_95 = tpu.memref_slice %arg12[%mul3A_87, %dma_start3A] : memref<100016x16xf32, #tpu.memory_space<vmem_shared>> -> memref<160x16xf32, #tpu.memory_space<vmem_shared>>
          %dma_start3A_96 = arith.constant 0 : i32
          %dma_start3A_97 = tpu.memref_slice %arg12[%mul3A_87, %dma_start3A_96] : memref<100016x16xf32, #tpu.memory_space<vmem_shared>> -> memref<160x16xf32, #tpu.memory_space<vmem_shared>>
          tpu.enqueue_dma source(%dma_start3A_97 : memref<160x16xf32, #tpu.memory_space<vmem_shared>>) target(%arg16 : memref<160x16xf32, #tpu.memory_space<vmem>>) target_semaphore(%run_scoped3A : memref<!tpu.dma_semaphore, #tpu.memory_space<semaphore_mem>>)
          %dma_wait3A = arith.constant 0 : i32
          %dma_wait3A_98 = tpu.memref_slice %arg12[%mul3A_87, %dma_wait3A] : memref<100016x16xf32, #tpu.memory_space<vmem_shared>> -> memref<160x16xf32, #tpu.memory_space<vmem_shared>>
          %dma_wait3A_99 = arith.constant 0 : i32
          %dma_wait3A_100 = tpu.memref_slice %arg12[%mul3A_87, %dma_wait3A_99] : memref<100016x16xf32, #tpu.memory_space<vmem_shared>> -> memref<160x16xf32, #tpu.memory_space<vmem_shared>>
          tpu.wait_dma2 semaphore(%run_scoped3A : memref<!tpu.dma_semaphore, #tpu.memory_space<semaphore_mem>>) src(%dma_wait3A_100 : memref<160x16xf32, #tpu.memory_space<vmem_shared>>) dst(%arg16 : memref<160x16xf32, #tpu.memory_space<vmem>>)
          tpu.yield
        }) : () -> ()
        %add3A_88 = arith.addi %mul3A_0, %mul3A_87 : i32
        "tpu.region"() ({
          %run_scoped3A = tpu.sem_alloc : memref<!tpu.dma_semaphore, #tpu.memory_space<semaphore_mem>>
          %dma_start3A = arith.constant 0 : i32
          %dma_start3A_95 = tpu.memref_slice %arg3[%add3A_88, %dma_start3A] : memref<200000x16xf32, #tpu.memory_space<hbm>> -> memref<160x16xf32, #tpu.memory_space<hbm>>
          %dma_start3A_96 = arith.constant 0 : i32
          %dma_start3A_97 = tpu.memref_slice %arg3[%add3A_88, %dma_start3A_96] : memref<200000x16xf32, #tpu.memory_space<hbm>> -> memref<160x16xf32, #tpu.memory_space<hbm>>
          tpu.enqueue_dma source(%dma_start3A_97 : memref<160x16xf32, #tpu.memory_space<hbm>>) target(%arg17 : memref<160x16xf32, #tpu.memory_space<vmem>>) target_semaphore(%run_scoped3A : memref<!tpu.dma_semaphore, #tpu.memory_space<semaphore_mem>>)
          %dma_wait3A = arith.constant 0 : i32
          %dma_wait3A_98 = tpu.memref_slice %arg3[%add3A_88, %dma_wait3A] : memref<200000x16xf32, #tpu.memory_space<hbm>> -> memref<160x16xf32, #tpu.memory_space<hbm>>
          %dma_wait3A_99 = arith.constant 0 : i32
          %dma_wait3A_100 = tpu.memref_slice %arg3[%add3A_88, %dma_wait3A_99] : memref<200000x16xf32, #tpu.memory_space<hbm>> -> memref<160x16xf32, #tpu.memory_space<hbm>>
          tpu.wait_dma2 semaphore(%run_scoped3A : memref<!tpu.dma_semaphore, #tpu.memory_space<semaphore_mem>>) src(%dma_wait3A_100 : memref<160x16xf32, #tpu.memory_space<hbm>>) dst(%arg17 : memref<160x16xf32, #tpu.memory_space<vmem>>)
          tpu.yield
        }) : () -> ()
        "tpu.region"() ({
          %run_scoped3A = tpu.sem_alloc : memref<!tpu.dma_semaphore, #tpu.memory_space<semaphore_mem>>
          %dma_start3A = arith.constant 0 : i32
          %dma_start3A_95 = tpu.memref_slice %arg4[%mul3A_87, %dma_start3A] : memref<100000x16xf32, #tpu.memory_space<hbm>> -> memref<160x16xf32, #tpu.memory_space<hbm>>
          %dma_start3A_96 = arith.constant 0 : i32
          %dma_start3A_97 = tpu.memref_slice %arg4[%mul3A_87, %dma_start3A_96] : memref<100000x16xf32, #tpu.memory_space<hbm>> -> memref<160x16xf32, #tpu.memory_space<hbm>>
          tpu.enqueue_dma source(%dma_start3A_97 : memref<160x16xf32, #tpu.memory_space<hbm>>) target(%arg18 : memref<160x16xf32, #tpu.memory_space<vmem>>) target_semaphore(%run_scoped3A : memref<!tpu.dma_semaphore, #tpu.memory_space<semaphore_mem>>)
          %dma_wait3A = arith.constant 0 : i32
          %dma_wait3A_98 = tpu.memref_slice %arg4[%mul3A_87, %dma_wait3A] : memref<100000x16xf32, #tpu.memory_space<hbm>> -> memref<160x16xf32, #tpu.memory_space<hbm>>
          %dma_wait3A_99 = arith.constant 0 : i32
          %dma_wait3A_100 = tpu.memref_slice %arg4[%mul3A_87, %dma_wait3A_99] : memref<100000x16xf32, #tpu.memory_space<hbm>> -> memref<160x16xf32, #tpu.memory_space<hbm>>
          tpu.wait_dma2 semaphore(%run_scoped3A : memref<!tpu.dma_semaphore, #tpu.memory_space<semaphore_mem>>) src(%dma_wait3A_100 : memref<160x16xf32, #tpu.memory_space<hbm>>) dst(%arg18 : memref<160x16xf32, #tpu.memory_space<vmem>>)
          tpu.yield
        }) : () -> ()
        %scan3A_89 = arith.constant 0 : i32
        %scan3A_90 = arith.constant 160 : i32
        %scan3A_91 = arith.addi %scan3A_89, %scan3A_90 : i32
        %scan3A_92 = arith.constant 1 : i32
        scf.for %scan3A_95 = %scan3A_89 to %scan3A_91 step %scan3A_92  : i32 {
          %mul3A_96 = arith.constant 1 : i32
          %mul3A_97 = arith.muli %scan3A_95, %mul3A_96 : i32
          %add3A_98 = arith.constant 0 : i32
          %add3A_99 = arith.addi %add3A_98, %mul3A_97 : i32
          %get3A = arith.index_cast %add3A_99 : i32 to index
          %get3A_100 = arith.constant 0 : index
          %get3A_101 = tpu.vector_load %arg17[%get3A, %get3A_100] {strides = array<i32>} : memref<160x16xf32, #tpu.memory_space<vmem>>, vector<1x16xf32>,
          %get3A_102 = vector.shape_cast %get3A_101 : vector<1x16xf32> to vector<16xf32>
          %get3A_103 = arith.index_cast %add3A_99 : i32 to index
          %get3A_104 = arith.constant 0 : index
          %get3A_105 = tpu.vector_load %arg18[%get3A_103, %get3A_104] {strides = array<i32>} : memref<160x16xf32, #tpu.memory_space<vmem>>, vector<1x16xf32>,
          %get3A_106 = vector.shape_cast %get3A_105 : vector<1x16xf32> to vector<16xf32>
          %get3A_107 = arith.index_cast %add3A_99 : i32 to index
          %get3A_108 = arith.constant 0 : index
          %get3A_109 = tpu.vector_load %arg16[%get3A_107, %get3A_108] {strides = array<i32>} : memref<160x16xf32, #tpu.memory_space<vmem>>, vector<1x16xf32>,
          %get3A_110 = vector.shape_cast %get3A_109 : vector<1x16xf32> to vector<16xf32>
          %mul3A_111 = arith.mulf %get3A_106, %get3A_110 : vector<16xf32>
          %add3A_112 = arith.addf %get3A_102, %mul3A_111 : vector<16xf32>
          %swap3A = arith.index_cast %add3A_99 : i32 to index
          %swap3A_113 = arith.constant 0 : index
          %swap3A_114 = tpu.vector_load %arg17[%swap3A, %swap3A_113] {strides = array<i32>} : memref<160x16xf32, #tpu.memory_space<vmem>>, vector<1x16xf32>,
          %swap3A_115 = vector.shape_cast %swap3A_114 : vector<1x16xf32> to vector<16xf32>
          %swap3A_116 = vector.shape_cast %add3A_112 : vector<16xf32> to vector<1x16xf32>
          tpu.vector_store %arg17[%swap3A, %swap3A_113], %swap3A_116 {strides = array<i32>} : memref<160x16xf32, #tpu.memory_space<vmem>>, vector<1x16xf32>,
        }
        %scan3A_93 = arith.constant 160 : i32
        %add3A_94 = arith.addi %mul3A_0, %mul3A_87 : i32
        "tpu.region"() ({
          %run_scoped3A = tpu.sem_alloc : memref<!tpu.dma_semaphore, #tpu.memory_space<semaphore_mem>>
          %dma_start3A = arith.constant 0 : i32
          %dma_start3A_95 = tpu.memref_slice %arg11[%add3A_94, %dma_start3A] : memref<200000x16xf32, #tpu.memory_space<hbm>> -> memref<160x16xf32, #tpu.memory_space<hbm>>
          %dma_start3A_96 = arith.constant 0 : i32
          %dma_start3A_97 = tpu.memref_slice %arg11[%add3A_94, %dma_start3A_96] : memref<200000x16xf32, #tpu.memory_space<hbm>> -> memref<160x16xf32, #tpu.memory_space<hbm>>
          tpu.enqueue_dma source(%arg17 : memref<160x16xf32, #tpu.memory_space<vmem>>) target(%dma_start3A_97 : memref<160x16xf32, #tpu.memory_space<hbm>>) target_semaphore(%run_scoped3A : memref<!tpu.dma_semaphore, #tpu.memory_space<semaphore_mem>>)
          %dma_wait3A = arith.constant 0 : i32
          %dma_wait3A_98 = tpu.memref_slice %arg11[%add3A_94, %dma_wait3A] : memref<200000x16xf32, #tpu.memory_space<hbm>> -> memref<160x16xf32, #tpu.memory_space<hbm>>
          %dma_wait3A_99 = arith.constant 0 : i32
          %dma_wait3A_100 = tpu.memref_slice %arg11[%add3A_94, %dma_wait3A_99] : memref<200000x16xf32, #tpu.memory_space<hbm>> -> memref<160x16xf32, #tpu.memory_space<hbm>>
          tpu.wait_dma2 semaphore(%run_scoped3A : memref<!tpu.dma_semaphore, #tpu.memory_space<semaphore_mem>>) src(%arg17 : memref<160x16xf32, #tpu.memory_space<vmem>>) dst(%dma_wait3A_100 : memref<160x16xf32, #tpu.memory_space<hbm>>)
          tpu.yield
        }) : () -> ()
        "tpu.region"() ({
          %run_scoped3A = tpu.sem_alloc : memref<!tpu.dma_semaphore, #tpu.memory_space<semaphore_mem>>
          %dma_start3A = arith.constant 0 : i32
          %dma_start3A_95 = tpu.memref_slice %arg12[%mul3A_87, %dma_start3A] : memref<100016x16xf32, #tpu.memory_space<vmem_shared>> -> memref<160x16xf32, #tpu.memory_space<vmem_shared>>
          %dma_start3A_96 = arith.constant 0 : i32
          %dma_start3A_97 = tpu.memref_slice %arg12[%mul3A_87, %dma_start3A_96] : memref<100016x16xf32, #tpu.memory_space<vmem_shared>> -> memref<160x16xf32, #tpu.memory_space<vmem_shared>>
          tpu.enqueue_dma source(%arg19 : memref<160x16xf32, #tpu.memory_space<vmem>>) target(%dma_start3A_97 : memref<160x16xf32, #tpu.memory_space<vmem_shared>>) target_semaphore(%run_scoped3A : memref<!tpu.dma_semaphore, #tpu.memory_space<semaphore_mem>>)
          %dma_wait3A = arith.constant 0 : i32
          %dma_wait3A_98 = tpu.memref_slice %arg12[%mul3A_87, %dma_wait3A] : memref<100016x16xf32, #tpu.memory_space<vmem_shared>> -> memref<160x16xf32, #tpu.memory_space<vmem_shared>>
          %dma_wait3A_99 = arith.constant 0 : i32
          %dma_wait3A_100 = tpu.memref_slice %arg12[%mul3A_87, %dma_wait3A_99] : memref<100016x16xf32, #tpu.memory_space<vmem_shared>> -> memref<160x16xf32, #tpu.memory_space<vmem_shared>>
          tpu.wait_dma2 semaphore(%run_scoped3A : memref<!tpu.dma_semaphore, #tpu.memory_space<semaphore_mem>>) src(%arg19 : memref<160x16xf32, #tpu.memory_space<vmem>>) dst(%dma_wait3A_100 : memref<160x16xf32, #tpu.memory_space<vmem_shared>>)
          tpu.yield
        }) : () -> ()
      } else {
      }
    }
    %scan3A_61 = arith.constant 40 : i32
    %barrier3A_62 = arith.constant 0 : index
    tpu.barrier barrier_id(%barrier3A_62)
    %scan3A_63 = arith.constant 0 : i32
    %scan3A_64 = arith.constant 782 : i32
    %scan3A_65 = arith.addi %scan3A_63, %scan3A_64 : i32
    %scan3A_66 = arith.constant 1 : i32
    scf.for %scan3A_75 = %scan3A_63 to %scan3A_65 step %scan3A_66  : i32 {
      %mul3A_76 = arith.constant 1 : i32
      %mul3A_77 = arith.muli %scan3A_75, %mul3A_76 : i32
      %add3A = arith.constant 0 : i32
      %add3A_78 = arith.addi %add3A, %mul3A_77 : i32
      %mul3A_79 = arith.constant 782 : i32
      %mul3A_80 = arith.muli %arg1, %mul3A_79 : i32
      %add3A_81 = arith.addi %mul3A_80, %add3A_78 : i32
      %mul3A_82 = arith.constant 128 : i32
      %mul3A_83 = arith.muli %add3A_81, %mul3A_82 : i32
      %add3A_84 = arith.addi %mul3A_2, %mul3A_83 : i32
      "tpu.region"() ({
        %run_scoped3A = tpu.sem_alloc : memref<!tpu.dma_semaphore, #tpu.memory_space<semaphore_mem>>
        %dma_start3A = tpu.memref_slice %arg7[%add3A_84] : memref<3203072xi32, #tpu.memory_space<hbm>> -> memref<128xi32, #tpu.memory_space<hbm>>
        %dma_start3A_85 = tpu.memref_slice %arg7[%add3A_84] : memref<3203072xi32, #tpu.memory_space<hbm>> -> memref<128xi32, #tpu.memory_space<hbm>>
        tpu.enqueue_dma source(%dma_start3A_85 : memref<128xi32, #tpu.memory_space<hbm>>) target(%arg13 : memref<128xi32, #tpu.memory_space<vmem>>) target_semaphore(%run_scoped3A : memref<!tpu.dma_semaphore, #tpu.memory_space<semaphore_mem>>)
        %dma_wait3A = tpu.memref_slice %arg7[%add3A_84] : memref<3203072xi32, #tpu.memory_space<hbm>> -> memref<128xi32, #tpu.memory_space<hbm>>
        %dma_wait3A_86 = tpu.memref_slice %arg7[%add3A_84] : memref<3203072xi32, #tpu.memory_space<hbm>> -> memref<128xi32, #tpu.memory_space<hbm>>
        tpu.wait_dma2 semaphore(%run_scoped3A : memref<!tpu.dma_semaphore, #tpu.memory_space<semaphore_mem>>) src(%dma_wait3A_86 : memref<128xi32, #tpu.memory_space<hbm>>) dst(%arg13 : memref<128xi32, #tpu.memory_space<vmem>>)
        tpu.yield
      }) : () -> ()
      "tpu.region"() ({
        %run_scoped3A = tpu.sem_alloc : memref<!tpu.dma_semaphore, #tpu.memory_space<semaphore_mem>>
        %dma_start3A = arith.constant 0 : i32
        %dma_start3A_85 = arith.constant 0 : i32
        %dma_start3A_86 = tpu.memref_slice %arg11[%dma_start3A, %dma_start3A_85] : memref<200000x16xf32, #tpu.memory_space<hbm>> -> memref<200000x16xf32, #tpu.memory_space<hbm>>
        tpu.enqueue_indirect_dma source(%dma_start3A_86 : memref<200000x16xf32, #tpu.memory_space<hbm>>) target(%arg15 : memref<128x16xf32, #tpu.memory_space<vmem>>) offsets(%arg13 : memref<128xi32, #tpu.memory_space<vmem>>) semaphore(%run_scoped3A : memref<!tpu.dma_semaphore, #tpu.memory_space<semaphore_mem>>)
        %dma_wait3A = arith.constant 0 : i32
        %dma_wait3A_87 = arith.constant 0 : i32
        %dma_wait3A_88 = tpu.memref_slice %arg11[%dma_wait3A, %dma_wait3A_87] : memref<200000x16xf32, #tpu.memory_space<hbm>> -> memref<200000x16xf32, #tpu.memory_space<hbm>>
        tpu.wait_indirect_dma semaphore(%run_scoped3A : memref<!tpu.dma_semaphore, #tpu.memory_space<semaphore_mem>>) src(%dma_wait3A_88 : memref<200000x16xf32, #tpu.memory_space<hbm>>) dst(%arg15 : memref<128x16xf32, #tpu.memory_space<vmem>>)
        tpu.yield
      }) : () -> ()
      "tpu.region"() ({
        %run_scoped3A = tpu.sem_alloc : memref<!tpu.dma_semaphore, #tpu.memory_space<semaphore_mem>>
        %dma_start3A = tpu.memref_slice %arg8[%mul3A_83] : memref<1601536xi32, #tpu.memory_space<hbm>> -> memref<128xi32, #tpu.memory_space<hbm>>
        %dma_start3A_85 = tpu.memref_slice %arg8[%mul3A_83] : memref<1601536xi32, #tpu.memory_space<hbm>> -> memref<128xi32, #tpu.memory_space<hbm>>
        tpu.enqueue_dma source(%dma_start3A_85 : memref<128xi32, #tpu.memory_space<hbm>>) target(%arg14 : memref<128xi32, #tpu.memory_space<vmem>>) target_semaphore(%run_scoped3A : memref<!tpu.dma_semaphore, #tpu.memory_space<semaphore_mem>>)
        %dma_wait3A = tpu.memref_slice %arg8[%mul3A_83] : memref<1601536xi32, #tpu.memory_space<hbm>> -> memref<128xi32, #tpu.memory_space<hbm>>
        %dma_wait3A_86 = tpu.memref_slice %arg8[%mul3A_83] : memref<1601536xi32, #tpu.memory_space<hbm>> -> memref<128xi32, #tpu.memory_space<hbm>>
        tpu.wait_dma2 semaphore(%run_scoped3A : memref<!tpu.dma_semaphore, #tpu.memory_space<semaphore_mem>>) src(%dma_wait3A_86 : memref<128xi32, #tpu.memory_space<hbm>>) dst(%arg14 : memref<128xi32, #tpu.memory_space<vmem>>)
        tpu.yield
      }) : () -> ()
      "tpu.region"() ({
        %run_scoped3A = tpu.sem_alloc : memref<!tpu.dma_semaphore, #tpu.memory_space<semaphore_mem>>
        %dma_start3A = arith.constant 0 : i32
        %dma_start3A_85 = arith.constant 0 : i32
        %dma_start3A_86 = tpu.memref_slice %arg12[%dma_start3A, %dma_start3A_85] : memref<100016x16xf32, #tpu.memory_space<vmem_shared>> -> memref<100016x16xf32, #tpu.memory_space<vmem_shared>>
        tpu.enqueue_indirect_dma source(%arg15 : memref<128x16xf32, #tpu.memory_space<vmem>>) target(%dma_start3A_86 : memref<100016x16xf32, #tpu.memory_space<vmem_shared>>) offsets(%arg14 : memref<128xi32, #tpu.memory_space<vmem>>) semaphore(%run_scoped3A : memref<!tpu.dma_semaphore, #tpu.memory_space<semaphore_mem>>) {add = true}
        %dma_wait3A = arith.constant 0 : i32
        %dma_wait3A_87 = arith.constant 0 : i32
        %dma_wait3A_88 = tpu.memref_slice %arg12[%dma_wait3A, %dma_wait3A_87] : memref<100016x16xf32, #tpu.memory_space<vmem_shared>> -> memref<100016x16xf32, #tpu.memory_space<vmem_shared>>
        tpu.wait_indirect_dma semaphore(%run_scoped3A : memref<!tpu.dma_semaphore, #tpu.memory_space<semaphore_mem>>) src(%arg15 : memref<128x16xf32, #tpu.memory_space<vmem>>) dst(%dma_wait3A_88 : memref<100016x16xf32, #tpu.memory_space<vmem_shared>>)
        tpu.yield
      }) : () -> ()
    }
    %scan3A_67 = arith.constant 782 : i32
    %barrier3A_68 = arith.constant 0 : index
    tpu.barrier barrier_id(%barrier3A_68)
    %scan3A_69 = arith.constant 0 : i32
    %scan3A_70 = arith.constant 40 : i32
    %scan3A_71 = arith.addi %scan3A_69, %scan3A_70 : i32
    %scan3A_72 = arith.constant 1 : i32
    scf.for %scan3A_75 = %scan3A_69 to %scan3A_71 step %scan3A_72  : i32 {
      %mul3A_76 = arith.constant 1 : i32
      %mul3A_77 = arith.muli %scan3A_75, %mul3A_76 : i32
      %add3A = arith.constant 0 : i32
      %add3A_78 = arith.addi %add3A, %mul3A_77 : i32
      %mul3A_79 = arith.constant 16 : i32
      %mul3A_80 = arith.muli %mul3A_79, %add3A_78 : i32
      %add3A_81 = arith.addi %arg1, %mul3A_80 : i32
      %lt3A = arith.constant 625 : i32
      %lt3A_82 = arith.cmpi slt, %add3A_81, %lt3A : i32
      %convert_element_type3A_83 = arith.extui %lt3A_82 : i1 to i32
      %cond3A_84 = arith.constant 0 : i32
      %cond3A_85 = arith.cmpi ne, %convert_element_type3A_83, %cond3A_84 : i32
      scf.if %cond3A_85 {
        %mul3A_86 = arith.constant 160 : i32
        %mul3A_87 = arith.muli %add3A_81, %mul3A_86 : i32
        "tpu.region"() ({
          %run_scoped3A = tpu.sem_alloc : memref<!tpu.dma_semaphore, #tpu.memory_space<semaphore_mem>>
          %dma_start3A = arith.constant 0 : i32
          %dma_start3A_95 = tpu.memref_slice %arg12[%mul3A_87, %dma_start3A] : memref<100016x16xf32, #tpu.memory_space<vmem_shared>> -> memref<160x16xf32, #tpu.memory_space<vmem_shared>>
          %dma_start3A_96 = arith.constant 0 : i32
          %dma_start3A_97 = tpu.memref_slice %arg12[%mul3A_87, %dma_start3A_96] : memref<100016x16xf32, #tpu.memory_space<vmem_shared>> -> memref<160x16xf32, #tpu.memory_space<vmem_shared>>
          tpu.enqueue_dma source(%dma_start3A_97 : memref<160x16xf32, #tpu.memory_space<vmem_shared>>) target(%arg16 : memref<160x16xf32, #tpu.memory_space<vmem>>) target_semaphore(%run_scoped3A : memref<!tpu.dma_semaphore, #tpu.memory_space<semaphore_mem>>)
          %dma_wait3A = arith.constant 0 : i32
          %dma_wait3A_98 = tpu.memref_slice %arg12[%mul3A_87, %dma_wait3A] : memref<100016x16xf32, #tpu.memory_space<vmem_shared>> -> memref<160x16xf32, #tpu.memory_space<vmem_shared>>
          %dma_wait3A_99 = arith.constant 0 : i32
          %dma_wait3A_100 = tpu.memref_slice %arg12[%mul3A_87, %dma_wait3A_99] : memref<100016x16xf32, #tpu.memory_space<vmem_shared>> -> memref<160x16xf32, #tpu.memory_space<vmem_shared>>
          tpu.wait_dma2 semaphore(%run_scoped3A : memref<!tpu.dma_semaphore, #tpu.memory_space<semaphore_mem>>) src(%dma_wait3A_100 : memref<160x16xf32, #tpu.memory_space<vmem_shared>>) dst(%arg16 : memref<160x16xf32, #tpu.memory_space<vmem>>)
          tpu.yield
        }) : () -> ()
        %add3A_88 = arith.addi %mul3A_0, %mul3A_87 : i32
        "tpu.region"() ({
          %run_scoped3A = tpu.sem_alloc : memref<!tpu.dma_semaphore, #tpu.memory_space<semaphore_mem>>
          %dma_start3A = arith.constant 0 : i32
          %dma_start3A_95 = tpu.memref_slice %arg5[%add3A_88, %dma_start3A] : memref<200000x16xf32, #tpu.memory_space<hbm>> -> memref<160x16xf32, #tpu.memory_space<hbm>>
          %dma_start3A_96 = arith.constant 0 : i32
          %dma_start3A_97 = tpu.memref_slice %arg5[%add3A_88, %dma_start3A_96] : memref<200000x16xf32, #tpu.memory_space<hbm>> -> memref<160x16xf32, #tpu.memory_space<hbm>>
          tpu.enqueue_dma source(%dma_start3A_97 : memref<160x16xf32, #tpu.memory_space<hbm>>) target(%arg17 : memref<160x16xf32, #tpu.memory_space<vmem>>) target_semaphore(%run_scoped3A : memref<!tpu.dma_semaphore, #tpu.memory_space<semaphore_mem>>)
          %dma_wait3A = arith.constant 0 : i32
          %dma_wait3A_98 = tpu.memref_slice %arg5[%add3A_88, %dma_wait3A] : memref<200000x16xf32, #tpu.memory_space<hbm>> -> memref<160x16xf32, #tpu.memory_space<hbm>>
          %dma_wait3A_99 = arith.constant 0 : i32
          %dma_wait3A_100 = tpu.memref_slice %arg5[%add3A_88, %dma_wait3A_99] : memref<200000x16xf32, #tpu.memory_space<hbm>> -> memref<160x16xf32, #tpu.memory_space<hbm>>
          tpu.wait_dma2 semaphore(%run_scoped3A : memref<!tpu.dma_semaphore, #tpu.memory_space<semaphore_mem>>) src(%dma_wait3A_100 : memref<160x16xf32, #tpu.memory_space<hbm>>) dst(%arg17 : memref<160x16xf32, #tpu.memory_space<vmem>>)
          tpu.yield
        }) : () -> ()
        "tpu.region"() ({
          %run_scoped3A = tpu.sem_alloc : memref<!tpu.dma_semaphore, #tpu.memory_space<semaphore_mem>>
          %dma_start3A = arith.constant 0 : i32
          %dma_start3A_95 = tpu.memref_slice %arg6[%mul3A_87, %dma_start3A] : memref<100000x16xf32, #tpu.memory_space<hbm>> -> memref<160x16xf32, #tpu.memory_space<hbm>>
          %dma_start3A_96 = arith.constant 0 : i32
          %dma_start3A_97 = tpu.memref_slice %arg6[%mul3A_87, %dma_start3A_96] : memref<100000x16xf32, #tpu.memory_space<hbm>> -> memref<160x16xf32, #tpu.memory_space<hbm>>
          tpu.enqueue_dma source(%dma_start3A_97 : memref<160x16xf32, #tpu.memory_space<hbm>>) target(%arg18 : memref<160x16xf32, #tpu.memory_space<vmem>>) target_semaphore(%run_scoped3A : memref<!tpu.dma_semaphore, #tpu.memory_space<semaphore_mem>>)
          %dma_wait3A = arith.constant 0 : i32
          %dma_wait3A_98 = tpu.memref_slice %arg6[%mul3A_87, %dma_wait3A] : memref<100000x16xf32, #tpu.memory_space<hbm>> -> memref<160x16xf32, #tpu.memory_space<hbm>>
          %dma_wait3A_99 = arith.constant 0 : i32
          %dma_wait3A_100 = tpu.memref_slice %arg6[%mul3A_87, %dma_wait3A_99] : memref<100000x16xf32, #tpu.memory_space<hbm>> -> memref<160x16xf32, #tpu.memory_space<hbm>>
          tpu.wait_dma2 semaphore(%run_scoped3A : memref<!tpu.dma_semaphore, #tpu.memory_space<semaphore_mem>>) src(%dma_wait3A_100 : memref<160x16xf32, #tpu.memory_space<hbm>>) dst(%arg18 : memref<160x16xf32, #tpu.memory_space<vmem>>)
          tpu.yield
        }) : () -> ()
        %scan3A_89 = arith.constant 0 : i32
        %scan3A_90 = arith.constant 160 : i32
        %scan3A_91 = arith.addi %scan3A_89, %scan3A_90 : i32
        %scan3A_92 = arith.constant 1 : i32
        scf.for %scan3A_95 = %scan3A_89 to %scan3A_91 step %scan3A_92  : i32 {
          %mul3A_96 = arith.constant 1 : i32
          %mul3A_97 = arith.muli %scan3A_95, %mul3A_96 : i32
          %add3A_98 = arith.constant 0 : i32
          %add3A_99 = arith.addi %add3A_98, %mul3A_97 : i32
          %get3A = arith.index_cast %add3A_99 : i32 to index
          %get3A_100 = arith.constant 0 : index
          %get3A_101 = tpu.vector_load %arg17[%get3A, %get3A_100] {strides = array<i32>} : memref<160x16xf32, #tpu.memory_space<vmem>>, vector<1x16xf32>,
          %get3A_102 = vector.shape_cast %get3A_101 : vector<1x16xf32> to vector<16xf32>
          %get3A_103 = arith.index_cast %add3A_99 : i32 to index
          %get3A_104 = arith.constant 0 : index
          %get3A_105 = tpu.vector_load %arg18[%get3A_103, %get3A_104] {strides = array<i32>} : memref<160x16xf32, #tpu.memory_space<vmem>>, vector<1x16xf32>,
          %get3A_106 = vector.shape_cast %get3A_105 : vector<1x16xf32> to vector<16xf32>
          %get3A_107 = arith.index_cast %add3A_99 : i32 to index
          %get3A_108 = arith.constant 0 : index
          %get3A_109 = tpu.vector_load %arg16[%get3A_107, %get3A_108] {strides = array<i32>} : memref<160x16xf32, #tpu.memory_space<vmem>>, vector<1x16xf32>,
          %get3A_110 = vector.shape_cast %get3A_109 : vector<1x16xf32> to vector<16xf32>
          %mul3A_111 = arith.mulf %get3A_106, %get3A_110 : vector<16xf32>
          %add3A_112 = arith.addf %get3A_102, %mul3A_111 : vector<16xf32>
          %swap3A = arith.index_cast %add3A_99 : i32 to index
          %swap3A_113 = arith.constant 0 : index
          %swap3A_114 = tpu.vector_load %arg17[%swap3A, %swap3A_113] {strides = array<i32>} : memref<160x16xf32, #tpu.memory_space<vmem>>, vector<1x16xf32>,
          %swap3A_115 = vector.shape_cast %swap3A_114 : vector<1x16xf32> to vector<16xf32>
          %swap3A_116 = vector.shape_cast %add3A_112 : vector<16xf32> to vector<1x16xf32>
          tpu.vector_store %arg17[%swap3A, %swap3A_113], %swap3A_116 {strides = array<i32>} : memref<160x16xf32, #tpu.memory_space<vmem>>, vector<1x16xf32>,
        }
        %scan3A_93 = arith.constant 160 : i32
        %add3A_94 = arith.addi %mul3A_0, %mul3A_87 : i32
        "tpu.region"() ({
          %run_scoped3A = tpu.sem_alloc : memref<!tpu.dma_semaphore, #tpu.memory_space<semaphore_mem>>
          %dma_start3A = arith.constant 0 : i32
          %dma_start3A_95 = tpu.memref_slice %arg9[%add3A_94, %dma_start3A] : memref<200000x16xf32, #tpu.memory_space<hbm>> -> memref<160x16xf32, #tpu.memory_space<hbm>>
          %dma_start3A_96 = arith.constant 0 : i32
          %dma_start3A_97 = tpu.memref_slice %arg9[%add3A_94, %dma_start3A_96] : memref<200000x16xf32, #tpu.memory_space<hbm>> -> memref<160x16xf32, #tpu.memory_space<hbm>>
          tpu.enqueue_dma source(%arg17 : memref<160x16xf32, #tpu.memory_space<vmem>>) target(%dma_start3A_97 : memref<160x16xf32, #tpu.memory_space<hbm>>) target_semaphore(%run_scoped3A : memref<!tpu.dma_semaphore, #tpu.memory_space<semaphore_mem>>)
          %dma_wait3A = arith.constant 0 : i32
          %dma_wait3A_98 = tpu.memref_slice %arg9[%add3A_94, %dma_wait3A] : memref<200000x16xf32, #tpu.memory_space<hbm>> -> memref<160x16xf32, #tpu.memory_space<hbm>>
          %dma_wait3A_99 = arith.constant 0 : i32
          %dma_wait3A_100 = tpu.memref_slice %arg9[%add3A_94, %dma_wait3A_99] : memref<200000x16xf32, #tpu.memory_space<hbm>> -> memref<160x16xf32, #tpu.memory_space<hbm>>
          tpu.wait_dma2 semaphore(%run_scoped3A : memref<!tpu.dma_semaphore, #tpu.memory_space<semaphore_mem>>) src(%arg17 : memref<160x16xf32, #tpu.memory_space<vmem>>) dst(%dma_wait3A_100 : memref<160x16xf32, #tpu.memory_space<hbm>>)
          tpu.yield
        }) : () -> ()
        "tpu.region"() ({
          %run_scoped3A = tpu.sem_alloc : memref<!tpu.dma_semaphore, #tpu.memory_space<semaphore_mem>>
          %dma_start3A = arith.constant 0 : i32
          %dma_start3A_95 = tpu.memref_slice %arg12[%mul3A_87, %dma_start3A] : memref<100016x16xf32, #tpu.memory_space<vmem_shared>> -> memref<160x16xf32, #tpu.memory_space<vmem_shared>>
          %dma_start3A_96 = arith.constant 0 : i32
          %dma_start3A_97 = tpu.memref_slice %arg12[%mul3A_87, %dma_start3A_96] : memref<100016x16xf32, #tpu.memory_space<vmem_shared>> -> memref<160x16xf32, #tpu.memory_space<vmem_shared>>
          tpu.enqueue_dma source(%arg19 : memref<160x16xf32, #tpu.memory_space<vmem>>) target(%dma_start3A_97 : memref<160x16xf32, #tpu.memory_space<vmem_shared>>) target_semaphore(%run_scoped3A : memref<!tpu.dma_semaphore, #tpu.memory_space<semaphore_mem>>)
          %dma_wait3A = arith.constant 0 : i32
          %dma_wait3A_98 = tpu.memref_slice %arg12[%mul3A_87, %dma_wait3A] : memref<100016x16xf32, #tpu.memory_space<vmem_shared>> -> memref<160x16xf32, #tpu.memory_space<vmem_shared>>
          %dma_wait3A_99 = arith.constant 0 : i32
          %dma_wait3A_100 = tpu.memref_slice %arg12[%mul3A_87, %dma_wait3A_99] : memref<100016x16xf32, #tpu.memory_space<vmem_shared>> -> memref<160x16xf32, #tpu.memory_space<vmem_shared>>
          tpu.wait_dma2 semaphore(%run_scoped3A : memref<!tpu.dma_semaphore, #tpu.memory_space<semaphore_mem>>) src(%arg19 : memref<160x16xf32, #tpu.memory_space<vmem>>) dst(%dma_wait3A_100 : memref<160x16xf32, #tpu.memory_space<vmem_shared>>)
          tpu.yield
        }) : () -> ()
      } else {
      }
    }
    %scan3A_73 = arith.constant 40 : i32
    %barrier3A_74 = arith.constant 0 : index
    tpu.barrier barrier_id(%barrier3A_74)
    return
  }
}

#map = affine_map<(d0, d1) -> (0)>
#map1 = affine_map<(d0, d1) -> (0, 0)>
module attributes {stable_mosaic.version = 14 : i64} {
  func.func @deg_k(%arg0: i32, %arg1: i32, %arg2: memref<1601536xi32, #tpu.memory_space<hbm>>, %arg3: memref<100000x16xf32, #tpu.memory_space<hbm>>, %arg4: memref<100016x16xf32, #tpu.memory_space<vmem_shared>>, %arg5: memref<128xi32, #tpu.memory_space<vmem>>, %arg6: memref<128x16xf32, #tpu.memory_space<vmem>>, %arg7: memref<160x16xf32, #tpu.memory_space<vmem>>) attributes {dimension_semantics = [#tpu.dimension_semantics<core_parallel>, #tpu.dimension_semantics<subcore_parallel>], iteration_bounds = array<i64: 2, 16>, scalar_prefetch = 0 : i64, scratch_operands = 4 : i64, tpu.core_type = #tpu.core_type<sc_vector_subcore>, window_params = [{transform_indices = #map}, {transform_indices = #map1}]} {
    %broadcast_in_dim3A = arith.constant 1.000000e+00 : f32
    %broadcast_in_dim3A_0 = vector.broadcast %broadcast_in_dim3A : f32 to vector<16xf32>
    %broadcast_in_dim3A_1 = arith.constant 0.000000e+00 : f32
    %broadcast_in_dim3A_2 = vector.broadcast %broadcast_in_dim3A_1 : f32 to vector<16xf32>
    %scan3A = arith.constant 0 : i32
    %scan3A_3 = arith.constant 128 : i32
    %scan3A_4 = arith.addi %scan3A, %scan3A_3 : i32
    %scan3A_5 = arith.constant 1 : i32
    scf.for %scan3A_30 = %scan3A to %scan3A_4 step %scan3A_5  : i32 {
      %mul3A = arith.constant 1 : i32
      %mul3A_31 = arith.muli %scan3A_30, %mul3A : i32
      %add3A = arith.constant 0 : i32
      %add3A_32 = arith.addi %add3A, %mul3A_31 : i32
      %swap3A = arith.index_cast %add3A_32 : i32 to index
      %swap3A_33 = arith.constant 0 : index
      %swap3A_34 = tpu.vector_load %arg6[%swap3A, %swap3A_33] {strides = array<i32>} : memref<128x16xf32, #tpu.memory_space<vmem>>, vector<1x16xf32>,
      %swap3A_35 = vector.shape_cast %swap3A_34 : vector<1x16xf32> to vector<16xf32>
      %swap3A_36 = vector.shape_cast %broadcast_in_dim3A_0 : vector<16xf32> to vector<1x16xf32>
      tpu.vector_store %arg6[%swap3A, %swap3A_33], %swap3A_36 {strides = array<i32>} : memref<128x16xf32, #tpu.memory_space<vmem>>, vector<1x16xf32>,
    }
    %scan3A_6 = arith.constant 128 : i32
    %scan3A_7 = arith.constant 0 : i32
    %scan3A_8 = arith.constant 160 : i32
    %scan3A_9 = arith.addi %scan3A_7, %scan3A_8 : i32
    %scan3A_10 = arith.constant 1 : i32
    scf.for %scan3A_30 = %scan3A_7 to %scan3A_9 step %scan3A_10  : i32 {
      %mul3A = arith.constant 1 : i32
      %mul3A_31 = arith.muli %scan3A_30, %mul3A : i32
      %add3A = arith.constant 0 : i32
      %add3A_32 = arith.addi %add3A, %mul3A_31 : i32
      %swap3A = arith.index_cast %add3A_32 : i32 to index
      %swap3A_33 = arith.constant 0 : index
      %swap3A_34 = tpu.vector_load %arg7[%swap3A, %swap3A_33] {strides = array<i32>} : memref<160x16xf32, #tpu.memory_space<vmem>>, vector<1x16xf32>,
      %swap3A_35 = vector.shape_cast %swap3A_34 : vector<1x16xf32> to vector<16xf32>
      %swap3A_36 = vector.shape_cast %broadcast_in_dim3A_2 : vector<16xf32> to vector<1x16xf32>
      tpu.vector_store %arg7[%swap3A, %swap3A_33], %swap3A_36 {strides = array<i32>} : memref<160x16xf32, #tpu.memory_space<vmem>>, vector<1x16xf32>,
    }
    %scan3A_11 = arith.constant 160 : i32
    %scan3A_12 = arith.constant 0 : i32
    %scan3A_13 = arith.constant 40 : i32
    %scan3A_14 = arith.addi %scan3A_12, %scan3A_13 : i32
    %scan3A_15 = arith.constant 1 : i32
    scf.for %scan3A_30 = %scan3A_12 to %scan3A_14 step %scan3A_15  : i32 {
      %mul3A = arith.constant 1 : i32
      %mul3A_31 = arith.muli %scan3A_30, %mul3A : i32
      %add3A = arith.constant 0 : i32
      %add3A_32 = arith.addi %add3A, %mul3A_31 : i32
      %mul3A_33 = arith.constant 16 : i32
      %mul3A_34 = arith.muli %mul3A_33, %add3A_32 : i32
      %add3A_35 = arith.addi %arg1, %mul3A_34 : i32
      %lt3A = arith.constant 625 : i32
      %lt3A_36 = arith.cmpi slt, %add3A_35, %lt3A : i32
      %convert_element_type3A_37 = arith.extui %lt3A_36 : i1 to i32
      %cond3A_38 = arith.constant 0 : i32
      %cond3A_39 = arith.cmpi ne, %convert_element_type3A_37, %cond3A_38 : i32
      scf.if %cond3A_39 {
        %mul3A_40 = arith.constant 160 : i32
        %mul3A_41 = arith.muli %add3A_35, %mul3A_40 : i32
        "tpu.region"() ({
          %run_scoped3A = tpu.sem_alloc : memref<!tpu.dma_semaphore, #tpu.memory_space<semaphore_mem>>
          %dma_start3A = arith.constant 0 : i32
          %dma_start3A_42 = tpu.memref_slice %arg4[%mul3A_41, %dma_start3A] : memref<100016x16xf32, #tpu.memory_space<vmem_shared>> -> memref<160x16xf32, #tpu.memory_space<vmem_shared>>
          %dma_start3A_43 = arith.constant 0 : i32
          %dma_start3A_44 = tpu.memref_slice %arg4[%mul3A_41, %dma_start3A_43] : memref<100016x16xf32, #tpu.memory_space<vmem_shared>> -> memref<160x16xf32, #tpu.memory_space<vmem_shared>>
          tpu.enqueue_dma source(%arg7 : memref<160x16xf32, #tpu.memory_space<vmem>>) target(%dma_start3A_44 : memref<160x16xf32, #tpu.memory_space<vmem_shared>>) target_semaphore(%run_scoped3A : memref<!tpu.dma_semaphore, #tpu.memory_space<semaphore_mem>>)
          %dma_wait3A = arith.constant 0 : i32
          %dma_wait3A_45 = tpu.memref_slice %arg4[%mul3A_41, %dma_wait3A] : memref<100016x16xf32, #tpu.memory_space<vmem_shared>> -> memref<160x16xf32, #tpu.memory_space<vmem_shared>>
          %dma_wait3A_46 = arith.constant 0 : i32
          %dma_wait3A_47 = tpu.memref_slice %arg4[%mul3A_41, %dma_wait3A_46] : memref<100016x16xf32, #tpu.memory_space<vmem_shared>> -> memref<160x16xf32, #tpu.memory_space<vmem_shared>>
          tpu.wait_dma2 semaphore(%run_scoped3A : memref<!tpu.dma_semaphore, #tpu.memory_space<semaphore_mem>>) src(%arg7 : memref<160x16xf32, #tpu.memory_space<vmem>>) dst(%dma_wait3A_47 : memref<160x16xf32, #tpu.memory_space<vmem_shared>>)
          tpu.yield
        }) : () -> ()
      } else {
      }
    }
    %scan3A_16 = arith.constant 40 : i32
    %eq3A = arith.constant 0 : i32
    %eq3A_17 = arith.cmpi eq, %arg1, %eq3A : i32
    %convert_element_type3A = arith.extui %eq3A_17 : i1 to i32
    %cond3A = arith.constant 0 : i32
    %cond3A_18 = arith.cmpi ne, %convert_element_type3A, %cond3A : i32
    scf.if %cond3A_18 {
      "tpu.region"() ({
        %run_scoped3A = tpu.sem_alloc : memref<!tpu.dma_semaphore, #tpu.memory_space<semaphore_mem>>
        %dma_start3A = arith.constant 0 : i32
        %dma_start3A_30 = arith.constant 0 : i32
        %dma_start3A_31 = tpu.memref_slice %arg7[%dma_start3A, %dma_start3A_30] : memref<160x16xf32, #tpu.memory_space<vmem>> -> memref<16x16xf32, #tpu.memory_space<vmem>>
        %dma_start3A_32 = arith.constant 100000 : i32
        %dma_start3A_33 = arith.constant 0 : i32
        %dma_start3A_34 = tpu.memref_slice %arg4[%dma_start3A_32, %dma_start3A_33] : memref<100016x16xf32, #tpu.memory_space<vmem_shared>> -> memref<16x16xf32, #tpu.memory_space<vmem_shared>>
        %dma_start3A_35 = arith.constant 100000 : i32
        %dma_start3A_36 = arith.constant 0 : i32
        %dma_start3A_37 = tpu.memref_slice %arg4[%dma_start3A_35, %dma_start3A_36] : memref<100016x16xf32, #tpu.memory_space<vmem_shared>> -> memref<16x16xf32, #tpu.memory_space<vmem_shared>>
        %dma_start3A_38 = arith.constant 0 : i32
        %dma_start3A_39 = arith.constant 0 : i32
        %dma_start3A_40 = tpu.memref_slice %arg7[%dma_start3A_38, %dma_start3A_39] : memref<160x16xf32, #tpu.memory_space<vmem>> -> memref<16x16xf32, #tpu.memory_space<vmem>>
        tpu.enqueue_dma source(%dma_start3A_40 : memref<16x16xf32, #tpu.memory_space<vmem>>) target(%dma_start3A_37 : memref<16x16xf32, #tpu.memory_space<vmem_shared>>) target_semaphore(%run_scoped3A : memref<!tpu.dma_semaphore, #tpu.memory_space<semaphore_mem>>)
        %dma_wait3A = arith.constant 0 : i32
        %dma_wait3A_41 = arith.constant 0 : i32
        %dma_wait3A_42 = tpu.memref_slice %arg7[%dma_wait3A, %dma_wait3A_41] : memref<160x16xf32, #tpu.memory_space<vmem>> -> memref<16x16xf32, #tpu.memory_space<vmem>>
        %dma_wait3A_43 = arith.constant 100000 : i32
        %dma_wait3A_44 = arith.constant 0 : i32
        %dma_wait3A_45 = tpu.memref_slice %arg4[%dma_wait3A_43, %dma_wait3A_44] : memref<100016x16xf32, #tpu.memory_space<vmem_shared>> -> memref<16x16xf32, #tpu.memory_space<vmem_shared>>
        %dma_wait3A_46 = arith.constant 100000 : i32
        %dma_wait3A_47 = arith.constant 0 : i32
        %dma_wait3A_48 = tpu.memref_slice %arg4[%dma_wait3A_46, %dma_wait3A_47] : memref<100016x16xf32, #tpu.memory_space<vmem_shared>> -> memref<16x16xf32, #tpu.memory_space<vmem_shared>>
        %dma_wait3A_49 = arith.constant 0 : i32
        %dma_wait3A_50 = arith.constant 0 : i32
        %dma_wait3A_51 = tpu.memref_slice %arg7[%dma_wait3A_49, %dma_wait3A_50] : memref<160x16xf32, #tpu.memory_space<vmem>> -> memref<16x16xf32, #tpu.memory_space<vmem>>
        tpu.wait_dma2 semaphore(%run_scoped3A : memref<!tpu.dma_semaphore, #tpu.memory_space<semaphore_mem>>) src(%dma_wait3A_51 : memref<16x16xf32, #tpu.memory_space<vmem>>) dst(%dma_wait3A_48 : memref<16x16xf32, #tpu.memory_space<vmem_shared>>)
        tpu.yield
      }) : () -> ()
    } else {
    }
    %barrier3A = arith.constant 0 : index
    tpu.barrier barrier_id(%barrier3A)
    %scan3A_19 = arith.constant 0 : i32
    %scan3A_20 = arith.constant 782 : i32
    %scan3A_21 = arith.addi %scan3A_19, %scan3A_20 : i32
    %scan3A_22 = arith.constant 1 : i32
    scf.for %scan3A_30 = %scan3A_19 to %scan3A_21 step %scan3A_22  : i32 {
      %mul3A = arith.constant 1 : i32
      %mul3A_31 = arith.muli %scan3A_30, %mul3A : i32
      %add3A = arith.constant 0 : i32
      %add3A_32 = arith.addi %add3A, %mul3A_31 : i32
      %mul3A_33 = arith.constant 782 : i32
      %mul3A_34 = arith.muli %arg1, %mul3A_33 : i32
      %add3A_35 = arith.addi %mul3A_34, %add3A_32 : i32
      %mul3A_36 = arith.constant 128 : i32
      %mul3A_37 = arith.muli %add3A_35, %mul3A_36 : i32
      "tpu.region"() ({
        %run_scoped3A = tpu.sem_alloc : memref<!tpu.dma_semaphore, #tpu.memory_space<semaphore_mem>>
        %dma_start3A = tpu.memref_slice %arg2[%mul3A_37] : memref<1601536xi32, #tpu.memory_space<hbm>> -> memref<128xi32, #tpu.memory_space<hbm>>
        %dma_start3A_38 = tpu.memref_slice %arg2[%mul3A_37] : memref<1601536xi32, #tpu.memory_space<hbm>> -> memref<128xi32, #tpu.memory_space<hbm>>
        tpu.enqueue_dma source(%dma_start3A_38 : memref<128xi32, #tpu.memory_space<hbm>>) target(%arg5 : memref<128xi32, #tpu.memory_space<vmem>>) target_semaphore(%run_scoped3A : memref<!tpu.dma_semaphore, #tpu.memory_space<semaphore_mem>>)
        %dma_wait3A = tpu.memref_slice %arg2[%mul3A_37] : memref<1601536xi32, #tpu.memory_space<hbm>> -> memref<128xi32, #tpu.memory_space<hbm>>
        %dma_wait3A_39 = tpu.memref_slice %arg2[%mul3A_37] : memref<1601536xi32, #tpu.memory_space<hbm>> -> memref<128xi32, #tpu.memory_space<hbm>>
        tpu.wait_dma2 semaphore(%run_scoped3A : memref<!tpu.dma_semaphore, #tpu.memory_space<semaphore_mem>>) src(%dma_wait3A_39 : memref<128xi32, #tpu.memory_space<hbm>>) dst(%arg5 : memref<128xi32, #tpu.memory_space<vmem>>)
        tpu.yield
      }) : () -> ()
      "tpu.region"() ({
        %run_scoped3A = tpu.sem_alloc : memref<!tpu.dma_semaphore, #tpu.memory_space<semaphore_mem>>
        %dma_start3A = arith.constant 0 : i32
        %dma_start3A_38 = arith.constant 0 : i32
        %dma_start3A_39 = tpu.memref_slice %arg4[%dma_start3A, %dma_start3A_38] : memref<100016x16xf32, #tpu.memory_space<vmem_shared>> -> memref<100016x16xf32, #tpu.memory_space<vmem_shared>>
        tpu.enqueue_indirect_dma source(%arg6 : memref<128x16xf32, #tpu.memory_space<vmem>>) target(%dma_start3A_39 : memref<100016x16xf32, #tpu.memory_space<vmem_shared>>) offsets(%arg5 : memref<128xi32, #tpu.memory_space<vmem>>) semaphore(%run_scoped3A : memref<!tpu.dma_semaphore, #tpu.memory_space<semaphore_mem>>) {add = true}
        %dma_wait3A = arith.constant 0 : i32
        %dma_wait3A_40 = arith.constant 0 : i32
        %dma_wait3A_41 = tpu.memref_slice %arg4[%dma_wait3A, %dma_wait3A_40] : memref<100016x16xf32, #tpu.memory_space<vmem_shared>> -> memref<100016x16xf32, #tpu.memory_space<vmem_shared>>
        tpu.wait_indirect_dma semaphore(%run_scoped3A : memref<!tpu.dma_semaphore, #tpu.memory_space<semaphore_mem>>) src(%arg6 : memref<128x16xf32, #tpu.memory_space<vmem>>) dst(%dma_wait3A_41 : memref<100016x16xf32, #tpu.memory_space<vmem_shared>>)
        tpu.yield
      }) : () -> ()
    }
    %scan3A_23 = arith.constant 782 : i32
    %barrier3A_24 = arith.constant 0 : index
    tpu.barrier barrier_id(%barrier3A_24)
    %eq3A_25 = arith.constant 0 : i32
    %eq3A_26 = arith.cmpi eq, %arg0, %eq3A_25 : i32
    %convert_element_type3A_27 = arith.extui %eq3A_26 : i1 to i32
    %cond3A_28 = arith.constant 0 : i32
    %cond3A_29 = arith.cmpi ne, %convert_element_type3A_27, %cond3A_28 : i32
    scf.if %cond3A_29 {
      %scan3A_30 = arith.constant 0 : i32
      %scan3A_31 = arith.constant 40 : i32
      %scan3A_32 = arith.addi %scan3A_30, %scan3A_31 : i32
      %scan3A_33 = arith.constant 1 : i32
      scf.for %scan3A_35 = %scan3A_30 to %scan3A_32 step %scan3A_33  : i32 {
        %mul3A = arith.constant 1 : i32
        %mul3A_36 = arith.muli %scan3A_35, %mul3A : i32
        %add3A = arith.constant 0 : i32
        %add3A_37 = arith.addi %add3A, %mul3A_36 : i32
        %mul3A_38 = arith.constant 16 : i32
        %mul3A_39 = arith.muli %mul3A_38, %add3A_37 : i32
        %add3A_40 = arith.addi %arg1, %mul3A_39 : i32
        %lt3A = arith.constant 625 : i32
        %lt3A_41 = arith.cmpi slt, %add3A_40, %lt3A : i32
        %convert_element_type3A_42 = arith.extui %lt3A_41 : i1 to i32
        %cond3A_43 = arith.constant 0 : i32
        %cond3A_44 = arith.cmpi ne, %convert_element_type3A_42, %cond3A_43 : i32
        scf.if %cond3A_44 {
          %mul3A_45 = arith.constant 160 : i32
          %mul3A_46 = arith.muli %add3A_40, %mul3A_45 : i32
          "tpu.region"() ({
            %run_scoped3A = tpu.sem_alloc : memref<!tpu.dma_semaphore, #tpu.memory_space<semaphore_mem>>
            %dma_start3A = arith.constant 0 : i32
            %dma_start3A_56 = tpu.memref_slice %arg4[%mul3A_46, %dma_start3A] : memref<100016x16xf32, #tpu.memory_space<vmem_shared>> -> memref<160x16xf32, #tpu.memory_space<vmem_shared>>
            %dma_start3A_57 = arith.constant 0 : i32
            %dma_start3A_58 = tpu.memref_slice %arg4[%mul3A_46, %dma_start3A_57] : memref<100016x16xf32, #tpu.memory_space<vmem_shared>> -> memref<160x16xf32, #tpu.memory_space<vmem_shared>>
            tpu.enqueue_dma source(%dma_start3A_58 : memref<160x16xf32, #tpu.memory_space<vmem_shared>>) target(%arg7 : memref<160x16xf32, #tpu.memory_space<vmem>>) target_semaphore(%run_scoped3A : memref<!tpu.dma_semaphore, #tpu.memory_space<semaphore_mem>>)
            %dma_wait3A = arith.constant 0 : i32
            %dma_wait3A_59 = tpu.memref_slice %arg4[%mul3A_46, %dma_wait3A] : memref<100016x16xf32, #tpu.memory_space<vmem_shared>> -> memref<160x16xf32, #tpu.memory_space<vmem_shared>>
            %dma_wait3A_60 = arith.constant 0 : i32
            %dma_wait3A_61 = tpu.memref_slice %arg4[%mul3A_46, %dma_wait3A_60] : memref<100016x16xf32, #tpu.memory_space<vmem_shared>> -> memref<160x16xf32, #tpu.memory_space<vmem_shared>>
            tpu.wait_dma2 semaphore(%run_scoped3A : memref<!tpu.dma_semaphore, #tpu.memory_space<semaphore_mem>>) src(%dma_wait3A_61 : memref<160x16xf32, #tpu.memory_space<vmem_shared>>) dst(%arg7 : memref<160x16xf32, #tpu.memory_space<vmem>>)
            tpu.yield
          }) : () -> ()
          %mul3A_47 = arith.constant 160 : i32
          %mul3A_48 = arith.muli %add3A_40, %mul3A_47 : i32
          "tpu.region"() ({
            %run_scoped3A = tpu.sem_alloc : memref<!tpu.dma_semaphore, #tpu.memory_space<semaphore_mem>>
            %dma_start3A = arith.constant 0 : i32
            %dma_start3A_56 = tpu.memref_slice %arg3[%mul3A_48, %dma_start3A] : memref<100000x16xf32, #tpu.memory_space<hbm>> -> memref<160x16xf32, #tpu.memory_space<hbm>>
            %dma_start3A_57 = arith.constant 0 : i32
            %dma_start3A_58 = tpu.memref_slice %arg3[%mul3A_48, %dma_start3A_57] : memref<100000x16xf32, #tpu.memory_space<hbm>> -> memref<160x16xf32, #tpu.memory_space<hbm>>
            tpu.enqueue_dma source(%arg7 : memref<160x16xf32, #tpu.memory_space<vmem>>) target(%dma_start3A_58 : memref<160x16xf32, #tpu.memory_space<hbm>>) target_semaphore(%run_scoped3A : memref<!tpu.dma_semaphore, #tpu.memory_space<semaphore_mem>>)
            %dma_wait3A = arith.constant 0 : i32
            %dma_wait3A_59 = tpu.memref_slice %arg3[%mul3A_48, %dma_wait3A] : memref<100000x16xf32, #tpu.memory_space<hbm>> -> memref<160x16xf32, #tpu.memory_space<hbm>>
            %dma_wait3A_60 = arith.constant 0 : i32
            %dma_wait3A_61 = tpu.memref_slice %arg3[%mul3A_48, %dma_wait3A_60] : memref<100000x16xf32, #tpu.memory_space<hbm>> -> memref<160x16xf32, #tpu.memory_space<hbm>>
            tpu.wait_dma2 semaphore(%run_scoped3A : memref<!tpu.dma_semaphore, #tpu.memory_space<semaphore_mem>>) src(%arg7 : memref<160x16xf32, #tpu.memory_space<vmem>>) dst(%dma_wait3A_61 : memref<160x16xf32, #tpu.memory_space<hbm>>)
            tpu.yield
          }) : () -> ()
          %broadcast_in_dim3A_49 = arith.constant 0.000000e+00 : f32
          %broadcast_in_dim3A_50 = vector.broadcast %broadcast_in_dim3A_49 : f32 to vector<16xf32>
          %scan3A_51 = arith.constant 0 : i32
          %scan3A_52 = arith.constant 160 : i32
          %scan3A_53 = arith.addi %scan3A_51, %scan3A_52 : i32
          %scan3A_54 = arith.constant 1 : i32
          scf.for %scan3A_56 = %scan3A_51 to %scan3A_53 step %scan3A_54  : i32 {
            %mul3A_57 = arith.constant 1 : i32
            %mul3A_58 = arith.muli %scan3A_56, %mul3A_57 : i32
            %add3A_59 = arith.constant 0 : i32
            %add3A_60 = arith.addi %add3A_59, %mul3A_58 : i32
            %swap3A = arith.index_cast %add3A_60 : i32 to index
            %swap3A_61 = arith.constant 0 : index
            %swap3A_62 = tpu.vector_load %arg7[%swap3A, %swap3A_61] {strides = array<i32>} : memref<160x16xf32, #tpu.memory_space<vmem>>, vector<1x16xf32>,
            %swap3A_63 = vector.shape_cast %swap3A_62 : vector<1x16xf32> to vector<16xf32>
            %swap3A_64 = vector.shape_cast %broadcast_in_dim3A_50 : vector<16xf32> to vector<1x16xf32>
            tpu.vector_store %arg7[%swap3A, %swap3A_61], %swap3A_64 {strides = array<i32>} : memref<160x16xf32, #tpu.memory_space<vmem>>, vector<1x16xf32>,
          }
          %scan3A_55 = arith.constant 160 : i32
        } else {
        }
      }
      %scan3A_34 = arith.constant 40 : i32
    } else {
    }
    return
  }
}

module attributes {stable_mosaic.version = 14 : i64} {
  func.func @body(%arg0: i32, %arg1: i32, %arg2: memref<1000x128xf32, #tpu.memory_space<vmem>>, %arg3: memref<64x128xf32, #tpu.memory_space<vmem>>, %arg4: memref<1x64xf32, #tpu.memory_space<vmem>>, %arg5: memref<16x64xf32, #tpu.memory_space<vmem>>, %arg6: memref<2x16xf32, #tpu.memory_space<vmem>>, %arg7: memref<1000x16xf32, #tpu.memory_space<vmem>>, %arg8: memref<1000x16xf32, #tpu.memory_space<vmem>>, %arg9: memref<1000x16xf32, #tpu.memory_space<vmem>>, %arg10: memref<1000x16xf32, #tpu.memory_space<vmem>>, %arg11: memref<1000x16xf32, #tpu.memory_space<vmem>>, %arg12: memref<1000x16xf32, #tpu.memory_space<vmem>>) attributes {dimension_semantics = [#tpu.dimension_semantics<arbitrary>, #tpu.dimension_semantics<arbitrary>], iteration_bounds = array<i64: 100, 2>, scalar_prefetch = 0 : i64, scratch_operands = 0 : i64, tpu.core_type = #tpu.core_type<tc>, window_params = [{transform_indices = @transform_0, window_bounds = array<i64: 1000, 128>}, {pipeline_mode = #tpu.pipeline_mode<synchronous>, transform_indices = @transform_1, window_bounds = array<i64: 64, 128>}, {pipeline_mode = #tpu.pipeline_mode<synchronous>, transform_indices = @transform_2, window_bounds = array<i64: 1, 64>}, {transform_indices = @transform_3, window_bounds = array<i64: 16, 64>}, {pipeline_mode = #tpu.pipeline_mode<synchronous>, transform_indices = @transform_4, window_bounds = array<i64: 2, 16>}, {transform_indices = @transform_5, window_bounds = array<i64: 1000, 16>}, {transform_indices = @transform_6, window_bounds = array<i64: 1000, 16>}, {transform_indices = @transform_7, window_bounds = array<i64: 1000, 16>}, {transform_indices = @transform_8, window_bounds = array<i64: 1000, 16>}, {transform_indices = @transform_9, window_bounds = array<i64: 1000, 16>}, {transform_indices = @transform_10, window_bounds = array<i64: 1000, 16>}]} {
    %get3A = arith.constant 0 : index
    %get3A_0 = arith.constant 0 : index
    %get3A_1 = vector.load %arg2[%get3A, %get3A_0] : memref<1000x128xf32, #tpu.memory_space<vmem>>, vector<1000x128xf32>
    %get3A_2 = arith.constant 0 : index
    %get3A_3 = arith.constant 0 : index
    %get3A_4 = vector.load %arg3[%get3A_2, %get3A_3] : memref<64x128xf32, #tpu.memory_space<vmem>>, vector<64x128xf32>
    %dot_general3A = arith.constant dense<0.000000e+00> : vector<1000x64xf32>
    %dot_general3A_5 = tpu.matmul %get3A_1, %get3A_4, %dot_general3A {dimension_numbers = #tpu.dot_dimension_numbers<[1], [1], [0], [0], [0, 0, 1, 0], [], []>, transpose_lhs_hint = false} : vector<1000x128xf32>, vector<64x128xf32>, vector<1000x64xf32> -> vector<1000x64xf32>
    %get3A_6 = arith.constant 0 : index
    %get3A_7 = arith.constant 0 : index
    %get3A_8 = vector.load %arg4[%get3A_6, %get3A_7] : memref<1x64xf32, #tpu.memory_space<vmem>>, vector<1x64xf32>
    %add3A = vector.broadcast %get3A_8 : vector<1x64xf32> to vector<1000x64xf32>
    %add3A_9 = arith.addf %dot_general3A_5, %add3A : vector<1000x64xf32>
    %max3A = arith.constant 0.000000e+00 : f32
    %max3A_10 = vector.broadcast %max3A : f32 to vector<1000x64xf32>
    %max3A_11 = arith.maximumf %add3A_9, %max3A_10 : vector<1000x64xf32>
    %get3A_12 = arith.constant 0 : index
    %get3A_13 = arith.constant 0 : index
    %get3A_14 = vector.load %arg5[%get3A_12, %get3A_13] : memref<16x64xf32, #tpu.memory_space<vmem>>, vector<16x64xf32>
    %dot_general3A_15 = arith.constant dense<0.000000e+00> : vector<1000x16xf32>
    %dot_general3A_16 = tpu.matmul %max3A_11, %get3A_14, %dot_general3A_15 {dimension_numbers = #tpu.dot_dimension_numbers<[1], [1], [0], [0], [0, 0, 1, 0], [], []>, transpose_lhs_hint = false} : vector<1000x64xf32>, vector<16x64xf32>, vector<1000x16xf32> -> vector<1000x16xf32>
    %get3A_17 = arith.index_cast %arg1 : i32 to index
    %get3A_18 = arith.constant 0 : index
    %get3A_19 = vector.load %arg6[%get3A_17, %get3A_18] : memref<2x16xf32, #tpu.memory_space<vmem>>, vector<1x16xf32>
    %add3A_20 = vector.broadcast %get3A_19 : vector<1x16xf32> to vector<1000x16xf32>
    %add3A_21 = arith.addf %dot_general3A_16, %add3A_20 : vector<1000x16xf32>
    %get3A_22 = arith.constant 0 : index
    %get3A_23 = arith.constant 0 : index
    %get3A_24 = vector.load %arg7[%get3A_22, %get3A_23] : memref<1000x16xf32, #tpu.memory_space<vmem>>, vector<1000x16xf32>
    %max3A_25 = arith.constant 1.000000e-24 : f32
    %max3A_26 = vector.broadcast %max3A_25 : f32 to vector<1000x16xf32>
    %max3A_27 = arith.maximumf %get3A_24, %max3A_26 : vector<1000x16xf32>
    %rsqrt3A = math.rsqrt %max3A_27 : vector<1000x16xf32>
    %mul3A = arith.mulf %rsqrt3A, %add3A_21 : vector<1000x16xf32>
    %swap3A = arith.constant 0 : index
    %swap3A_28 = arith.constant 0 : index
    %swap3A_29 = vector.load %arg8[%swap3A, %swap3A_28] : memref<1000x16xf32, #tpu.memory_space<vmem>>, vector<1000x16xf32>
    tpu.vector_store %arg8[%swap3A, %swap3A_28], %mul3A {strides = array<i32>} : memref<1000x16xf32, #tpu.memory_space<vmem>>, vector<1000x16xf32>,
    %mul3A_30 = arith.constant 1.000000e-01 : f32
    %mul3A_31 = vector.broadcast %mul3A_30 : f32 to vector<1000x16xf32>
    %mul3A_32 = arith.mulf %mul3A_31, %mul3A : vector<1000x16xf32>
    %swap3A_33 = arith.constant 0 : index
    %swap3A_34 = arith.constant 0 : index
    %swap3A_35 = vector.load %arg9[%swap3A_33, %swap3A_34] : memref<1000x16xf32, #tpu.memory_space<vmem>>, vector<1000x16xf32>
    tpu.vector_store %arg9[%swap3A_33, %swap3A_34], %mul3A_32 {strides = array<i32>} : memref<1000x16xf32, #tpu.memory_space<vmem>>, vector<1000x16xf32>,
    %mul3A_36 = arith.constant 1.000000e-01 : f32
    %mul3A_37 = vector.broadcast %mul3A_36 : f32 to vector<1000x16xf32>
    %mul3A_38 = arith.mulf %mul3A_37, %add3A_21 : vector<1000x16xf32>
    %swap3A_39 = arith.constant 0 : index
    %swap3A_40 = arith.constant 0 : index
    %swap3A_41 = vector.load %arg11[%swap3A_39, %swap3A_40] : memref<1000x16xf32, #tpu.memory_space<vmem>>, vector<1000x16xf32>
    tpu.vector_store %arg11[%swap3A_39, %swap3A_40], %mul3A_38 {strides = array<i32>} : memref<1000x16xf32, #tpu.memory_space<vmem>>, vector<1000x16xf32>,
    %mul3A_42 = arith.constant 0.899999976 : f32
    %mul3A_43 = vector.broadcast %mul3A_42 : f32 to vector<1000x16xf32>
    %mul3A_44 = arith.mulf %mul3A_43, %rsqrt3A : vector<1000x16xf32>
    %mul3A_45 = arith.mulf %mul3A_44, %rsqrt3A : vector<1000x16xf32>
    %swap3A_46 = arith.constant 0 : index
    %swap3A_47 = arith.constant 0 : index
    %swap3A_48 = vector.load %arg10[%swap3A_46, %swap3A_47] : memref<1000x16xf32, #tpu.memory_space<vmem>>, vector<1000x16xf32>
    tpu.vector_store %arg10[%swap3A_46, %swap3A_47], %mul3A_45 {strides = array<i32>} : memref<1000x16xf32, #tpu.memory_space<vmem>>, vector<1000x16xf32>,
    %mul3A_49 = arith.constant 0.899999976 : f32
    %mul3A_50 = vector.broadcast %mul3A_49 : f32 to vector<1000x16xf32>
    %mul3A_51 = arith.mulf %mul3A_50, %rsqrt3A : vector<1000x16xf32>
    %swap3A_52 = arith.constant 0 : index
    %swap3A_53 = arith.constant 0 : index
    %swap3A_54 = vector.load %arg12[%swap3A_52, %swap3A_53] : memref<1000x16xf32, #tpu.memory_space<vmem>>, vector<1000x16xf32>
    tpu.vector_store %arg12[%swap3A_52, %swap3A_53], %mul3A_51 {strides = array<i32>} : memref<1000x16xf32, #tpu.memory_space<vmem>>, vector<1000x16xf32>,
    return
  }
  func.func @transform_0(%arg0: i32, %arg1: i32) -> (i32, i32) {
    %c0_i32 = arith.constant 0 : i32
    %c0_i32_0 = arith.constant 0 : i32
    return %arg0, %c0_i32 : i32, i32
  }
  func.func @transform_1(%arg0: i32, %arg1: i32) -> (i32, i32) {
    %c0_i32 = arith.constant 0 : i32
    %c0_i32_0 = arith.constant 0 : i32
    %c0_i32_1 = arith.constant 0 : i32
    return %c0_i32, %c0_i32_0 : i32, i32
  }
  func.func @transform_2(%arg0: i32, %arg1: i32) -> (i32, i32) {
    %c0_i32 = arith.constant 0 : i32
    %c0_i32_0 = arith.constant 0 : i32
    %c0_i32_1 = arith.constant 0 : i32
    return %c0_i32, %c0_i32_0 : i32, i32
  }
  func.func @transform_3(%arg0: i32, %arg1: i32) -> (i32, i32) {
    %c0_i32 = arith.constant 0 : i32
    %c0_i32_0 = arith.constant 0 : i32
    return %arg1, %c0_i32 : i32, i32
  }
  func.func @transform_4(%arg0: i32, %arg1: i32) -> (i32, i32) {
    %c0_i32 = arith.constant 0 : i32
    %c0_i32_0 = arith.constant 0 : i32
    %c0_i32_1 = arith.constant 0 : i32
    return %c0_i32, %c0_i32_0 : i32, i32
  }
  func.func @transform_5(%arg0: i32, %arg1: i32) -> (i32, i32) {
    %c0_i32 = arith.constant 0 : i32
    %c0_i32_0 = arith.constant 0 : i32
    return %arg0, %c0_i32 : i32, i32
  }
  func.func @transform_6(%arg0: i32, %arg1: i32) -> (i32, i32) {
    %mul3A = arith.constant 100 : i32
    %mul3A_0 = arith.muli %arg1, %mul3A : i32
    %add3A = arith.addi %mul3A_0, %arg0 : i32
    %c0_i32 = arith.constant 0 : i32
    %c0_i32_1 = arith.constant 0 : i32
    return %add3A, %c0_i32 : i32, i32
  }
  func.func @transform_7(%arg0: i32, %arg1: i32) -> (i32, i32) {
    %mul3A = arith.constant 100 : i32
    %mul3A_0 = arith.muli %arg1, %mul3A : i32
    %add3A = arith.addi %mul3A_0, %arg0 : i32
    %c0_i32 = arith.constant 0 : i32
    %c0_i32_1 = arith.constant 0 : i32
    return %add3A, %c0_i32 : i32, i32
  }
  func.func @transform_8(%arg0: i32, %arg1: i32) -> (i32, i32) {
    %c0_i32 = arith.constant 0 : i32
    %c0_i32_0 = arith.constant 0 : i32
    return %arg0, %c0_i32 : i32, i32
  }
  func.func @transform_9(%arg0: i32, %arg1: i32) -> (i32, i32) {
    %mul3A = arith.constant 100 : i32
    %mul3A_0 = arith.muli %arg1, %mul3A : i32
    %add3A = arith.addi %mul3A_0, %arg0 : i32
    %c0_i32 = arith.constant 0 : i32
    %c0_i32_1 = arith.constant 0 : i32
    return %add3A, %c0_i32 : i32, i32
  }
  func.func @transform_10(%arg0: i32, %arg1: i32) -> (i32, i32) {
    %c0_i32 = arith.constant 0 : i32
    %c0_i32_0 = arith.constant 0 : i32
    return %arg0, %c0_i32 : i32, i32
  }
}

</mosaic_0001>

<sc_bundles>
// kernel: kernel.5.cloned.1.call-start
scs
__scs_entry_jumppad:
0x0: {  	(pc) =	sbr.rel $0x88, $3  }
0x1: {  	(tag) =	ssettag $0x0;
	lr =	simm.s32 $0x1  }
0x2: {  	[smem:$0x3F9B] =	sst lr;
	_ =	strace $0xD0000000  }
0x3: {  	_ = 	snop  }
0x4: {  	_ = 	snop  }
0x5: {  	_ = 	snop  }
0x6: {  	_ = 	snop  }
0x7: {  	_ = 	snop  }
__scs_overlays_trampoline_lowered:
0x8: {  	[smem:$0x3FAA] =	sst s0  }
0x9: {  	[smem:$0x3FAB] =	sst s1  }
0xa: {  	[smem:$0x3FAC] =	sst s2  }
0xb: {  	[smem:$0x3FAD] =	sst s3  }
0xc: {  	[smem:$0x3FAE] =	sst s4  }
0xd: {  	[smem:$0x3FAF] =	sst s5  }
0xe: {  	[smem:$0x3FB0] =	sst s6  }
0xf: {  	[smem:$0x3FB1] =	sst s7  }
0x10: {  	[smem:$0x3FB2] =	sst s8  }
0x11: {  	[smem:$0x3FB3] =	sst s9;
	s0 =	simm.s32 @!p0 $0x0  }
0x12: {  	s1 =	sld [smem:$0x3F99];
	s0 =	simm.s32 @p0 $0x1  }
0x13: {  	[smem:$0x3FB4] =	sst s0;
	s0 =	simm.s32 @!p1 $0x0  }
0x14: {  	s2 =	sld [smem:$0x3F98];
	s0 =	simm.s32 @p1 $0x1  }
0x15: {  	[smem:$0x3FB5] =	sst s0;
	s0 =	simm.s32 @!p2 $0x0  }
0x16: {  	s3 =	sld [smem:$0x3FDB];
	s0 =	simm.s32 @p2 $0x1  }
0x17: {  	s4 =	simm.s32 $0x1BF5;
	[smem:$0x3FB7] =	sst s0  }
0x18: {  	s0 =	sld [smem:$0x3F9A];
	_ =	swait.ge [sflag:s4], $0x0  }
0x19: {  	s7 =	sld [smem:$0x3F9B]  }
0x1a: {  	s8 =	sadd.s32 $0xFFFFE003, lr  }
0x1b: {  	s9 =	sadd.s32 $0xFFFFFEF7, lr;
	s5 =	simm.s32 $0xFFFFFFFF;
	p2 =	slt.u32 s8, $0xFFFFF086  }
0x1c: {  	p1 =	slt.u32 s9, $0xF7A;
	s5 =	simm.s32 @!p2 $0x0  }
0x1d: {  	s5 =	simm.s32 @p1 $0x1;
	p0 =	seq.s32 s7, s2  }
0x1e: {  	s7 =	smul.u32 @!p0 $0xF7A, s2;
	p2 =	seq.s32 @!p0 s5, $0x0  }
0x1f: {  	s9 =	smul.u32 $0xF7A, s1;
	s8 =	simm.s32 @!p0 $0x1BF5;
	p2 =	por !p2, p0  }
0x20: {  	[sflag:s8] =	ssyncset.s32 @!p0 $0xFFFFF086;
	s6 =	sadd.s32 @!p0 s3, s7;
	s7 =	simm.s32 @!p0 $0x108  }
0x21: {  	s3 =	sadd.s32 s3, s9;
	s6 =	sadd.s32 @!p0 $0x88, s6;
	s7 =	simm.s32 @p2 $0x1082  }
0x22: {  	[simem:s7], [sflag:s8] =	dma.local @!p0 [hbm:s6], $0xF7A  }
0x23: {  	s9 =	sor.u32 $0xD0000000, s2;
	s6 =	simm.s32 $0x108;
	_ =	swait.ge @!p0 [sflag:s8], $0x0  }
0x24: {  	s3 =	sadd.s32 $0x88, s3;
	s6 =	simm.s32 @!p1 $0x1082;
	[sflag:s4] =	ssyncset.s32 $0xFFFFF086  }
0x25: {  	[simem:s6], [sflag:s4] =	dma.local [hbm:s3], $0xF7A  }
0x26: {  	[smem:$0x3F9B] =	sst s1;
	(tag) =	ssettag s2;
	_ =	strace s9  }
0x27: {  	s1 =	sld [smem:$0x3FAB]  }
0x28: {  	s2 =	sld [smem:$0x3FAC]  }
0x29: {  	s4 =	sld [smem:$0x3FAE]  }
0x2a: {  	p0 =	seq.s32 s5, $0x0;
	s5 =	sld [smem:$0x3FAF]  }
0x2b: {  	s6 =	sld [smem:$0x3FB0]  }
0x2c: {  	s7 =	sld [smem:$0x3FB1]  }
0x2d: {  	s3 =	simm.s32 $0x108;
	s8 =	sld [smem:$0x3FB2]  }
0x2e: {  	s3 =	simm.s32 @!p0 $0x1082;
	s9 =	sld [smem:$0x3FB3]  }
0x2f: {  	lr =	sadd.s32 s0, s3;
	s0 =	sld [smem:$0x3FAA]  }
0x30: {  	s3 =	sld [smem:$0x3FAD]  }
0x31: {  	[smem:$0x3FB6] =	sst s10  }
0x32: {  	s10 =	sld [smem:$0x3FB4];
	_ =	sdelay $0x3  }
0x33: {  	p0 =	seq.s32 s10, $0x1;
	s10 =	sld [smem:$0x3FB6];
	_ =	sdelay $0x3  }
0x34: {  	[smem:$0x3FB6] =	sst s10  }
0x35: {  	s10 =	sld [smem:$0x3FB5];
	_ =	sdelay $0x3  }
0x36: {  	p1 =	seq.s32 s10, $0x1;
	s10 =	sld [smem:$0x3FB6];
	_ =	sdelay $0x3  }
0x37: {  	[smem:$0x3FB6] =	sst s10  }
0x38: {  	s10 =	sld [smem:$0x3FB7]  }
0x39: {  	_ = 	snop;
	(pc) =	sbr.ind lr, $3  }
0x3a: {  	_ = 	snop  }
0x3b: {  	_ = 	snop  }
0x3c: {  	p2 =	seq.s32 s10, $0x1;
	s10 =	sld [smem:$0x3FB6]  }
0x3d: {  	_ =	shalt  }
0x3e: {  	_ =	shalt  }
0x3f: {  	_ =	shalt  }
0x40: {  	_ =	shalt  }
0x41: {  	_ =	shalt  }
0x42: {  	_ =	shalt  }
0x43: {  	_ =	shalt  }
0x44: {  	_ =	shalt  }
0x45: {  	_ =	shalt  }
0x46: {  	_ =	shalt  }
0x47: {  	_ =	shalt  }
0x48: {  	_ =	shalt  }
0x49: {  	_ =	shalt  }
0x4a: {  	_ =	shalt  }
0x4b: {  	_ =	shalt  }
0x4c: {  	_ =	shalt  }
0x4d: {  	_ =	shalt  }
0x4e: {  	_ =	shalt  }
0x4f: {  	_ =	shalt  }
0x50: {  	_ =	shalt  }
0x51: {  	_ =	shalt  }
0x52: {  	_ =	shalt  }
0x53: {  	_ =	shalt  }
0x54: {  	_ =	shalt  }
0x55: {  	_ =	shalt  }
0x56: {  	_ =	shalt  }
0x57: {  	_ =	shalt  }
0x58: {  	_ =	shalt  }
0x59: {  	_ =	shalt  }
0x5a: {  	_ =	shalt  }
0x5b: {  	_ =	shalt  }
0x5c: {  	_ =	shalt  }
0x5d: {  	_ =	shalt  }
0x5e: {  	_ =	shalt  }
0x5f: {  	_ =	shalt  }
0x60: {  	_ =	shalt  }
0x61: {  	_ =	shalt  }
0x62: {  	_ =	shalt  }
0x63: {  	_ =	shalt  }
0x64: {  	_ =	shalt  }
0x65: {  	_ =	shalt  }
0x66: {  	_ =	shalt  }
0x67: {  	_ =	shalt  }
0x68: {  	_ =	shalt  }
0x69: {  	_ =	shalt  }
0x6a: {  	_ =	shalt  }
0x6b: {  	_ =	shalt  }
0x6c: {  	_ =	shalt  }
0x6d: {  	_ =	shalt  }
0x6e: {  	_ =	shalt  }
0x6f: {  	_ =	shalt  }
0x70: {  	_ =	shalt  }
0x71: {  	_ =	shalt  }
0x72: {  	_ =	shalt  }
0x73: {  	_ =	shalt  }
0x74: {  	_ =	shalt  }
0x75: {  	_ =	shalt  }
0x76: {  	_ =	shalt  }
0x77: {  	_ =	shalt  }
0x78: {  	_ =	shalt  }
0x79: {  	_ =	shalt  }
0x7a: {  	_ =	shalt  }
0x7b: {  	_ =	shalt  }
0x7c: {  	_ =	shalt  }
0x7d: {  	_ =	shalt  }
0x7e: {  	_ =	shalt  }
0x7f: {  	_ =	shalt  }
0x80: {  	_ =	shalt  }
0x81: {  	_ =	shalt  }
0x82: {  	_ =	shalt  }
0x83: {  	_ =	shalt  }
0x84: {  	_ =	shalt  }
0x85: {  	_ =	shalt  }
0x86: {  	_ =	shalt  }
0x87: {  	_ =	shalt  }
.Lfunc_end0:
.L_simem_size_0:
called_computation_lowered:
.L_overlay_start_0:
0x88: {  	s2 =	sld [smem:$0x3FD9]  }
0x89: {  	s3 =	sld [smem:$0x3FFE];
	_ =	sdelay $0x1  }
0x8a: {  	s1 =	srdreg.scid  }
0x8b: {  	s0 =	sand.u32 $0x1, s1  }
0x8c: {  	s16 =	sshll.u32 s0, $0xA;
	s2 =	sadd.s32 s3, s2  }
0x8d: {  	s2 =	sadd.s32 s2, s16  }
0x8e: {  	[smem:$0x3FC2] =	sst s2  }
0x8f: {  	_ = 	snop  }
0x90: {  	(tm) =	ssettm $0x1  }
0x91: {  	s17 =	sld [smem:$0x3FFB];
	_ =	sdelay $0x3  }
0x92: {  	_ =	strace s17  }
0x93: {  	s2 =	sld [smem:$0x3FFC];
	_ =	sdelay $0x3  }
0x94: {  	_ =	strace s2  }
0x95: {  	s2 =	sld [smem:$0x3FFD];
	_ =	sdelay $0x3  }
0x96: {  	_ =	strace s2  }
0x97: {  	_ =	strace $0x8FFFFFFF  }
0x98: {  	s18 =	sld [smem:$0x3FDB];
	_ =	sdelay $0x1  }
0x99: {  	s19 =	simm.s32 $_scs_section_size  }
0x9a: {  	s4 =	simm.s32 $_size__tile_overlayer_lowered;
	s5 =	simm.s32 $_tile_overlayer_lowered  }
0x9b: {  	s22 =	simm.s32 $0x1BFF;
	s21 =	sshll.u32 s5, $0x1;
	s2 =	sadd.s32 s19, s18  }
0x9c: {  	s6 =	simm.s32 $0x0;
	s20 =	sshll.u32 s4, $0x1;
	s4 =	sadd.s32 s21, s2  }
0x9d: {  	[timem:s6], [sflag:s22] =	dma.local [hbm:s4], s20  }
0x9e: {  	_ =	swait.ge [sflag:s22], s20  }
0x9f: {  	s3 =	ssub.s32 $0x0, s20;
	[sflag:s22] =	ssyncset.done $0x0  }
0xa0: {  	[sflag:s22] =	ssyncadd.s32 s3;
	_ =	sdelay $0x1  }
0xa1: {  	s23 =	simm.s32 $0x1B8B  }
0xa2: {  	_ =	swait.ge [sflag:s23], $0x1  }
0xa3: {  	[sflag:s23] =	ssyncset.done $0x0  }
0xa4: {  	s25 =	simm.s32 $0x1B8E;
	s24 =	sld [smem:$0x3FFE];
	[sflag:s23] =	ssyncadd.s32 $0xFFFFFFFF  }
0xa5: {  	s26 =	simm.s32 $execute0_lowered;
	[smem:$0x3FD2] =	sst s25  }
0xa6: {  	s4 =	sshll.u32 s26, $0x1;
	_ =	strace $0x80000046;
	[dreg:$0x1] =	wrdreg $0xFFFFFFFF  }
0xa7: {  	s28 =	simm.s32 $_size_execute0_lowered;
	s2 =	sadd.s32 s2, s4;
	[dreg:$0x0] =	wrdreg $0x0  }
0xa8: {  	s4 =	sshll.u32 s28, $0x1;
	[dreg:$0x2] =	wrdreg s2  }
0xa9: {  	[dreg:$0x3] =	wrdreg s4  }
0xaa: {  	[dreg:$0x4] =	wrdreg $0xC0  }
0xab: {  	_ =	task [dreg:s6], $0x5FFFF  }
0xac: {  	[dreg:$0x1] =	wrdreg $0xFFFFFFFF  }
0xad: {  	[dreg:$0x0] =	wrdreg $0x60  }
0xae: {  	[dreg:$0x2] =	wrdreg s24  }
0xaf: {  	[dreg:$0x3] =	wrdreg $0x0  }
0xb0: {  	[dreg:$0x4] =	wrdreg $0x9  }
0xb1: {  	_ =	task.clear_ibuf [dreg:s6], $0x5FFFF;
	_ =	strace $0x90000046  }
0xb2: {  	s29 =	simm.s32 $0x9;
	_ =	strace $0x80000048  }
0xb3: {  	_ =	swait.ge [sflag:s29], $0x1  }
0xb4: {  	[sflag:s29] =	ssyncadd.s32 $0xFFFFFFFF  }
0xb5: {  	_ =	strace $0x90000048  }
0xb6: {  	_ =	sfence  }
0xb7: {  	s30 =	sld [smem:$0x0];
	_ =	sdelay $0x2  }
0xb8: {  	s31 =	sshll.u32 s1, $0xD;
	s1 =	sshrl.u32 s1, $0x2  }
0xb9: {  	s3 =	sand.u32 $0x4000, s31;
	s1 =	sadd.s32 s1, s30  }
0xba: {  	s0 =	sor.u32 s3, s0;
	s1 =	sshll.u32 s1, $0x11  }
0xbb: {  	s0 =	sor.u32 s1, s0  }
0xbc: {  	s0 =	sadd.s32 $0x8F2B, s0  }
0xbd: {  	[sflag:s0] =	ssyncadd.remote.s32 $0x1  }
0xbe: {  	_ =	sfence.sel $0xFFFF  }
0xbf: {  	[dreg:$0x0] =	wrdreg $0xFFFFFFFF;
	(pc) =	sbr.abs _section_cstart, $3  }
0xc0: {  	[dreg:$0x1] =	wrdreg $0xFFFFFFFF  }
0xc1: {  	_ =	task.clear_ibuf [dreg:s6], $0x2FFFF;
	_ =	strace $0x9FFFFFFF  }
0xc2: {  	(tm) =	ssettm $0x7FFFFFFF  }
0xc3: {  	_ =	shalt  }
tec
execute0_lowered:
.L_overlay_start_1:
0x0: {  	(tag) =	ssettag $0x1  }
0x1: {  	s4 =	rddreg [dreg:$0x0]  }
0x2: {  	s1 =	rddreg [dreg:$0x1]  }
0x3: {  	s0 =	rddreg [dreg:$0x2]  }
0x4: {  	s2 =	stileid.u32;
	s5 =	srdreg.scid;
	s3 =	simm.s32 $0x0  }
0x5: {  	s9 =	simm.s32 $0x186B0;
	s10 =	simm.s32 $0x1;
	s11 =	simm.s32 $0x80  }
0x6: {  	s12 =	simm.s32 $0x18730;
	s14 =	simm.s32 $0x0;
	s6 =	smul.u32 $0x30E0, s2  }
0x7: {  	s13 =	sand.u32 $0x1, s5;
	[smem:$0x7FF] =	sst s3;
	s7 =	smul.u32 $0x2800, s2  }
.Ltmp0:
0x8: {  	p0 =	sne.s32 s2, $0x0;
	s5 =	ssub.s32 $0x2, s13;
	(pc) =	sbr.rel .LBB2_1-.Ltmp0, $4  }
0x9: {  	_ =	strace $0x80000047;
	p1 =	sne.s32 s13, $0x0;
	s13 =	simm.s32 $0x18F30  }
0xa: {  	s8 =	sadd.s32 s6, s4;
	s31 =	sshrl.u32 s5, $0x1;
	s4 =	sadd.s32 $0x31E00, s4  }
0xb: {  	s7 =	sshrl.u32 s7, $0x2;
	s6 =	ssub.s32 s5, s31;
	s5 =	sadd.s32 $0x186A00, s1  }
0xc: {  	v0 =	vimm.f32 $1.000000000e+00;
	v1 =	vimm.f32 $0.0e+00;
	s7 =	sadd.s32 s7, s1;
	s8 =	sadd.s32 $0x1000, s8;
	s6 =	smax.u32 s6, $0x1  }
.LBB2_15:
0xd: {  	s14 =	sadd.s32 $0x1, s14  }
0xe: {  	p2 =	sne.s32 s14, s6  }
.Ltmp1:
0xf: {  	_ = 	snop;
	(pc) =	sbr.rel @!p2 .LBB2_16-.Ltmp1, $1  }
0x10: {  	_ =	sdelay $0x3  }
.LBB2_1:
0x11: {  	s15 =	simm.s32 $0x40;
	s16 =	simm.s32 $0x0  }
.LBB2_2:
0x12: {  	p2 =	sne.s32 s15, $0x1FC0;
	[tilespmem:s16+$0x18730] =	vst v0;
	s16 =	smov.u32 s15;
	s15 =	sadd.s32 $0x40, s15  }
.Ltmp2:
0x13: {  	(pc) =	sbr.rel @p2 .LBB2_2-.Ltmp2, $2  }
0x14: {  	_ =	sdelay $0x2  }
0x15: {  	s16 =	sshra.s32 s16, $0x2  }
0x16: {  	[tilespmem:s16+$0x18730] =	vst v0;
	s15 =	simm.s32 $0x40;
	s16 =	simm.s32 $0x0  }
.LBB2_4:
0x17: {  	p2 =	sne.s32 s15, $0x27C0;
	[tilespmem:s16+$0x18F30] =	vst v1;
	s16 =	smov.u32 s15;
	s15 =	sadd.s32 $0x40, s15  }
.Ltmp3:
0x18: {  	(pc) =	sbr.rel @p2 .LBB2_4-.Ltmp3, $2  }
0x19: {  	_ =	sdelay $0x2  }
0x1a: {  	s16 =	sshra.s32 s16, $0x2  }
0x1b: {  	s15 =	sadd.s32 $0x0, s2  }
0x1c: {  	p2 =	sgt.u32 s15, $0x270  }
0x1d: {  	[tilespmem:s16+$0x18F30] =	vst v1;
	s15 =	simm.s32 @!p2 $0x18F30;
	s18 =	simm.s32 @!p2 $0x1  }
0x1e: {  	[spmem:s7] =	stream.linear.scatter @!p2 [tilespmem:s15], [sflag:$0x1], $0xA00, $0x38;
	[tilespmem:$0x19930] =	vst v63  }
0x1f: {  	s16 =	simm.s32 $0x10;
	_ =	swait.ge @!p2 [sflag:s18], $0xA00  }
0x20: {  	s17 =	simm.s32 $0x20;
	s15 =	sadd.s32 $0xA000, s7;
	[sflag:s18] =	ssyncset.done @!p2 $0x0  }
.LBB2_6:
0x21: {  	s19 =	sadd.s32 s16, s2;
	s16 =	smov.u32 s17;
	s17 =	sadd.s32 $0x10, s17  }
0x22: {  	[sflag:s18] =	ssyncadd.s32 @!p2 $0xFFFFF600;
	p3 =	sne.s32 s17, $0x280  }
.Ltmp4:
0x23: {  	p2 =	sgt.u32 s19, $0x270;
	(pc) =	sbr.rel @p3 .LBB2_6-.Ltmp4, $4  }
0x24: {  	s19 =	simm.s32 @!p2 $0x18F30;
	s18 =	simm.s32 @!p2 $0x1  }
0x25: {  	[spmem:s15] =	stream.linear.scatter @!p2 [tilespmem:s19], [sflag:$0x1], $0xA00, $0x38;
	[tilespmem:$0x19930] =	vst v63  }
0x26: {  	_ =	swait.ge @!p2 [sflag:s18], $0xA00  }
0x27: {  	s15 =	sadd.s32 $0xA000, s15;
	[sflag:s18] =	ssyncset.done @!p2 $0x0  }
0x28: {  	s16 =	sadd.s32 s16, s2  }
0x29: {  	p3 =	sgt.u32 s16, $0x270  }
0x2a: {  	[sflag:s18] =	ssyncadd.s32 @!p2 $0xFFFFF600;
	s16 =	simm.s32 @!p3 $0x18F30;
	s17 =	simm.s32 @!p3 $0x1  }
0x2b: {  	[spmem:s15] =	stream.linear.scatter @!p3 [tilespmem:s16], [sflag:$0x1], $0xA00, $0x38;
	[tilespmem:$0x19930] =	vst v63  }
0x2c: {  	_ =	swait.ge @!p3 [sflag:s17], $0xA00  }
0x2d: {  	[sflag:s17] =	ssyncset.done @!p3 $0x0  }
0x2e: {  	s15 =	simm.s32 @!p0 $0x18F30;
	[sflag:s17] =	ssyncadd.s32 @!p3 $0xFFFFF600  }
0x2f: {  	[spmem:s5] =	stream.linear.scatter @!p0 [tilespmem:s15], [sflag:$0x1], $0x100, $0x38;
	[tilespmem:$0x19930] =	vst v63  }
0x30: {  	s15 =	simm.s32 @!p0 $0x1  }
0x31: {  	_ =	swait.ge @!p0 [sflag:s15], $0x100  }
0x32: {  	[sflag:s15] =	ssyncset.done @!p0 $0x0  }
0x33: {  	[sflag:s15] =	ssyncadd.s32 @!p0 $0xFFFFFF00  }
0x34: {  	s31 =	sadd.s32 $0x0, s8;
	[bflag:$0x0] =	sbarrier.arrive $0xFFFF  }
0x35: {  	[tilespmem:s9], [sflag:$0x1] =	stream.linear.gather [hbm4b:s31+s3], $0x80, $0x38;
	[tilespmem:$0x19930] =	vst v63  }
0x36: {  	_ =	swait.ge [sflag:s10], $0x80  }
0x37: {  	[sflag:s10] =	ssyncset.done $0x0  }
0x38: {  	[sflag:s10] =	ssyncadd.s32 $0xFFFFFF80  }
0x39: {  	[spmem:s1] =	stream.indirect.scatter.add.f32 [tilespmem:s12], [sflag:$0x1], $0x10, s9, s11, $0xb8;
	[tilespmem:$0x19930] =	vst v63  }
0x3a: {  	_ =	swait.ge [sflag:s10], $0x800  }
0x3b: {  	s16 =	simm.s32 $0x20;
	s15 =	simm.s32 $0x10;
	[sflag:s10] =	ssyncset.done $0x0  }
.LBB2_8:
0x3c: {  	s17 =	sadd.s32 s15, s8  }
0x3d: {  	[sflag:s10] =	ssyncadd.s32 $0xFFFFF800;
	s15 =	smov.u32 s16;
	s18 =	sadd.s32 $0x10, s16  }
0x3e: {  	[tilespmem:s9], [sflag:$0x1] =	stream.linear.gather [hbm4b:s17+s3], $0x80, $0x38;
	[tilespmem:$0x19930] =	vst v63  }
0x3f: {  	p2 =	sne.s32 s16, $0x30D0;
	_ =	swait.ge [sflag:s10], $0x80  }
.Ltmp5:
0x40: {  	[sflag:s10] =	ssyncset.done $0x0;
	(pc) =	sbr.rel @p2 .LBB2_8-.Ltmp5, $4  }
0x41: {  	[sflag:s10] =	ssyncadd.s32 $0xFFFFFF80  }
0x42: {  	[spmem:s1] =	stream.indirect.scatter.add.f32 [tilespmem:s12], [sflag:$0x1], $0x10, s9, s11, $0xb8;
	[tilespmem:$0x19930] =	vst v63  }
0x43: {  	_ =	swait.ge [sflag:s10], $0x800  }
0x44: {  	s16 =	smov.u32 s18;
	[sflag:s10] =	ssyncset.done $0x0  }
0x45: {  	s15 =	sadd.s32 s15, s8;
	[sflag:s10] =	ssyncadd.s32 $0xFFFFF800  }
0x46: {  	[tilespmem:s9], [sflag:$0x1] =	stream.linear.gather [hbm4b:s15+s3], $0x80, $0x38;
	[tilespmem:$0x19930] =	vst v63  }
0x47: {  	_ =	swait.ge [sflag:s10], $0x80  }
0x48: {  	[sflag:s10] =	ssyncset.done $0x0  }
0x49: {  	[sflag:s10] =	ssyncadd.s32 $0xFFFFFF80  }
0x4a: {  	[spmem:s1] =	stream.indirect.scatter.add.f32 [tilespmem:s12], [sflag:$0x1], $0x10, s9, s11, $0xb8;
	[tilespmem:$0x19930] =	vst v63  }
.Ltmp6:
0x4b: {  	_ =	swait.ge [sflag:s10], $0x800;
	(pc) =	sbr.rel @p1 .LBB2_15-.Ltmp6, $4  }
.Ltmp7:
0x4c: {  	[sflag:s10] =	ssyncset.done $0x0;
	(pc) =	sbr.rel @!p1 .LBB2_10-.Ltmp7, $4  }
0x4d: {  	[sflag:s10] =	ssyncadd.s32 $0xFFFFF800  }
0x4e: {  	[bflag:$0x0] =	sbarrier.arrive $0xFFFF  }
0x4f: {  	s15 =	simm.s32 $0x0  }
0x50: {  	_ = 	snop  }
.LBB2_14:
0x51: {  	s15 =	sadd.s32 $0x1, s15  }
0x52: {  	p2 =	sne.s32 s15, $0x28  }
.Ltmp8:
0x53: {  	_ = 	snop;
	(pc) =	sbr.rel @!p2 .LBB2_15-.Ltmp8, $1  }
0x54: {  	_ =	sdelay $0x3  }
.LBB2_10:
0x55: {  	s16 =	sshll.u32 s15, $0x4  }
0x56: {  	s16 =	sor.u32 s2, s16  }
0x57: {  	p2 =	sgt.u32 s16, $0x270  }
.Ltmp9:
0x58: {  	_ = 	snop;
	(pc) =	sbr.rel @p2 .LBB2_14-.Ltmp9, $1  }
0x59: {  	_ =	sdelay $0x3  }
0x5a: {  	s16 =	smul.u32 $0xA00, s16;
	_ =	sdelay $0x1  }
0x5b: {  	s17 =	sadd.s32 s16, s1  }
0x5c: {  	[tilespmem:s13], [sflag:$0x1] =	stream.linear.gather [spmem:s17], $0xA00, $0x38;
	[tilespmem:$0x19930] =	vst v63  }
0x5d: {  	_ =	swait.ge [sflag:s10], $0xA00  }
0x5e: {  	s16 =	sshrl.u32 s16, $0x3;
	[sflag:s10] =	ssyncset.done $0x0  }
0x5f: {  	s31 =	simm.s32 $0x0;
	s16 =	sadd.s32 s4, s16;
	[sflag:s10] =	ssyncadd.s32 $0xFFFFF600  }
0x60: {  	[hbm4b:s16+s31] =	stream.linear.scatter [tilespmem:s13], [sflag:$0x1], $0xA00, $0x38;
	[tilespmem:$0x19930] =	vst v63  }
0x61: {  	_ =	swait.ge [sflag:s10], $0xA00  }
0x62: {  	[sflag:s10] =	ssyncset.done $0x0  }
0x63: {  	s17 =	simm.s32 $0x0;
	s16 =	simm.s32 $0x40;
	[sflag:s10] =	ssyncadd.s32 $0xFFFFF600  }
.LBB2_12:
0x64: {  	p2 =	sne.s32 s16, $0x27C0;
	[tilespmem:s17+$0x18F30] =	vst v1;
	s17 =	smov.u32 s16;
	s16 =	sadd.s32 $0x40, s16  }
.Ltmp10:
0x65: {  	(pc) =	sbr.rel @p2 .LBB2_12-.Ltmp10, $2  }
0x66: {  	_ =	sdelay $0x2  }
0x67: {  	s17 =	sshra.s32 s17, $0x2  }
.Ltmp11:
0x68: {  	(pc) =	sbr.rel .LBB2_14-.Ltmp11, $2  }
0x69: {  	_ =	sdelay $0x2  }
0x6a: {  	[tilespmem:s17+$0x18F30] =	vst v1  }
.LBB2_16:
0x6b: {  	_ =	sfence.sel $0x180000  }
0x6c: {  	[bflag:$0x0] =	sbarrier.arrive $0xFFFF  }
0x6d: {  	_ =	strace $0x90000047  }
0x6e: {  	s0 =	sadd.s32 @!p0 $0x100000, s0;
	[bflag:$0x2] =	sbarrier.arrive $0xFFFF  }
0x6f: {  	[sflag:s0] =	ssyncadd.tile.s32 @!p0 $0x1;
	_ =	shalt  }
.Lfunc_end2:
_tile_overlayer_lowered:
.L_overlay_start_2:
0x70: {  	(tag) =	ssettag $0x2  }
0x71: {  	s0 =	rddreg [dreg:$0x0];
	s2 =	stileid.u32  }
0x72: {  	s1 =	rddreg [dreg:$0x1];
	p0 =	sne.s32 s2, $0x0  }
0x73: {  	s3 =	rddreg [dreg:$0x2];
	[bflag:$0x3] =	sbarrier.arrive $0xFFFF;
	s2 =	simm.s32 @!p0 $0x1C01  }
0x74: {  	[timem:s3], [sflag:s2] =	dma.local @!p0 [hbm:s0], s1  }
0x75: {  	s0 =	simm.s32 @!p0 $0x1  }
0x76: {  	_ =	swait.ge @!p0 [sflag:s0], s1  }
0x77: {  	s1 =	ssub.s32 @!p0 $0x0, s1;
	[sflag:s0] =	ssyncset.done @!p0 $0x0  }
0x78: {  	[sflag:s0] =	ssyncadd.s32 @!p0 s1  }
0x79: {  	[bflag:$0x3] =	sbarrier.arrive $0xFFFF  }
0x7a: {  	_ =	shalt  }

// kernel: kernel.8.cloned.1.call-start
scs
__scs_entry_jumppad:
0x0: {  	(pc) =	sbr.rel $0x88, $3  }
0x1: {  	(tag) =	ssettag $0x0;
	lr =	simm.s32 $0x1  }
0x2: {  	[smem:$0x3F9B] =	sst lr;
	_ =	strace $0xD0000000  }
0x3: {  	_ = 	snop  }
0x4: {  	_ = 	snop  }
0x5: {  	_ = 	snop  }
0x6: {  	_ = 	snop  }
0x7: {  	_ = 	snop  }
__scs_overlays_trampoline_lowered:
0x8: {  	[smem:$0x3FAA] =	sst s0  }
0x9: {  	[smem:$0x3FAB] =	sst s1  }
0xa: {  	[smem:$0x3FAC] =	sst s2  }
0xb: {  	[smem:$0x3FAD] =	sst s3  }
0xc: {  	[smem:$0x3FAE] =	sst s4  }
0xd: {  	[smem:$0x3FAF] =	sst s5  }
0xe: {  	[smem:$0x3FB0] =	sst s6  }
0xf: {  	[smem:$0x3FB1] =	sst s7  }
0x10: {  	[smem:$0x3FB2] =	sst s8  }
0x11: {  	[smem:$0x3FB3] =	sst s9;
	s0 =	simm.s32 @!p0 $0x0  }
0x12: {  	s1 =	sld [smem:$0x3F99];
	s0 =	simm.s32 @p0 $0x1  }
0x13: {  	[smem:$0x3FB4] =	sst s0;
	s0 =	simm.s32 @!p1 $0x0  }
0x14: {  	s2 =	sld [smem:$0x3F98];
	s0 =	simm.s32 @p1 $0x1  }
0x15: {  	[smem:$0x3FB5] =	sst s0;
	s0 =	simm.s32 @!p2 $0x0  }
0x16: {  	s3 =	sld [smem:$0x3FDB];
	s0 =	simm.s32 @p2 $0x1  }
0x17: {  	s4 =	simm.s32 $0x1BF5;
	[smem:$0x3FB7] =	sst s0  }
0x18: {  	s0 =	sld [smem:$0x3F9A];
	_ =	swait.ge [sflag:s4], $0x0  }
0x19: {  	s7 =	sld [smem:$0x3F9B]  }
0x1a: {  	s8 =	sadd.s32 $0xFFFFE003, lr  }
0x1b: {  	s9 =	sadd.s32 $0xFFFFFEF7, lr;
	s5 =	simm.s32 $0xFFFFFFFF;
	p2 =	slt.u32 s8, $0xFFFFF086  }
0x1c: {  	p1 =	slt.u32 s9, $0xF7A;
	s5 =	simm.s32 @!p2 $0x0  }
0x1d: {  	s5 =	simm.s32 @p1 $0x1;
	p0 =	seq.s32 s7, s2  }
0x1e: {  	s7 =	smul.u32 @!p0 $0xF7A, s2;
	p2 =	seq.s32 @!p0 s5, $0x0  }
0x1f: {  	s9 =	smul.u32 $0xF7A, s1;
	s8 =	simm.s32 @!p0 $0x1BF5;
	p2 =	por !p2, p0  }
0x20: {  	[sflag:s8] =	ssyncset.s32 @!p0 $0xFFFFF086;
	s6 =	sadd.s32 @!p0 s3, s7;
	s7 =	simm.s32 @!p0 $0x108  }
0x21: {  	s3 =	sadd.s32 s3, s9;
	s6 =	sadd.s32 @!p0 $0x88, s6;
	s7 =	simm.s32 @p2 $0x1082  }
0x22: {  	[simem:s7], [sflag:s8] =	dma.local @!p0 [hbm:s6], $0xF7A  }
0x23: {  	s9 =	sor.u32 $0xD0000000, s2;
	s6 =	simm.s32 $0x108;
	_ =	swait.ge @!p0 [sflag:s8], $0x0  }
0x24: {  	s3 =	sadd.s32 $0x88, s3;
	s6 =	simm.s32 @!p1 $0x1082;
	[sflag:s4] =	ssyncset.s32 $0xFFFFF086  }
0x25: {  	[simem:s6], [sflag:s4] =	dma.local [hbm:s3], $0xF7A  }
0x26: {  	[smem:$0x3F9B] =	sst s1;
	(tag) =	ssettag s2;
	_ =	strace s9  }
0x27: {  	s1 =	sld [smem:$0x3FAB]  }
0x28: {  	s2 =	sld [smem:$0x3FAC]  }
0x29: {  	s4 =	sld [smem:$0x3FAE]  }
0x2a: {  	p0 =	seq.s32 s5, $0x0;
	s5 =	sld [smem:$0x3FAF]  }
0x2b: {  	s6 =	sld [smem:$0x3FB0]  }
0x2c: {  	s7 =	sld [smem:$0x3FB1]  }
0x2d: {  	s3 =	simm.s32 $0x108;
	s8 =	sld [smem:$0x3FB2]  }
0x2e: {  	s3 =	simm.s32 @!p0 $0x1082;
	s9 =	sld [smem:$0x3FB3]  }
0x2f: {  	lr =	sadd.s32 s0, s3;
	s0 =	sld [smem:$0x3FAA]  }
0x30: {  	s3 =	sld [smem:$0x3FAD]  }
0x31: {  	[smem:$0x3FB6] =	sst s10  }
0x32: {  	s10 =	sld [smem:$0x3FB4];
	_ =	sdelay $0x3  }
0x33: {  	p0 =	seq.s32 s10, $0x1;
	s10 =	sld [smem:$0x3FB6];
	_ =	sdelay $0x3  }
0x34: {  	[smem:$0x3FB6] =	sst s10  }
0x35: {  	s10 =	sld [smem:$0x3FB5];
	_ =	sdelay $0x3  }
0x36: {  	p1 =	seq.s32 s10, $0x1;
	s10 =	sld [smem:$0x3FB6];
	_ =	sdelay $0x3  }
0x37: {  	[smem:$0x3FB6] =	sst s10  }
0x38: {  	s10 =	sld [smem:$0x3FB7]  }
0x39: {  	_ = 	snop;
	(pc) =	sbr.ind lr, $3  }
0x3a: {  	_ = 	snop  }
0x3b: {  	_ = 	snop  }
0x3c: {  	p2 =	seq.s32 s10, $0x1;
	s10 =	sld [smem:$0x3FB6]  }
0x3d: {  	_ =	shalt  }
0x3e: {  	_ =	shalt  }
0x3f: {  	_ =	shalt  }
0x40: {  	_ =	shalt  }
0x41: {  	_ =	shalt  }
0x42: {  	_ =	shalt  }
0x43: {  	_ =	shalt  }
0x44: {  	_ =	shalt  }
0x45: {  	_ =	shalt  }
0x46: {  	_ =	shalt  }
0x47: {  	_ =	shalt  }
0x48: {  	_ =	shalt  }
0x49: {  	_ =	shalt  }
0x4a: {  	_ =	shalt  }
0x4b: {  	_ =	shalt  }
0x4c: {  	_ =	shalt  }
0x4d: {  	_ =	shalt  }
0x4e: {  	_ =	shalt  }
0x4f: {  	_ =	shalt  }
0x50: {  	_ =	shalt  }
0x51: {  	_ =	shalt  }
0x52: {  	_ =	shalt  }
0x53: {  	_ =	shalt  }
0x54: {  	_ =	shalt  }
0x55: {  	_ =	shalt  }
0x56: {  	_ =	shalt  }
0x57: {  	_ =	shalt  }
0x58: {  	_ =	shalt  }
0x59: {  	_ =	shalt  }
0x5a: {  	_ =	shalt  }
0x5b: {  	_ =	shalt  }
0x5c: {  	_ =	shalt  }
0x5d: {  	_ =	shalt  }
0x5e: {  	_ =	shalt  }
0x5f: {  	_ =	shalt  }
0x60: {  	_ =	shalt  }
0x61: {  	_ =	shalt  }
0x62: {  	_ =	shalt  }
0x63: {  	_ =	shalt  }
0x64: {  	_ =	shalt  }
0x65: {  	_ =	shalt  }
0x66: {  	_ =	shalt  }
0x67: {  	_ =	shalt  }
0x68: {  	_ =	shalt  }
0x69: {  	_ =	shalt  }
0x6a: {  	_ =	shalt  }
0x6b: {  	_ =	shalt  }
0x6c: {  	_ =	shalt  }
0x6d: {  	_ =	shalt  }
0x6e: {  	_ =	shalt  }
0x6f: {  	_ =	shalt  }
0x70: {  	_ =	shalt  }
0x71: {  	_ =	shalt  }
0x72: {  	_ =	shalt  }
0x73: {  	_ =	shalt  }
0x74: {  	_ =	shalt  }
0x75: {  	_ =	shalt  }
0x76: {  	_ =	shalt  }
0x77: {  	_ =	shalt  }
0x78: {  	_ =	shalt  }
0x79: {  	_ =	shalt  }
0x7a: {  	_ =	shalt  }
0x7b: {  	_ =	shalt  }
0x7c: {  	_ =	shalt  }
0x7d: {  	_ =	shalt  }
0x7e: {  	_ =	shalt  }
0x7f: {  	_ =	shalt  }
0x80: {  	_ =	shalt  }
0x81: {  	_ =	shalt  }
0x82: {  	_ =	shalt  }
0x83: {  	_ =	shalt  }
0x84: {  	_ =	shalt  }
0x85: {  	_ =	shalt  }
0x86: {  	_ =	shalt  }
0x87: {  	_ =	shalt  }
.Lfunc_end0:
.L_simem_size_0:
called_computation.1_lowered:
.L_overlay_start_0:
0x88: {  	s2 =	sld [smem:$0x3FD9]  }
0x89: {  	s3 =	sld [smem:$0x3FFE];
	_ =	sdelay $0x1  }
0x8a: {  	s1 =	srdreg.scid  }
0x8b: {  	s0 =	sand.u32 $0x1, s1  }
0x8c: {  	s17 =	sshll.u32 s0, $0xA;
	s2 =	sadd.s32 s3, s2  }
0x8d: {  	s2 =	sadd.s32 s2, s17  }
0x8e: {  	[smem:$0x3FC2] =	sst s2  }
0x8f: {  	_ = 	snop  }
0x90: {  	s2 =	sld [smem:$0x3FD0];
	(tm) =	ssettm $0x1  }
0x91: {  	s18 =	sld [smem:$0x3FFB];
	_ =	sdelay $0x3  }
0x92: {  	_ =	strace s18  }
0x93: {  	s3 =	sld [smem:$0x3FFC];
	_ =	sdelay $0x3  }
0x94: {  	_ =	strace s3  }
0x95: {  	s3 =	sld [smem:$0x3FFD];
	_ =	sdelay $0x3  }
0x96: {  	_ =	strace s3  }
0x97: {  	_ =	strace $0x8FFFFFFF  }
0x98: {  	s19 =	sld [smem:$0x3FDB];
	_ =	sdelay $0x1  }
0x99: {  	s4 =	simm.s32 $_scs_section_size  }
0x9a: {  	s5 =	simm.s32 $_size__tile_overlayer_lowered;
	s6 =	simm.s32 $_tile_overlayer_lowered  }
0x9b: {  	s22 =	simm.s32 $0x1BFF;
	s21 =	sshll.u32 s6, $0x1;
	s3 =	sadd.s32 s4, s19  }
0x9c: {  	s7 =	simm.s32 $0x0;
	s20 =	sshll.u32 s5, $0x1;
	s5 =	sadd.s32 s21, s3  }
0x9d: {  	[timem:s7], [sflag:s22] =	dma.local [hbm:s5], s20  }
0x9e: {  	_ =	swait.ge [sflag:s22], s20  }
0x9f: {  	s4 =	ssub.s32 $0x0, s20;
	[sflag:s22] =	ssyncset.done $0x0  }
0xa0: {  	[sflag:s22] =	ssyncadd.s32 s4;
	_ =	sdelay $0x1  }
0xa1: {  	s23 =	simm.s32 $0x1B8B  }
0xa2: {  	_ =	swait.ge [sflag:s23], $0x1  }
0xa3: {  	[sflag:s23] =	ssyncset.done $0x0  }
0xa4: {  	s25 =	simm.s32 $0x1B8E;
	s24 =	sld [smem:$0x3FFE];
	[sflag:s23] =	ssyncadd.s32 $0xFFFFFFFF  }
0xa5: {  	s26 =	simm.s32 $execute0_lowered;
	[smem:$0x3FD2] =	sst s25  }
0xa6: {  	s5 =	sshll.u32 s26, $0x1;
	_ =	strace $0x80000049;
	[dreg:$0x1] =	wrdreg $0xFFFFFFFF  }
0xa7: {  	s28 =	simm.s32 $_size_execute0_lowered;
	s3 =	sadd.s32 s3, s5;
	[dreg:$0x0] =	wrdreg $0x0  }
0xa8: {  	s5 =	sshll.u32 s28, $0x1;
	[dreg:$0x2] =	wrdreg s3  }
0xa9: {  	[dreg:$0x3] =	wrdreg s5  }
0xaa: {  	[dreg:$0x4] =	wrdreg $0xC0  }
0xab: {  	_ =	task [dreg:s7], $0x5FFFF  }
0xac: {  	[dreg:$0x1] =	wrdreg $0xFFFFFFFF  }
0xad: {  	[dreg:$0x0] =	wrdreg $0x60  }
0xae: {  	[dreg:$0x2] =	wrdreg s24  }
0xaf: {  	[dreg:$0x3] =	wrdreg s2  }
0xb0: {  	[dreg:$0x4] =	wrdreg $0x0  }
0xb1: {  	[dreg:$0x5] =	wrdreg $0x9  }
0xb2: {  	_ =	task.clear_ibuf [dreg:s7], $0x6FFFF;
	_ =	strace $0x90000049  }
0xb3: {  	s29 =	simm.s32 $0x9;
	_ =	strace $0x8000004B  }
0xb4: {  	_ =	swait.ge [sflag:s29], $0x1  }
0xb5: {  	[sflag:s29] =	ssyncadd.s32 $0xFFFFFFFF  }
0xb6: {  	_ =	strace $0x9000004B  }
0xb7: {  	_ =	sfence  }
0xb8: {  	s30 =	sld [smem:$0x0];
	_ =	sdelay $0x2  }
0xb9: {  	s31 =	sshll.u32 s1, $0xD;
	s1 =	sshrl.u32 s1, $0x2  }
0xba: {  	s3 =	sand.u32 $0x4000, s31;
	s1 =	sadd.s32 s1, s30  }
0xbb: {  	s0 =	sor.u32 s3, s0;
	s1 =	sshll.u32 s1, $0x11  }
0xbc: {  	s0 =	sor.u32 s1, s0  }
0xbd: {  	s0 =	sadd.s32 $0x8F2B, s0  }
0xbe: {  	[sflag:s0] =	ssyncadd.remote.s32 $0x1  }
0xbf: {  	_ =	sfence.sel $0xFFFF  }
0xc0: {  	[dreg:$0x0] =	wrdreg $0xFFFFFFFF;
	(pc) =	sbr.abs _section_cstart, $3  }
0xc1: {  	[dreg:$0x1] =	wrdreg $0xFFFFFFFF  }
0xc2: {  	_ =	task.clear_ibuf [dreg:s7], $0x2FFFF;
	_ =	strace $0x9FFFFFFF  }
0xc3: {  	(tm) =	ssettm $0x7FFFFFFF  }
tec
execute0_lowered:
.L_overlay_start_1:
0x0: {  	(tag) =	ssettag $0x1  }
0x1: {  	s0 =	rddreg [dreg:$0x0]  }
0x2: {  	s13 =	rddreg [dreg:$0x1]  }
0x3: {  	s1 =	rddreg [dreg:$0x2];
	s2 =	simm.s32 $0x0;
	s3 =	stileid.u32  }
0x4: {  	s10 =	srdreg.scid;
	s19 =	simm.s32 $0x1;
	s20 =	simm.s32 $0x80  }
0x5: {  	s21 =	simm.s32 $0x187B0;
	s22 =	simm.s32 $0x18730;
	s23 =	simm.s32 $0x18FB0  }
0x6: {  	s28 =	simm.s32 $0x1ADB0;
	s29 =	simm.s32 $0x0;
	[smem:$0x7FF] =	sst s2  }
0x7: {  	s4 =	sadd.s32 $0xF5600, s0;
	s5 =	sadd.s32 $0x93A00, s0;
	s9 =	smul.u32 $0x30E0, s3  }
0x8: {  	s8 =	sadd.s32 $0x157200, s0;
	s12 =	sand.u32 $0x1, s10;
	s10 =	sadd.s32 $0x1B8E00, s0  }
0x9: {  	s6 =	sadd.s32 $0x188000, s0;
	s18 =	smul.u32 $0x18700, s3;
	s11 =	sadd.s32 $0x21AA00, s0  }
0xa: {  	s7 =	sadd.s32 $0x31E00, s0;
	s25 =	smul.u32 $0x2800, s3;
	s26 =	sadd.s32 $0x186A00, s1  }
0xb: {  	p0 =	sne.s32 s3, $0x0;
	_ =	strace $0x8000004A;
	s16 =	smul.u32 $0x187000, s12  }
0xc: {  	s15 =	ssub.s32 $0x2, s12;
	s12 =	smul.u32 $0x186A0, s12;
	[dreg:$0x4] =	wrdreg s26  }
0xd: {  	s26 =	simm.s32 $0x1A3B0;
	s14 =	sadd.s32 s9, s0;
	s9 =	sadd.s32 $0x27C600, s0  }
.Ltmp0:
0xe: {  	s17 =	sshrl.u32 s15, $0x1;
	s30 =	sshrl.u32 s25, $0x2;
	(pc) =	sbr.rel .LBB2_1-.Ltmp0, $4  }
0xf: {  	s25 =	simm.s32 $0x199B0;
	s24 =	ssub.s32 s15, s17;
	s16 =	sadd.s32 s18, s16  }
0x10: {  	s18 =	simm.s32 $0x186B0;
	s0 =	smax.u32 s24, $0x1;
	s31 =	sshrl.u32 s16, $0x3  }
0x11: {  	s16 =	sadd.s32 $0x1000, s14;
	[dreg:$0x5] =	wrdreg s0;
	s0 =	sadd.s32 s30, s1  }
0x12: {  	v0 =	vimm.f32 $0.0e+00;
	s24 =	simm.s32 $0x2;
	s17 =	sadd.s32 s31, s13;
	[dreg:$0x6] =	wrdreg s0  }
.LBB2_45:
0x13: {  	s29 =	sadd.s32 $0x1, s29;
	s0 =	rddreg [dreg:$0x5]  }
0x14: {  	p1 =	sne.s32 s29, s0  }
.Ltmp1:
0x15: {  	_ = 	snop;
	(pc) =	sbr.rel @!p1 .LBB2_46-.Ltmp1, $2  }
0x16: {  	_ =	sdelay $0x1  }
0x17: {  	[bflag:$0x0] =	sbarrier.arrive $0xFFFF;
	_ =	sdelay $0x1  }
.LBB2_1:
0x18: {  	s0 =	simm.s32 $0x0  }
.LBB2_2:
0x19: {  	p1 =	sne.s32 s0, $0x27C0  }
.Ltmp2:
0x1a: {  	_ = 	snop;
	(pc) =	sbr.rel @p1 .LBB2_2-.Ltmp2, $3  }
0x1b: {  	_ =	sdelay $0x1  }
0x1c: {  	s13 =	sshra.s32 s0, $0x2  }
0x1d: {  	s0 =	sadd.s32 $0x40, s0;
	[tilespmem:s13+$0x1ADB0] =	vst v0  }
0x1e: {  	s0 =	sadd.s32 $0x0, s3  }
0x1f: {  	p1 =	sgt.u32 s0, $0x270  }
0x20: {  	s14 =	rddreg [dreg:$0x6];
	s0 =	simm.s32 @!p1 $0x1ADB0;
	s31 =	simm.s32 @!p1 $0x1  }
0x21: {  	[spmem:s14] =	stream.linear.scatter @!p1 [tilespmem:s0], [sflag:$0x1], $0xA00, $0x38;
	[tilespmem:$0x1B7B0] =	vst v63  }
0x22: {  	s13 =	simm.s32 $0x10;
	_ =	swait.ge @!p1 [sflag:s31], $0xA00  }
0x23: {  	s30 =	simm.s32 $0x20;
	s0 =	sadd.s32 $0xA000, s14;
	[sflag:s31] =	ssyncset.done @!p1 $0x0  }
.LBB2_4:
0x24: {  	s14 =	sadd.s32 s13, s3;
	s13 =	smov.u32 s30;
	s30 =	sadd.s32 $0x10, s30  }
0x25: {  	[sflag:s31] =	ssyncadd.s32 @!p1 $0xFFFFF600;
	p2 =	sne.s32 s30, $0x280  }
.Ltmp3:
0x26: {  	p1 =	sgt.u32 s14, $0x270;
	(pc) =	sbr.rel @p2 .LBB2_4-.Ltmp3, $4  }
0x27: {  	s14 =	simm.s32 @!p1 $0x1ADB0;
	s31 =	simm.s32 @!p1 $0x1  }
0x28: {  	[spmem:s0] =	stream.linear.scatter @!p1 [tilespmem:s14], [sflag:$0x1], $0xA00, $0x38;
	[tilespmem:$0x1B7B0] =	vst v63  }
0x29: {  	_ =	swait.ge @!p1 [sflag:s31], $0xA00  }
0x2a: {  	s0 =	sadd.s32 $0xA000, s0;
	[sflag:s31] =	ssyncset.done @!p1 $0x0  }
0x2b: {  	s13 =	sadd.s32 s13, s3  }
0x2c: {  	p2 =	sgt.u32 s13, $0x270  }
0x2d: {  	[sflag:s31] =	ssyncadd.s32 @!p1 $0xFFFFF600;
	s13 =	simm.s32 @!p2 $0x1ADB0;
	s14 =	simm.s32 @!p2 $0x1  }
0x2e: {  	[spmem:s0] =	stream.linear.scatter @!p2 [tilespmem:s13], [sflag:$0x1], $0xA00, $0x38;
	[tilespmem:$0x1B7B0] =	vst v63  }
0x2f: {  	_ =	swait.ge @!p2 [sflag:s14], $0xA00  }
0x30: {  	[sflag:s14] =	ssyncset.done @!p2 $0x0  }
0x31: {  	s0 =	simm.s32 @!p0 $0x1ADB0;
	s13 =	rddreg [dreg:$0x4];
	[sflag:s14] =	ssyncadd.s32 @!p2 $0xFFFFF600  }
0x32: {  	[spmem:s13] =	stream.linear.scatter @!p0 [tilespmem:s0], [sflag:$0x1], $0x100, $0x38;
	[tilespmem:$0x1B7B0] =	vst v63  }
0x33: {  	s0 =	simm.s32 @!p0 $0x1  }
0x34: {  	_ =	swait.ge @!p0 [sflag:s0], $0x100  }
0x35: {  	[sflag:s0] =	ssyncset.done @!p0 $0x0  }
0x36: {  	[sflag:s0] =	ssyncadd.s32 @!p0 $0xFFFFFF00  }
0x37: {  	s15 =	sadd.s32 $0x0, s17;
	[bflag:$0x0] =	sbarrier.arrive $0xFFFF  }
0x38: {  	[tilespmem:s18], [sflag:$0x1] =	stream.linear.gather [hbm4b:s15+s2], $0x80, $0x38;
	[tilespmem:$0x1B7B0] =	vst v63  }
0x39: {  	_ =	swait.ge [sflag:s19], $0x80  }
0x3a: {  	[sflag:s19] =	ssyncset.done $0x0  }
0x3b: {  	[sflag:s19] =	ssyncadd.s32 $0xFFFFFF80  }
0x3c: {  	[tilespmem:s21], [sflag:$0x1] =	stream.indirect.gather [hbm4b:s4+s20], $0x10, s18, s20, $0xb8;
	[tilespmem:$0x1B7B0] =	vst v63  }
0x3d: {  	_ =	swait.ge [sflag:s19], $0x800  }
0x3e: {  	[sflag:s19] =	ssyncset.done $0x0  }
0x3f: {  	s31 =	sadd.s32 $0x0, s16;
	[sflag:s19] =	ssyncadd.s32 $0xFFFFF800  }
0x40: {  	[tilespmem:s22], [sflag:$0x1] =	stream.linear.gather [hbm4b:s31+s2], $0x80, $0x38;
	[tilespmem:$0x1B7B0] =	vst v63  }
0x41: {  	_ =	swait.ge [sflag:s19], $0x80  }
0x42: {  	[sflag:s19] =	ssyncset.done $0x0  }
0x43: {  	[sflag:s19] =	ssyncadd.s32 $0xFFFFFF80  }
0x44: {  	[spmem:s1] =	stream.indirect.scatter.add.f32 [tilespmem:s21], [sflag:$0x1], $0x10, s22, s20, $0xb8;
	[tilespmem:$0x1B7B0] =	vst v63  }
0x45: {  	_ =	swait.ge [sflag:s19], $0x800  }
0x46: {  	s30 =	simm.s32 $0x10;
	s0 =	simm.s32 $0x20;
	[sflag:s19] =	ssyncset.done $0x0  }
.LBB2_6:
0x47: {  	s13 =	sadd.s32 s30, s17  }
0x48: {  	[sflag:s19] =	ssyncadd.s32 $0xFFFFF800;
	s14 =	smov.u32 s0;
	s15 =	sadd.s32 $0x10, s0  }
0x49: {  	[tilespmem:s18], [sflag:$0x1] =	stream.linear.gather [hbm4b:s13+s2], $0x80, $0x38;
	[tilespmem:$0x1B7B0] =	vst v63  }
0x4a: {  	p1 =	sne.s32 s0, $0x30D0;
	_ =	swait.ge [sflag:s19], $0x80  }
0x4b: {  	[sflag:s19] =	ssyncset.done $0x0  }
0x4c: {  	[sflag:s19] =	ssyncadd.s32 $0xFFFFFF80  }
0x4d: {  	[tilespmem:s21], [sflag:$0x1] =	stream.indirect.gather [hbm4b:s4+s20], $0x10, s18, s20, $0xb8;
	[tilespmem:$0x1B7B0] =	vst v63  }
0x4e: {  	_ =	swait.ge [sflag:s19], $0x800  }
0x4f: {  	[sflag:s19] =	ssyncset.done $0x0  }
0x50: {  	s0 =	sadd.s32 s30, s16;
	s30 =	smov.u32 s14;
	[sflag:s19] =	ssyncadd.s32 $0xFFFFF800  }
0x51: {  	[tilespmem:s22], [sflag:$0x1] =	stream.linear.gather [hbm4b:s0+s2], $0x80, $0x38;
	[tilespmem:$0x1B7B0] =	vst v63  }
0x52: {  	_ =	swait.ge [sflag:s19], $0x80  }
.Ltmp4:
0x53: {  	[sflag:s19] =	ssyncset.done $0x0;
	(pc) =	sbr.rel @p1 .LBB2_6-.Ltmp4, $4  }
0x54: {  	[sflag:s19] =	ssyncadd.s32 $0xFFFFFF80  }
0x55: {  	[spmem:s1] =	stream.indirect.scatter.add.f32 [tilespmem:s21], [sflag:$0x1], $0x10, s22, s20, $0xb8;
	[tilespmem:$0x1B7B0] =	vst v63  }
0x56: {  	_ =	swait.ge [sflag:s19], $0x800  }
0x57: {  	s0 =	smov.u32 s15;
	[sflag:s19] =	ssyncset.done $0x0  }
0x58: {  	s0 =	sadd.s32 s30, s17;
	[sflag:s19] =	ssyncadd.s32 $0xFFFFF800  }
0x59: {  	[tilespmem:s18], [sflag:$0x1] =	stream.linear.gather [hbm4b:s0+s2], $0x80, $0x38;
	[tilespmem:$0x1B7B0] =	vst v63  }
0x5a: {  	_ =	swait.ge [sflag:s19], $0x80  }
0x5b: {  	[sflag:s19] =	ssyncset.done $0x0  }
0x5c: {  	[sflag:s19] =	ssyncadd.s32 $0xFFFFFF80  }
0x5d: {  	[tilespmem:s21], [sflag:$0x1] =	stream.indirect.gather [hbm4b:s4+s20], $0x10, s18, s20, $0xb8;
	[tilespmem:$0x1B7B0] =	vst v63  }
0x5e: {  	_ =	swait.ge [sflag:s19], $0x800  }
0x5f: {  	[sflag:s19] =	ssyncset.done $0x0  }
0x60: {  	s31 =	sadd.s32 s30, s16;
	[sflag:s19] =	ssyncadd.s32 $0xFFFFF800  }
0x61: {  	[tilespmem:s22], [sflag:$0x1] =	stream.linear.gather [hbm4b:s31+s2], $0x80, $0x38;
	[tilespmem:$0x1B7B0] =	vst v63  }
0x62: {  	_ =	swait.ge [sflag:s19], $0x80  }
0x63: {  	[sflag:s19] =	ssyncset.done $0x0  }
0x64: {  	[sflag:s19] =	ssyncadd.s32 $0xFFFFFF80  }
0x65: {  	[spmem:s1] =	stream.indirect.scatter.add.f32 [tilespmem:s21], [sflag:$0x1], $0x10, s22, s20, $0xb8;
	[tilespmem:$0x1B7B0] =	vst v63  }
.Ltmp5:
0x66: {  	_ =	swait.ge [sflag:s19], $0x800;
	(pc) =	sbr.rel .LBB2_8-.Ltmp5, $4  }
0x67: {  	[sflag:s19] =	ssyncset.done $0x0  }
0x68: {  	[sflag:s19] =	ssyncadd.s32 $0xFFFFF800  }
0x69: {  	[bflag:$0x0] =	sbarrier.arrive $0xFFFF  }
0x6a: {  	s30 =	simm.s32 $0x0  }
.LBB2_12:
0x6b: {  	s30 =	sadd.s32 $0x1, s30  }
0x6c: {  	p1 =	sne.s32 s30, $0x28  }
.Ltmp6:
0x6d: {  	_ = 	snop;
	(pc) =	sbr.rel @!p1 .LBB2_13-.Ltmp6, $1  }
0x6e: {  	_ =	sdelay $0x3  }
.LBB2_8:
0x6f: {  	s0 =	sshll.u32 s30, $0x4  }
0x70: {  	s0 =	sor.u32 s3, s0  }
0x71: {  	p1 =	sgt.u32 s0, $0x270  }
.Ltmp7:
0x72: {  	_ = 	snop;
	(pc) =	sbr.rel @p1 .LBB2_12-.Ltmp7, $1  }
0x73: {  	_ =	sdelay $0x3  }
0x74: {  	s13 =	smul.u32 $0xA00, s0;
	_ =	sdelay $0x1  }
0x75: {  	s15 =	smul.u32 $0xA0, s0;
	s31 =	sadd.s32 s13, s1  }
0x76: {  	[tilespmem:s23], [sflag:$0x2] =	stream.linear.gather [spmem:s31], $0xA00, $0x38;
	[tilespmem:$0x1B7B0] =	vst v63  }
0x77: {  	s0 =	sadd.s32 s12, s15;
	_ =	swait.ge [sflag:s24], $0xA00  }
0x78: {  	s0 =	sshll.u32 s0, $0x1;
	[sflag:s24] =	ssyncset.done $0x0  }
0x79: {  	s15 =	simm.s32 $0x0;
	s14 =	sadd.s32 s5, s0;
	[sflag:s24] =	ssyncadd.s32 $0xFFFFF600  }
0x7a: {  	[tilespmem:s25], [sflag:$0x2] =	stream.linear.gather [hbm4b:s14+s15], $0xA00, $0x38;
	[tilespmem:$0x1B7B0] =	vst v63  }
0x7b: {  	_ =	swait.ge [sflag:s24], $0xA00  }
0x7c: {  	s13 =	sshrl.u32 s13, $0x3;
	[sflag:s24] =	ssyncset.done $0x0  }
0x7d: {  	s13 =	sadd.s32 s6, s13;
	[sflag:s24] =	ssyncadd.s32 $0xFFFFF600  }
0x7e: {  	[tilespmem:s26], [sflag:$0x2] =	stream.linear.gather [hbm4b:s13+s15], $0xA00, $0x38;
	[tilespmem:$0x1B7B0] =	vst v63  }
0x7f: {  	_ =	swait.ge [sflag:s24], $0xA00  }
0x80: {  	[sflag:s24] =	ssyncset.done $0x0  }
0x81: {  	s13 =	simm.s32 $0x0;
	[sflag:s24] =	ssyncadd.s32 $0xFFFFF600  }
0x82: {  	v1 =	vld [tilespmem:s13+$0x1A3B0]  }
0x83: {  	v2 =	vld [tilespmem:s13+$0x18FB0];
	_ =	sdelay $0x1  }
0x84: {  	v3 =	vld [tilespmem:s13+$0x199B0];
	_ =	sdelay $0x2  }
0x85: {  	v2 =	vmul.f32 v2, v1  }
0x86: {  	s14 =	simm.s32 $0x10  }
0x87: {  	s15 =	simm.s32 $0x80;
	v1 =	vld [tilespmem:s14+$0x1A3B0];
	v2 =	vadd.f32 v2, v3  }
.LBB2_10:
0x88: {  	p1 =	sne.s32 s15, $0x27C0;
	v3 =	vld [tilespmem:s14+$0x18FB0]  }
0x89: {  	[tilespmem:s13+$0x199B0] =	vst v2;
	s13 =	smov.u32 s14  }
0x8a: {  	v2 =	vld [tilespmem:s13+$0x199B0]  }
.Ltmp8:
0x8b: {  	(pc) =	sbr.rel @p1 .LBB2_10-.Ltmp8, $4  }
0x8c: {  	_ = 	snop  }
0x8d: {  	v3 =	vmul.f32 v3, v1  }
0x8e: {  	s14 =	sshra.s32 s15, $0x2  }
0x8f: {  	s15 =	sadd.s32 $0x40, s15;
	v1 =	vld [tilespmem:s14+$0x1A3B0];
	v2 =	vadd.f32 v3, v2  }
0x90: {  	v3 =	vld [tilespmem:s14+$0x18FB0]  }
0x91: {  	[tilespmem:s13+$0x199B0] =	vst v2  }
0x92: {  	v2 =	vld [tilespmem:s14+$0x199B0];
	_ =	sdelay $0x2  }
0x93: {  	v1 =	vmul.f32 v3, v1;
	_ =	sdelay $0x1  }
0x94: {  	v1 =	vadd.f32 v1, v2;
	_ =	sdelay $0x1  }
0x95: {  	s0 =	sadd.s32 s10, s0;
	[tilespmem:s14+$0x199B0] =	vst v1  }
0x96: {  	[hbm4b:s0+s2] =	stream.linear.scatter [tilespmem:s25], [sflag:$0x2], $0xA00, $0x38;
	[tilespmem:$0x1B7B0] =	vst v63  }
0x97: {  	_ =	swait.ge [sflag:s24], $0xA00  }
0x98: {  	[sflag:s24] =	ssyncset.done $0x0  }
.Ltmp9:
0x99: {  	[sflag:s24] =	ssyncadd.s32 $0xFFFFF600;
	(pc) =	sbr.rel .LBB2_12-.Ltmp9, $4  }
0x9a: {  	[spmem:s31] =	stream.linear.scatter [tilespmem:s28], [sflag:$0x1], $0xA00, $0x38;
	[tilespmem:$0x1B7B0] =	vst v63  }
0x9b: {  	_ =	swait.ge [sflag:s19], $0xA00  }
0x9c: {  	[sflag:s19] =	ssyncset.done $0x0  }
0x9d: {  	[sflag:s19] =	ssyncadd.s32 $0xFFFFF600  }
.LBB2_13:
0x9e: {  	[bflag:$0x0] =	sbarrier.arrive $0xFFFF;
	s0 =	sadd.s32 $0x0, s17  }
0x9f: {  	[tilespmem:s18], [sflag:$0x1] =	stream.linear.gather [hbm4b:s0+s2], $0x80, $0x38;
	[tilespmem:$0x1B7B0] =	vst v63  }
0xa0: {  	_ =	swait.ge [sflag:s19], $0x80  }
0xa1: {  	[sflag:s19] =	ssyncset.done $0x0  }
0xa2: {  	[sflag:s19] =	ssyncadd.s32 $0xFFFFFF80  }
0xa3: {  	[tilespmem:s21], [sflag:$0x1] =	stream.indirect.gather [hbm4b:s10+s20], $0x10, s18, s20, $0xb8;
	[tilespmem:$0x1B7B0] =	vst v63  }
0xa4: {  	_ =	swait.ge [sflag:s19], $0x800  }
0xa5: {  	[sflag:s19] =	ssyncset.done $0x0  }
0xa6: {  	s31 =	sadd.s32 $0x0, s16;
	[sflag:s19] =	ssyncadd.s32 $0xFFFFF800  }
0xa7: {  	[tilespmem:s22], [sflag:$0x1] =	stream.linear.gather [hbm4b:s31+s2], $0x80, $0x38;
	[tilespmem:$0x1B7B0] =	vst v63  }
0xa8: {  	_ =	swait.ge [sflag:s19], $0x80  }
0xa9: {  	[sflag:s19] =	ssyncset.done $0x0  }
0xaa: {  	[sflag:s19] =	ssyncadd.s32 $0xFFFFFF80  }
0xab: {  	[spmem:s1] =	stream.indirect.scatter.add.f32 [tilespmem:s21], [sflag:$0x1], $0x10, s22, s20, $0xb8;
	[tilespmem:$0x1B7B0] =	vst v63  }
0xac: {  	_ =	swait.ge [sflag:s19], $0x800  }
0xad: {  	s30 =	simm.s32 $0x10;
	s0 =	simm.s32 $0x20;
	[sflag:s19] =	ssyncset.done $0x0  }
.LBB2_14:
0xae: {  	s13 =	sadd.s32 s30, s17  }
0xaf: {  	[sflag:s19] =	ssyncadd.s32 $0xFFFFF800;
	s14 =	smov.u32 s0;
	s15 =	sadd.s32 $0x10, s0  }
0xb0: {  	[tilespmem:s18], [sflag:$0x1] =	stream.linear.gather [hbm4b:s13+s2], $0x80, $0x38;
	[tilespmem:$0x1B7B0] =	vst v63  }
0xb1: {  	p1 =	sne.s32 s0, $0x30D0;
	_ =	swait.ge [sflag:s19], $0x80  }
0xb2: {  	[sflag:s19] =	ssyncset.done $0x0  }
0xb3: {  	[sflag:s19] =	ssyncadd.s32 $0xFFFFFF80  }
0xb4: {  	[tilespmem:s21], [sflag:$0x1] =	stream.indirect.gather [hbm4b:s10+s20], $0x10, s18, s20, $0xb8;
	[tilespmem:$0x1B7B0] =	vst v63  }
0xb5: {  	_ =	swait.ge [sflag:s19], $0x800  }
0xb6: {  	[sflag:s19] =	ssyncset.done $0x0  }
0xb7: {  	s0 =	sadd.s32 s30, s16;
	s30 =	smov.u32 s14;
	[sflag:s19] =	ssyncadd.s32 $0xFFFFF800  }
0xb8: {  	[tilespmem:s22], [sflag:$0x1] =	stream.linear.gather [hbm4b:s0+s2], $0x80, $0x38;
	[tilespmem:$0x1B7B0] =	vst v63  }
0xb9: {  	_ =	swait.ge [sflag:s19], $0x80  }
.Ltmp10:
0xba: {  	[sflag:s19] =	ssyncset.done $0x0;
	(pc) =	sbr.rel @p1 .LBB2_14-.Ltmp10, $4  }
0xbb: {  	[sflag:s19] =	ssyncadd.s32 $0xFFFFFF80  }
0xbc: {  	[spmem:s1] =	stream.indirect.scatter.add.f32 [tilespmem:s21], [sflag:$0x1], $0x10, s22, s20, $0xb8;
	[tilespmem:$0x1B7B0] =	vst v63  }
0xbd: {  	_ =	swait.ge [sflag:s19], $0x800  }
0xbe: {  	s0 =	smov.u32 s15;
	[sflag:s19] =	ssyncset.done $0x0  }
0xbf: {  	s0 =	sadd.s32 s30, s17;
	[sflag:s19] =	ssyncadd.s32 $0xFFFFF800  }
0xc0: {  	[tilespmem:s18], [sflag:$0x1] =	stream.linear.gather [hbm4b:s0+s2], $0x80, $0x38;
	[tilespmem:$0x1B7B0] =	vst v63  }
0xc1: {  	_ =	swait.ge [sflag:s19], $0x80  }
0xc2: {  	[sflag:s19] =	ssyncset.done $0x0  }
0xc3: {  	[sflag:s19] =	ssyncadd.s32 $0xFFFFFF80  }
0xc4: {  	[tilespmem:s21], [sflag:$0x1] =	stream.indirect.gather [hbm4b:s10+s20], $0x10, s18, s20, $0xb8;
	[tilespmem:$0x1B7B0] =	vst v63  }
0xc5: {  	_ =	swait.ge [sflag:s19], $0x800  }
0xc6: {  	[sflag:s19] =	ssyncset.done $0x0  }
0xc7: {  	s31 =	sadd.s32 s30, s16;
	[sflag:s19] =	ssyncadd.s32 $0xFFFFF800  }
0xc8: {  	[tilespmem:s22], [sflag:$0x1] =	stream.linear.gather [hbm4b:s31+s2], $0x80, $0x38;
	[tilespmem:$0x1B7B0] =	vst v63  }
0xc9: {  	_ =	swait.ge [sflag:s19], $0x80  }
0xca: {  	[sflag:s19] =	ssyncset.done $0x0  }
0xcb: {  	[sflag:s19] =	ssyncadd.s32 $0xFFFFFF80  }
0xcc: {  	[spmem:s1] =	stream.indirect.scatter.add.f32 [tilespmem:s21], [sflag:$0x1], $0x10, s22, s20, $0xb8;
	[tilespmem:$0x1B7B0] =	vst v63  }
.Ltmp11:
0xcd: {  	_ =	swait.ge [sflag:s19], $0x800;
	(pc) =	sbr.rel .LBB2_16-.Ltmp11, $4  }
0xce: {  	[sflag:s19] =	ssyncset.done $0x0  }
0xcf: {  	[sflag:s19] =	ssyncadd.s32 $0xFFFFF800  }
0xd0: {  	[bflag:$0x0] =	sbarrier.arrive $0xFFFF  }
0xd1: {  	s30 =	simm.s32 $0x0  }
.LBB2_20:
0xd2: {  	s30 =	sadd.s32 $0x1, s30  }
0xd3: {  	p1 =	sne.s32 s30, $0x28  }
.Ltmp12:
0xd4: {  	_ = 	snop;
	(pc) =	sbr.rel @!p1 .LBB2_21-.Ltmp12, $1  }
0xd5: {  	_ =	sdelay $0x3  }
.LBB2_16:
0xd6: {  	s0 =	sshll.u32 s30, $0x4  }
0xd7: {  	s0 =	sor.u32 s3, s0  }
0xd8: {  	p1 =	sgt.u32 s0, $0x270  }
.Ltmp13:
0xd9: {  	_ = 	snop;
	(pc) =	sbr.rel @p1 .LBB2_20-.Ltmp13, $1  }
0xda: {  	_ =	sdelay $0x3  }
0xdb: {  	s13 =	smul.u32 $0xA00, s0;
	_ =	sdelay $0x1  }
0xdc: {  	s15 =	smul.u32 $0xA0, s0;
	s31 =	sadd.s32 s13, s1  }
0xdd: {  	[tilespmem:s23], [sflag:$0x2] =	stream.linear.gather [spmem:s31], $0xA00, $0x38;
	[tilespmem:$0x1B7B0] =	vst v63  }
0xde: {  	s0 =	sadd.s32 s12, s15;
	_ =	swait.ge [sflag:s24], $0xA00  }
0xdf: {  	s0 =	sshll.u32 s0, $0x1;
	[sflag:s24] =	ssyncset.done $0x0  }
0xe0: {  	s15 =	simm.s32 $0x0;
	s14 =	sadd.s32 s5, s0;
	[sflag:s24] =	ssyncadd.s32 $0xFFFFF600  }
0xe1: {  	[tilespmem:s25], [sflag:$0x2] =	stream.linear.gather [hbm4b:s14+s15], $0xA00, $0x38;
	[tilespmem:$0x1B7B0] =	vst v63  }
0xe2: {  	_ =	swait.ge [sflag:s24], $0xA00  }
0xe3: {  	s13 =	sshrl.u32 s13, $0x3;
	[sflag:s24] =	ssyncset.done $0x0  }
0xe4: {  	s13 =	sadd.s32 s6, s13;
	[sflag:s24] =	ssyncadd.s32 $0xFFFFF600  }
0xe5: {  	[tilespmem:s26], [sflag:$0x2] =	stream.linear.gather [hbm4b:s13+s15], $0xA00, $0x38;
	[tilespmem:$0x1B7B0] =	vst v63  }
0xe6: {  	_ =	swait.ge [sflag:s24], $0xA00  }
0xe7: {  	[sflag:s24] =	ssyncset.done $0x0  }
0xe8: {  	s13 =	simm.s32 $0x0;
	[sflag:s24] =	ssyncadd.s32 $0xFFFFF600  }
0xe9: {  	v1 =	vld [tilespmem:s13+$0x1A3B0]  }
0xea: {  	v2 =	vld [tilespmem:s13+$0x18FB0];
	_ =	sdelay $0x1  }
0xeb: {  	v3 =	vld [tilespmem:s13+$0x199B0];
	_ =	sdelay $0x2  }
0xec: {  	v2 =	vmul.f32 v2, v1  }
0xed: {  	s14 =	simm.s32 $0x10  }
0xee: {  	s15 =	simm.s32 $0x80;
	v1 =	vld [tilespmem:s14+$0x1A3B0];
	v2 =	vadd.f32 v2, v3  }
.LBB2_18:
0xef: {  	p1 =	sne.s32 s15, $0x27C0;
	v3 =	vld [tilespmem:s14+$0x18FB0]  }
0xf0: {  	[tilespmem:s13+$0x199B0] =	vst v2;
	s13 =	smov.u32 s14  }
0xf1: {  	v2 =	vld [tilespmem:s13+$0x199B0]  }
.Ltmp14:
0xf2: {  	(pc) =	sbr.rel @p1 .LBB2_18-.Ltmp14, $4  }
0xf3: {  	_ = 	snop  }
0xf4: {  	v3 =	vmul.f32 v3, v1  }
0xf5: {  	s14 =	sshra.s32 s15, $0x2  }
0xf6: {  	s15 =	sadd.s32 $0x40, s15;
	v1 =	vld [tilespmem:s14+$0x1A3B0];
	v2 =	vadd.f32 v3, v2  }
0xf7: {  	v3 =	vld [tilespmem:s14+$0x18FB0]  }
0xf8: {  	[tilespmem:s13+$0x199B0] =	vst v2  }
0xf9: {  	v2 =	vld [tilespmem:s14+$0x199B0];
	_ =	sdelay $0x2  }
0xfa: {  	v1 =	vmul.f32 v3, v1;
	_ =	sdelay $0x1  }
0xfb: {  	v1 =	vadd.f32 v1, v2;
	_ =	sdelay $0x1  }
0xfc: {  	s0 =	sadd.s32 s11, s0;
	[tilespmem:s14+$0x199B0] =	vst v1  }
0xfd: {  	[hbm4b:s0+s2] =	stream.linear.scatter [tilespmem:s25], [sflag:$0x2], $0xA00, $0x38;
	[tilespmem:$0x1B7B0] =	vst v63  }
0xfe: {  	_ =	swait.ge [sflag:s24], $0xA00  }
0xff: {  	[sflag:s24] =	ssyncset.done $0x0  }
.Ltmp15:
0x100: {  	[sflag:s24] =	ssyncadd.s32 $0xFFFFF600;
	(pc) =	sbr.rel .LBB2_20-.Ltmp15, $4  }
0x101: {  	[spmem:s31] =	stream.linear.scatter [tilespmem:s28], [sflag:$0x1], $0xA00, $0x38;
	[tilespmem:$0x1B7B0] =	vst v63  }
0x102: {  	_ =	swait.ge [sflag:s19], $0xA00  }
0x103: {  	[sflag:s19] =	ssyncset.done $0x0  }
0x104: {  	[sflag:s19] =	ssyncadd.s32 $0xFFFFF600  }
.LBB2_21:
0x105: {  	[bflag:$0x0] =	sbarrier.arrive $0xFFFF;
	s0 =	sadd.s32 $0x0, s17  }
0x106: {  	[tilespmem:s18], [sflag:$0x1] =	stream.linear.gather [hbm4b:s0+s2], $0x80, $0x38;
	[tilespmem:$0x1B7B0] =	vst v63  }
0x107: {  	_ =	swait.ge [sflag:s19], $0x80  }
0x108: {  	[sflag:s19] =	ssyncset.done $0x0  }
0x109: {  	[sflag:s19] =	ssyncadd.s32 $0xFFFFFF80  }
0x10a: {  	[tilespmem:s21], [sflag:$0x1] =	stream.indirect.gather [hbm4b:s11+s20], $0x10, s18, s20, $0xb8;
	[tilespmem:$0x1B7B0] =	vst v63  }
0x10b: {  	_ =	swait.ge [sflag:s19], $0x800  }
0x10c: {  	[sflag:s19] =	ssyncset.done $0x0  }
0x10d: {  	s31 =	sadd.s32 $0x0, s16;
	[sflag:s19] =	ssyncadd.s32 $0xFFFFF800  }
0x10e: {  	[tilespmem:s22], [sflag:$0x1] =	stream.linear.gather [hbm4b:s31+s2], $0x80, $0x38;
	[tilespmem:$0x1B7B0] =	vst v63  }
0x10f: {  	_ =	swait.ge [sflag:s19], $0x80  }
0x110: {  	[sflag:s19] =	ssyncset.done $0x0  }
0x111: {  	[sflag:s19] =	ssyncadd.s32 $0xFFFFFF80  }
0x112: {  	[spmem:s1] =	stream.indirect.scatter.add.f32 [tilespmem:s21], [sflag:$0x1], $0x10, s22, s20, $0xb8;
	[tilespmem:$0x1B7B0] =	vst v63  }
0x113: {  	_ =	swait.ge [sflag:s19], $0x800  }
0x114: {  	s30 =	simm.s32 $0x10;
	s0 =	simm.s32 $0x20;
	[sflag:s19] =	ssyncset.done $0x0  }
.LBB2_22:
0x115: {  	s13 =	sadd.s32 s30, s17  }
0x116: {  	[sflag:s19] =	ssyncadd.s32 $0xFFFFF800;
	s14 =	smov.u32 s0;
	s15 =	sadd.s32 $0x10, s0  }
0x117: {  	[tilespmem:s18], [sflag:$0x1] =	stream.linear.gather [hbm4b:s13+s2], $0x80, $0x38;
	[tilespmem:$0x1B7B0] =	vst v63  }
0x118: {  	p1 =	sne.s32 s0, $0x30D0;
	_ =	swait.ge [sflag:s19], $0x80  }
0x119: {  	[sflag:s19] =	ssyncset.done $0x0  }
0x11a: {  	[sflag:s19] =	ssyncadd.s32 $0xFFFFFF80  }
0x11b: {  	[tilespmem:s21], [sflag:$0x1] =	stream.indirect.gather [hbm4b:s11+s20], $0x10, s18, s20, $0xb8;
	[tilespmem:$0x1B7B0] =	vst v63  }
0x11c: {  	_ =	swait.ge [sflag:s19], $0x800  }
0x11d: {  	[sflag:s19] =	ssyncset.done $0x0  }
0x11e: {  	s0 =	sadd.s32 s30, s16;
	s30 =	smov.u32 s14;
	[sflag:s19] =	ssyncadd.s32 $0xFFFFF800  }
0x11f: {  	[tilespmem:s22], [sflag:$0x1] =	stream.linear.gather [hbm4b:s0+s2], $0x80, $0x38;
	[tilespmem:$0x1B7B0] =	vst v63  }
0x120: {  	_ =	swait.ge [sflag:s19], $0x80  }
.Ltmp16:
0x121: {  	[sflag:s19] =	ssyncset.done $0x0;
	(pc) =	sbr.rel @p1 .LBB2_22-.Ltmp16, $4  }
0x122: {  	[sflag:s19] =	ssyncadd.s32 $0xFFFFFF80  }
0x123: {  	[spmem:s1] =	stream.indirect.scatter.add.f32 [tilespmem:s21], [sflag:$0x1], $0x10, s22, s20, $0xb8;
	[tilespmem:$0x1B7B0] =	vst v63  }
0x124: {  	_ =	swait.ge [sflag:s19], $0x800  }
0x125: {  	s0 =	smov.u32 s15;
	[sflag:s19] =	ssyncset.done $0x0  }
0x126: {  	s0 =	sadd.s32 s30, s17;
	[sflag:s19] =	ssyncadd.s32 $0xFFFFF800  }
0x127: {  	[tilespmem:s18], [sflag:$0x1] =	stream.linear.gather [hbm4b:s0+s2], $0x80, $0x38;
	[tilespmem:$0x1B7B0] =	vst v63  }
0x128: {  	_ =	swait.ge [sflag:s19], $0x80  }
0x129: {  	[sflag:s19] =	ssyncset.done $0x0  }
0x12a: {  	[sflag:s19] =	ssyncadd.s32 $0xFFFFFF80  }
0x12b: {  	[tilespmem:s21], [sflag:$0x1] =	stream.indirect.gather [hbm4b:s11+s20], $0x10, s18, s20, $0xb8;
	[tilespmem:$0x1B7B0] =	vst v63  }
0x12c: {  	_ =	swait.ge [sflag:s19], $0x800  }
0x12d: {  	[sflag:s19] =	ssyncset.done $0x0  }
0x12e: {  	s31 =	sadd.s32 s30, s16;
	[sflag:s19] =	ssyncadd.s32 $0xFFFFF800  }
0x12f: {  	[tilespmem:s22], [sflag:$0x1] =	stream.linear.gather [hbm4b:s31+s2], $0x80, $0x38;
	[tilespmem:$0x1B7B0] =	vst v63  }
0x130: {  	_ =	swait.ge [sflag:s19], $0x80  }
0x131: {  	[sflag:s19] =	ssyncset.done $0x0  }
0x132: {  	[sflag:s19] =	ssyncadd.s32 $0xFFFFFF80  }
0x133: {  	[spmem:s1] =	stream.indirect.scatter.add.f32 [tilespmem:s21], [sflag:$0x1], $0x10, s22, s20, $0xb8;
	[tilespmem:$0x1B7B0] =	vst v63  }
.Ltmp17:
0x134: {  	_ =	swait.ge [sflag:s19], $0x800;
	(pc) =	sbr.rel .LBB2_24-.Ltmp17, $4  }
0x135: {  	[sflag:s19] =	ssyncset.done $0x0  }
0x136: {  	[sflag:s19] =	ssyncadd.s32 $0xFFFFF800  }
0x137: {  	[bflag:$0x0] =	sbarrier.arrive $0xFFFF  }
0x138: {  	s30 =	simm.s32 $0x0  }
.LBB2_28:
0x139: {  	s30 =	sadd.s32 $0x1, s30  }
0x13a: {  	p1 =	sne.s32 s30, $0x28  }
.Ltmp18:
0x13b: {  	_ = 	snop;
	(pc) =	sbr.rel @!p1 .LBB2_29-.Ltmp18, $1  }
0x13c: {  	_ =	sdelay $0x3  }
.LBB2_24:
0x13d: {  	s0 =	sshll.u32 s30, $0x4  }
0x13e: {  	s0 =	sor.u32 s3, s0  }
0x13f: {  	p1 =	sgt.u32 s0, $0x270  }
.Ltmp19:
0x140: {  	_ = 	snop;
	(pc) =	sbr.rel @p1 .LBB2_28-.Ltmp19, $1  }
0x141: {  	_ =	sdelay $0x3  }
0x142: {  	s13 =	smul.u32 $0xA00, s0;
	_ =	sdelay $0x1  }
0x143: {  	s15 =	smul.u32 $0xA0, s0;
	s31 =	sadd.s32 s13, s1  }
0x144: {  	[tilespmem:s23], [sflag:$0x2] =	stream.linear.gather [spmem:s31], $0xA00, $0x38;
	[tilespmem:$0x1B7B0] =	vst v63  }
0x145: {  	s0 =	sadd.s32 s12, s15;
	_ =	swait.ge [sflag:s24], $0xA00  }
0x146: {  	s0 =	sshll.u32 s0, $0x1;
	[sflag:s24] =	ssyncset.done $0x0  }
0x147: {  	s15 =	simm.s32 $0x0;
	s14 =	sadd.s32 s5, s0;
	[sflag:s24] =	ssyncadd.s32 $0xFFFFF600  }
0x148: {  	[tilespmem:s25], [sflag:$0x2] =	stream.linear.gather [hbm4b:s14+s15], $0xA00, $0x38;
	[tilespmem:$0x1B7B0] =	vst v63  }
0x149: {  	_ =	swait.ge [sflag:s24], $0xA00  }
0x14a: {  	s13 =	sshrl.u32 s13, $0x3;
	[sflag:s24] =	ssyncset.done $0x0  }
0x14b: {  	s13 =	sadd.s32 s6, s13;
	[sflag:s24] =	ssyncadd.s32 $0xFFFFF600  }
0x14c: {  	[tilespmem:s26], [sflag:$0x2] =	stream.linear.gather [hbm4b:s13+s15], $0xA00, $0x38;
	[tilespmem:$0x1B7B0] =	vst v63  }
0x14d: {  	_ =	swait.ge [sflag:s24], $0xA00  }
0x14e: {  	[sflag:s24] =	ssyncset.done $0x0  }
0x14f: {  	s13 =	simm.s32 $0x0;
	[sflag:s24] =	ssyncadd.s32 $0xFFFFF600  }
0x150: {  	v1 =	vld [tilespmem:s13+$0x1A3B0]  }
0x151: {  	v2 =	vld [tilespmem:s13+$0x18FB0];
	_ =	sdelay $0x1  }
0x152: {  	v3 =	vld [tilespmem:s13+$0x199B0];
	_ =	sdelay $0x2  }
0x153: {  	v2 =	vmul.f32 v2, v1  }
0x154: {  	s14 =	simm.s32 $0x10  }
0x155: {  	s15 =	simm.s32 $0x80;
	v1 =	vld [tilespmem:s14+$0x1A3B0];
	v2 =	vadd.f32 v2, v3  }
.LBB2_26:
0x156: {  	p1 =	sne.s32 s15, $0x27C0;
	v3 =	vld [tilespmem:s14+$0x18FB0]  }
0x157: {  	[tilespmem:s13+$0x199B0] =	vst v2;
	s13 =	smov.u32 s14  }
0x158: {  	v2 =	vld [tilespmem:s13+$0x199B0]  }
.Ltmp20:
0x159: {  	(pc) =	sbr.rel @p1 .LBB2_26-.Ltmp20, $4  }
0x15a: {  	_ = 	snop  }
0x15b: {  	v3 =	vmul.f32 v3, v1  }
0x15c: {  	s14 =	sshra.s32 s15, $0x2  }
0x15d: {  	s15 =	sadd.s32 $0x40, s15;
	v1 =	vld [tilespmem:s14+$0x1A3B0];
	v2 =	vadd.f32 v3, v2  }
0x15e: {  	v3 =	vld [tilespmem:s14+$0x18FB0]  }
0x15f: {  	[tilespmem:s13+$0x199B0] =	vst v2  }
0x160: {  	v2 =	vld [tilespmem:s14+$0x199B0];
	_ =	sdelay $0x2  }
0x161: {  	v1 =	vmul.f32 v3, v1;
	_ =	sdelay $0x1  }
0x162: {  	v1 =	vadd.f32 v1, v2;
	_ =	sdelay $0x1  }
0x163: {  	s0 =	sadd.s32 s10, s0;
	[tilespmem:s14+$0x199B0] =	vst v1  }
0x164: {  	[hbm4b:s0+s2] =	stream.linear.scatter [tilespmem:s25], [sflag:$0x2], $0xA00, $0x38;
	[tilespmem:$0x1B7B0] =	vst v63  }
0x165: {  	_ =	swait.ge [sflag:s24], $0xA00  }
0x166: {  	[sflag:s24] =	ssyncset.done $0x0  }
.Ltmp21:
0x167: {  	[sflag:s24] =	ssyncadd.s32 $0xFFFFF600;
	(pc) =	sbr.rel .LBB2_28-.Ltmp21, $4  }
0x168: {  	[spmem:s31] =	stream.linear.scatter [tilespmem:s28], [sflag:$0x1], $0xA00, $0x38;
	[tilespmem:$0x1B7B0] =	vst v63  }
0x169: {  	_ =	swait.ge [sflag:s19], $0xA00  }
0x16a: {  	[sflag:s19] =	ssyncset.done $0x0  }
0x16b: {  	[sflag:s19] =	ssyncadd.s32 $0xFFFFF600  }
.LBB2_29:
0x16c: {  	[bflag:$0x0] =	sbarrier.arrive $0xFFFF;
	s0 =	sadd.s32 $0x0, s17  }
0x16d: {  	[tilespmem:s18], [sflag:$0x1] =	stream.linear.gather [hbm4b:s0+s2], $0x80, $0x38;
	[tilespmem:$0x1B7B0] =	vst v63  }
0x16e: {  	_ =	swait.ge [sflag:s19], $0x80  }
0x16f: {  	[sflag:s19] =	ssyncset.done $0x0  }
0x170: {  	[sflag:s19] =	ssyncadd.s32 $0xFFFFFF80  }
0x171: {  	[tilespmem:s21], [sflag:$0x1] =	stream.indirect.gather [hbm4b:s10+s20], $0x10, s18, s20, $0xb8;
	[tilespmem:$0x1B7B0] =	vst v63  }
0x172: {  	_ =	swait.ge [sflag:s19], $0x800  }
0x173: {  	[sflag:s19] =	ssyncset.done $0x0  }
0x174: {  	s31 =	sadd.s32 $0x0, s16;
	[sflag:s19] =	ssyncadd.s32 $0xFFFFF800  }
0x175: {  	[tilespmem:s22], [sflag:$0x1] =	stream.linear.gather [hbm4b:s31+s2], $0x80, $0x38;
	[tilespmem:$0x1B7B0] =	vst v63  }
0x176: {  	_ =	swait.ge [sflag:s19], $0x80  }
0x177: {  	[sflag:s19] =	ssyncset.done $0x0  }
0x178: {  	[sflag:s19] =	ssyncadd.s32 $0xFFFFFF80  }
0x179: {  	[spmem:s1] =	stream.indirect.scatter.add.f32 [tilespmem:s21], [sflag:$0x1], $0x10, s22, s20, $0xb8;
	[tilespmem:$0x1B7B0] =	vst v63  }
0x17a: {  	_ =	swait.ge [sflag:s19], $0x800  }
0x17b: {  	s30 =	simm.s32 $0x10;
	s0 =	simm.s32 $0x20;
	[sflag:s19] =	ssyncset.done $0x0  }
.LBB2_30:
0x17c: {  	s13 =	sadd.s32 s30, s17  }
0x17d: {  	[sflag:s19] =	ssyncadd.s32 $0xFFFFF800;
	s14 =	smov.u32 s0;
	s15 =	sadd.s32 $0x10, s0  }
0x17e: {  	[tilespmem:s18], [sflag:$0x1] =	stream.linear.gather [hbm4b:s13+s2], $0x80, $0x38;
	[tilespmem:$0x1B7B0] =	vst v63  }
0x17f: {  	p1 =	sne.s32 s0, $0x30D0;
	_ =	swait.ge [sflag:s19], $0x80  }
0x180: {  	[sflag:s19] =	ssyncset.done $0x0  }
0x181: {  	[sflag:s19] =	ssyncadd.s32 $0xFFFFFF80  }
0x182: {  	[tilespmem:s21], [sflag:$0x1] =	stream.indirect.gather [hbm4b:s10+s20], $0x10, s18, s20, $0xb8;
	[tilespmem:$0x1B7B0] =	vst v63  }
0x183: {  	_ =	swait.ge [sflag:s19], $0x800  }
0x184: {  	[sflag:s19] =	ssyncset.done $0x0  }
0x185: {  	s0 =	sadd.s32 s30, s16;
	s30 =	smov.u32 s14;
	[sflag:s19] =	ssyncadd.s32 $0xFFFFF800  }
0x186: {  	[tilespmem:s22], [sflag:$0x1] =	stream.linear.gather [hbm4b:s0+s2], $0x80, $0x38;
	[tilespmem:$0x1B7B0] =	vst v63  }
0x187: {  	_ =	swait.ge [sflag:s19], $0x80  }
.Ltmp22:
0x188: {  	[sflag:s19] =	ssyncset.done $0x0;
	(pc) =	sbr.rel @p1 .LBB2_30-.Ltmp22, $4  }
0x189: {  	[sflag:s19] =	ssyncadd.s32 $0xFFFFFF80  }
0x18a: {  	[spmem:s1] =	stream.indirect.scatter.add.f32 [tilespmem:s21], [sflag:$0x1], $0x10, s22, s20, $0xb8;
	[tilespmem:$0x1B7B0] =	vst v63  }
0x18b: {  	_ =	swait.ge [sflag:s19], $0x800  }
0x18c: {  	s0 =	smov.u32 s15;
	[sflag:s19] =	ssyncset.done $0x0  }
0x18d: {  	s0 =	sadd.s32 s30, s17;
	[sflag:s19] =	ssyncadd.s32 $0xFFFFF800  }
0x18e: {  	[tilespmem:s18], [sflag:$0x1] =	stream.linear.gather [hbm4b:s0+s2], $0x80, $0x38;
	[tilespmem:$0x1B7B0] =	vst v63  }
0x18f: {  	_ =	swait.ge [sflag:s19], $0x80  }
0x190: {  	[sflag:s19] =	ssyncset.done $0x0  }
0x191: {  	[sflag:s19] =	ssyncadd.s32 $0xFFFFFF80  }
0x192: {  	[tilespmem:s21], [sflag:$0x1] =	stream.indirect.gather [hbm4b:s10+s20], $0x10, s18, s20, $0xb8;
	[tilespmem:$0x1B7B0] =	vst v63  }
0x193: {  	_ =	swait.ge [sflag:s19], $0x800  }
0x194: {  	[sflag:s19] =	ssyncset.done $0x0  }
0x195: {  	s31 =	sadd.s32 s30, s16;
	[sflag:s19] =	ssyncadd.s32 $0xFFFFF800  }
0x196: {  	[tilespmem:s22], [sflag:$0x1] =	stream.linear.gather [hbm4b:s31+s2], $0x80, $0x38;
	[tilespmem:$0x1B7B0] =	vst v63  }
0x197: {  	_ =	swait.ge [sflag:s19], $0x80  }
0x198: {  	[sflag:s19] =	ssyncset.done $0x0  }
0x199: {  	[sflag:s19] =	ssyncadd.s32 $0xFFFFFF80  }
0x19a: {  	[spmem:s1] =	stream.indirect.scatter.add.f32 [tilespmem:s21], [sflag:$0x1], $0x10, s22, s20, $0xb8;
	[tilespmem:$0x1B7B0] =	vst v63  }
.Ltmp23:
0x19b: {  	_ =	swait.ge [sflag:s19], $0x800;
	(pc) =	sbr.rel .LBB2_32-.Ltmp23, $4  }
0x19c: {  	[sflag:s19] =	ssyncset.done $0x0  }
0x19d: {  	[sflag:s19] =	ssyncadd.s32 $0xFFFFF800  }
0x19e: {  	[bflag:$0x0] =	sbarrier.arrive $0xFFFF  }
0x19f: {  	s30 =	simm.s32 $0x0  }
.LBB2_36:
0x1a0: {  	s30 =	sadd.s32 $0x1, s30  }
0x1a1: {  	p1 =	sne.s32 s30, $0x28  }
.Ltmp24:
0x1a2: {  	_ = 	snop;
	(pc) =	sbr.rel @!p1 .LBB2_37-.Ltmp24, $1  }
0x1a3: {  	_ =	sdelay $0x3  }
.LBB2_32:
0x1a4: {  	s0 =	sshll.u32 s30, $0x4  }
0x1a5: {  	s0 =	sor.u32 s3, s0  }
0x1a6: {  	p1 =	sgt.u32 s0, $0x270  }
.Ltmp25:
0x1a7: {  	_ = 	snop;
	(pc) =	sbr.rel @p1 .LBB2_36-.Ltmp25, $1  }
0x1a8: {  	_ =	sdelay $0x3  }
0x1a9: {  	s13 =	smul.u32 $0xA00, s0;
	_ =	sdelay $0x1  }
0x1aa: {  	s15 =	smul.u32 $0xA0, s0;
	s31 =	sadd.s32 s13, s1  }
0x1ab: {  	[tilespmem:s23], [sflag:$0x2] =	stream.linear.gather [spmem:s31], $0xA00, $0x38;
	[tilespmem:$0x1B7B0] =	vst v63  }
0x1ac: {  	s0 =	sadd.s32 s12, s15;
	_ =	swait.ge [sflag:s24], $0xA00  }
0x1ad: {  	s0 =	sshll.u32 s0, $0x1;
	[sflag:s24] =	ssyncset.done $0x0  }
0x1ae: {  	s15 =	simm.s32 $0x0;
	s14 =	sadd.s32 s5, s0;
	[sflag:s24] =	ssyncadd.s32 $0xFFFFF600  }
0x1af: {  	[tilespmem:s25], [sflag:$0x2] =	stream.linear.gather [hbm4b:s14+s15], $0xA00, $0x38;
	[tilespmem:$0x1B7B0] =	vst v63  }
0x1b0: {  	_ =	swait.ge [sflag:s24], $0xA00  }
0x1b1: {  	s13 =	sshrl.u32 s13, $0x3;
	[sflag:s24] =	ssyncset.done $0x0  }
0x1b2: {  	s13 =	sadd.s32 s6, s13;
	[sflag:s24] =	ssyncadd.s32 $0xFFFFF600  }
0x1b3: {  	[tilespmem:s26], [sflag:$0x2] =	stream.linear.gather [hbm4b:s13+s15], $0xA00, $0x38;
	[tilespmem:$0x1B7B0] =	vst v63  }
0x1b4: {  	_ =	swait.ge [sflag:s24], $0xA00  }
0x1b5: {  	[sflag:s24] =	ssyncset.done $0x0  }
0x1b6: {  	s13 =	simm.s32 $0x0;
	[sflag:s24] =	ssyncadd.s32 $0xFFFFF600  }
0x1b7: {  	v1 =	vld [tilespmem:s13+$0x1A3B0]  }
0x1b8: {  	v2 =	vld [tilespmem:s13+$0x18FB0];
	_ =	sdelay $0x1  }
0x1b9: {  	v3 =	vld [tilespmem:s13+$0x199B0];
	_ =	sdelay $0x2  }
0x1ba: {  	v2 =	vmul.f32 v2, v1  }
0x1bb: {  	s14 =	simm.s32 $0x10  }
0x1bc: {  	s15 =	simm.s32 $0x80;
	v1 =	vld [tilespmem:s14+$0x1A3B0];
	v2 =	vadd.f32 v2, v3  }
.LBB2_34:
0x1bd: {  	p1 =	sne.s32 s15, $0x27C0;
	v3 =	vld [tilespmem:s14+$0x18FB0]  }
0x1be: {  	[tilespmem:s13+$0x199B0] =	vst v2;
	s13 =	smov.u32 s14  }
0x1bf: {  	v2 =	vld [tilespmem:s13+$0x199B0]  }
.Ltmp26:
0x1c0: {  	(pc) =	sbr.rel @p1 .LBB2_34-.Ltmp26, $4  }
0x1c1: {  	_ = 	snop  }
0x1c2: {  	v3 =	vmul.f32 v3, v1  }
0x1c3: {  	s14 =	sshra.s32 s15, $0x2  }
0x1c4: {  	s15 =	sadd.s32 $0x40, s15;
	v1 =	vld [tilespmem:s14+$0x1A3B0];
	v2 =	vadd.f32 v3, v2  }
0x1c5: {  	v3 =	vld [tilespmem:s14+$0x18FB0]  }
0x1c6: {  	[tilespmem:s13+$0x199B0] =	vst v2  }
0x1c7: {  	v2 =	vld [tilespmem:s14+$0x199B0];
	_ =	sdelay $0x2  }
0x1c8: {  	v1 =	vmul.f32 v3, v1;
	_ =	sdelay $0x1  }
0x1c9: {  	v1 =	vadd.f32 v1, v2;
	_ =	sdelay $0x1  }
0x1ca: {  	s0 =	sadd.s32 s11, s0;
	[tilespmem:s14+$0x199B0] =	vst v1  }
0x1cb: {  	[hbm4b:s0+s2] =	stream.linear.scatter [tilespmem:s25], [sflag:$0x2], $0xA00, $0x38;
	[tilespmem:$0x1B7B0] =	vst v63  }
0x1cc: {  	_ =	swait.ge [sflag:s24], $0xA00  }
0x1cd: {  	[sflag:s24] =	ssyncset.done $0x0  }
.Ltmp27:
0x1ce: {  	[sflag:s24] =	ssyncadd.s32 $0xFFFFF600;
	(pc) =	sbr.rel .LBB2_36-.Ltmp27, $4  }
0x1cf: {  	[spmem:s31] =	stream.linear.scatter [tilespmem:s28], [sflag:$0x1], $0xA00, $0x38;
	[tilespmem:$0x1B7B0] =	vst v63  }
0x1d0: {  	_ =	swait.ge [sflag:s19], $0xA00  }
0x1d1: {  	[sflag:s19] =	ssyncset.done $0x0  }
0x1d2: {  	[sflag:s19] =	ssyncadd.s32 $0xFFFFF600  }
.LBB2_37:
0x1d3: {  	[bflag:$0x0] =	sbarrier.arrive $0xFFFF;
	s0 =	sadd.s32 $0x0, s17  }
0x1d4: {  	[tilespmem:s18], [sflag:$0x1] =	stream.linear.gather [hbm4b:s0+s2], $0x80, $0x38;
	[tilespmem:$0x1B7B0] =	vst v63  }
0x1d5: {  	_ =	swait.ge [sflag:s19], $0x80  }
0x1d6: {  	[sflag:s19] =	ssyncset.done $0x0  }
0x1d7: {  	[sflag:s19] =	ssyncadd.s32 $0xFFFFFF80  }
0x1d8: {  	[tilespmem:s21], [sflag:$0x1] =	stream.indirect.gather [hbm4b:s11+s20], $0x10, s18, s20, $0xb8;
	[tilespmem:$0x1B7B0] =	vst v63  }
0x1d9: {  	_ =	swait.ge [sflag:s19], $0x800  }
0x1da: {  	[sflag:s19] =	ssyncset.done $0x0  }
0x1db: {  	s31 =	sadd.s32 $0x0, s16;
	[sflag:s19] =	ssyncadd.s32 $0xFFFFF800  }
0x1dc: {  	[tilespmem:s22], [sflag:$0x1] =	stream.linear.gather [hbm4b:s31+s2], $0x80, $0x38;
	[tilespmem:$0x1B7B0] =	vst v63  }
0x1dd: {  	_ =	swait.ge [sflag:s19], $0x80  }
0x1de: {  	[sflag:s19] =	ssyncset.done $0x0  }
0x1df: {  	[sflag:s19] =	ssyncadd.s32 $0xFFFFFF80  }
0x1e0: {  	[spmem:s1] =	stream.indirect.scatter.add.f32 [tilespmem:s21], [sflag:$0x1], $0x10, s22, s20, $0xb8;
	[tilespmem:$0x1B7B0] =	vst v63  }
0x1e1: {  	_ =	swait.ge [sflag:s19], $0x800  }
0x1e2: {  	s30 =	simm.s32 $0x10;
	s0 =	simm.s32 $0x20;
	[sflag:s19] =	ssyncset.done $0x0  }
.LBB2_38:
0x1e3: {  	s13 =	sadd.s32 s30, s17  }
0x1e4: {  	[sflag:s19] =	ssyncadd.s32 $0xFFFFF800;
	s14 =	smov.u32 s0;
	s15 =	sadd.s32 $0x10, s0  }
0x1e5: {  	[tilespmem:s18], [sflag:$0x1] =	stream.linear.gather [hbm4b:s13+s2], $0x80, $0x38;
	[tilespmem:$0x1B7B0] =	vst v63  }
0x1e6: {  	p1 =	sne.s32 s0, $0x30D0;
	_ =	swait.ge [sflag:s19], $0x80  }
0x1e7: {  	[sflag:s19] =	ssyncset.done $0x0  }
0x1e8: {  	[sflag:s19] =	ssyncadd.s32 $0xFFFFFF80  }
0x1e9: {  	[tilespmem:s21], [sflag:$0x1] =	stream.indirect.gather [hbm4b:s11+s20], $0x10, s18, s20, $0xb8;
	[tilespmem:$0x1B7B0] =	vst v63  }
0x1ea: {  	_ =	swait.ge [sflag:s19], $0x800  }
0x1eb: {  	[sflag:s19] =	ssyncset.done $0x0  }
0x1ec: {  	s0 =	sadd.s32 s30, s16;
	s30 =	smov.u32 s14;
	[sflag:s19] =	ssyncadd.s32 $0xFFFFF800  }
0x1ed: {  	[tilespmem:s22], [sflag:$0x1] =	stream.linear.gather [hbm4b:s0+s2], $0x80, $0x38;
	[tilespmem:$0x1B7B0] =	vst v63  }
0x1ee: {  	_ =	swait.ge [sflag:s19], $0x80  }
.Ltmp28:
0x1ef: {  	[sflag:s19] =	ssyncset.done $0x0;
	(pc) =	sbr.rel @p1 .LBB2_38-.Ltmp28, $4  }
0x1f0: {  	[sflag:s19] =	ssyncadd.s32 $0xFFFFFF80  }
0x1f1: {  	[spmem:s1] =	stream.indirect.scatter.add.f32 [tilespmem:s21], [sflag:$0x1], $0x10, s22, s20, $0xb8;
	[tilespmem:$0x1B7B0] =	vst v63  }
0x1f2: {  	_ =	swait.ge [sflag:s19], $0x800  }
0x1f3: {  	s0 =	smov.u32 s15;
	[sflag:s19] =	ssyncset.done $0x0  }
0x1f4: {  	s0 =	sadd.s32 s30, s17;
	[sflag:s19] =	ssyncadd.s32 $0xFFFFF800  }
0x1f5: {  	[tilespmem:s18], [sflag:$0x1] =	stream.linear.gather [hbm4b:s0+s2], $0x80, $0x38;
	[tilespmem:$0x1B7B0] =	vst v63  }
0x1f6: {  	_ =	swait.ge [sflag:s19], $0x80  }
0x1f7: {  	[sflag:s19] =	ssyncset.done $0x0  }
0x1f8: {  	[sflag:s19] =	ssyncadd.s32 $0xFFFFFF80  }
0x1f9: {  	[tilespmem:s21], [sflag:$0x1] =	stream.indirect.gather [hbm4b:s11+s20], $0x10, s18, s20, $0xb8;
	[tilespmem:$0x1B7B0] =	vst v63  }
0x1fa: {  	_ =	swait.ge [sflag:s19], $0x800  }
0x1fb: {  	[sflag:s19] =	ssyncset.done $0x0  }
0x1fc: {  	s31 =	sadd.s32 s30, s16;
	[sflag:s19] =	ssyncadd.s32 $0xFFFFF800  }
0x1fd: {  	[tilespmem:s22], [sflag:$0x1] =	stream.linear.gather [hbm4b:s31+s2], $0x80, $0x38;
	[tilespmem:$0x1B7B0] =	vst v63  }
0x1fe: {  	_ =	swait.ge [sflag:s19], $0x80  }
0x1ff: {  	[sflag:s19] =	ssyncset.done $0x0  }
0x200: {  	[sflag:s19] =	ssyncadd.s32 $0xFFFFFF80  }
0x201: {  	[spmem:s1] =	stream.indirect.scatter.add.f32 [tilespmem:s21], [sflag:$0x1], $0x10, s22, s20, $0xb8;
	[tilespmem:$0x1B7B0] =	vst v63  }
.Ltmp29:
0x202: {  	_ =	swait.ge [sflag:s19], $0x800;
	(pc) =	sbr.rel .LBB2_40-.Ltmp29, $4  }
0x203: {  	[sflag:s19] =	ssyncset.done $0x0  }
0x204: {  	[sflag:s19] =	ssyncadd.s32 $0xFFFFF800  }
0x205: {  	[bflag:$0x0] =	sbarrier.arrive $0xFFFF  }
0x206: {  	s30 =	simm.s32 $0x0  }
.LBB2_44:
0x207: {  	s30 =	sadd.s32 $0x1, s30  }
0x208: {  	p1 =	sne.s32 s30, $0x28  }
.Ltmp30:
0x209: {  	_ = 	snop;
	(pc) =	sbr.rel @!p1 .LBB2_45-.Ltmp30, $1  }
0x20a: {  	_ =	sdelay $0x3  }
.LBB2_40:
0x20b: {  	s0 =	sshll.u32 s30, $0x4  }
0x20c: {  	s0 =	sor.u32 s3, s0  }
0x20d: {  	p1 =	sgt.u32 s0, $0x270  }
.Ltmp31:
0x20e: {  	_ = 	snop;
	(pc) =	sbr.rel @p1 .LBB2_44-.Ltmp31, $1  }
0x20f: {  	_ =	sdelay $0x3  }
0x210: {  	s13 =	smul.u32 $0xA00, s0;
	_ =	sdelay $0x1  }
0x211: {  	s15 =	smul.u32 $0xA0, s0;
	s31 =	sadd.s32 s13, s1  }
0x212: {  	[tilespmem:s23], [sflag:$0x2] =	stream.linear.gather [spmem:s31], $0xA00, $0x38;
	[tilespmem:$0x1B7B0] =	vst v63  }
0x213: {  	s0 =	sadd.s32 s12, s15;
	_ =	swait.ge [sflag:s24], $0xA00  }
0x214: {  	s0 =	sshll.u32 s0, $0x1;
	[sflag:s24] =	ssyncset.done $0x0  }
0x215: {  	s15 =	simm.s32 $0x0;
	s14 =	sadd.s32 s7, s0;
	[sflag:s24] =	ssyncadd.s32 $0xFFFFF600  }
0x216: {  	[tilespmem:s25], [sflag:$0x2] =	stream.linear.gather [hbm4b:s14+s15], $0xA00, $0x38;
	[tilespmem:$0x1B7B0] =	vst v63  }
0x217: {  	_ =	swait.ge [sflag:s24], $0xA00  }
0x218: {  	s13 =	sshrl.u32 s13, $0x3;
	[sflag:s24] =	ssyncset.done $0x0  }
0x219: {  	s13 =	sadd.s32 s8, s13;
	[sflag:s24] =	ssyncadd.s32 $0xFFFFF600  }
0x21a: {  	[tilespmem:s26], [sflag:$0x2] =	stream.linear.gather [hbm4b:s13+s15], $0xA00, $0x38;
	[tilespmem:$0x1B7B0] =	vst v63  }
0x21b: {  	_ =	swait.ge [sflag:s24], $0xA00  }
0x21c: {  	[sflag:s24] =	ssyncset.done $0x0  }
0x21d: {  	s13 =	simm.s32 $0x0;
	[sflag:s24] =	ssyncadd.s32 $0xFFFFF600  }
0x21e: {  	v1 =	vld [tilespmem:s13+$0x1A3B0]  }
0x21f: {  	v2 =	vld [tilespmem:s13+$0x18FB0];
	_ =	sdelay $0x1  }
0x220: {  	v3 =	vld [tilespmem:s13+$0x199B0];
	_ =	sdelay $0x2  }
0x221: {  	v2 =	vmul.f32 v2, v1  }
0x222: {  	s14 =	simm.s32 $0x10  }
0x223: {  	s15 =	simm.s32 $0x80;
	v1 =	vld [tilespmem:s14+$0x1A3B0];
	v2 =	vadd.f32 v2, v3  }
.LBB2_42:
0x224: {  	p1 =	sne.s32 s15, $0x27C0;
	v3 =	vld [tilespmem:s14+$0x18FB0]  }
0x225: {  	[tilespmem:s13+$0x199B0] =	vst v2;
	s13 =	smov.u32 s14  }
0x226: {  	v2 =	vld [tilespmem:s13+$0x199B0]  }
.Ltmp32:
0x227: {  	(pc) =	sbr.rel @p1 .LBB2_42-.Ltmp32, $4  }
0x228: {  	_ = 	snop  }
0x229: {  	v3 =	vmul.f32 v3, v1  }
0x22a: {  	s14 =	sshra.s32 s15, $0x2  }
0x22b: {  	s15 =	sadd.s32 $0x40, s15;
	v1 =	vld [tilespmem:s14+$0x1A3B0];
	v2 =	vadd.f32 v3, v2  }
0x22c: {  	v3 =	vld [tilespmem:s14+$0x18FB0]  }
0x22d: {  	[tilespmem:s13+$0x199B0] =	vst v2  }
0x22e: {  	v2 =	vld [tilespmem:s14+$0x199B0];
	_ =	sdelay $0x2  }
0x22f: {  	v1 =	vmul.f32 v3, v1;
	_ =	sdelay $0x1  }
0x230: {  	v1 =	vadd.f32 v1, v2;
	_ =	sdelay $0x1  }
0x231: {  	s0 =	sadd.s32 s9, s0;
	[tilespmem:s14+$0x199B0] =	vst v1  }
0x232: {  	[hbm4b:s0+s2] =	stream.linear.scatter [tilespmem:s25], [sflag:$0x2], $0xA00, $0x38;
	[tilespmem:$0x1B7B0] =	vst v63  }
0x233: {  	_ =	swait.ge [sflag:s24], $0xA00  }
0x234: {  	[sflag:s24] =	ssyncset.done $0x0  }
.Ltmp33:
0x235: {  	[sflag:s24] =	ssyncadd.s32 $0xFFFFF600;
	(pc) =	sbr.rel .LBB2_44-.Ltmp33, $4  }
0x236: {  	[spmem:s31] =	stream.linear.scatter [tilespmem:s28], [sflag:$0x1], $0xA00, $0x38;
	[tilespmem:$0x1B7B0] =	vst v63  }
0x237: {  	_ =	swait.ge [sflag:s19], $0xA00  }
0x238: {  	[sflag:s19] =	ssyncset.done $0x0  }
0x239: {  	[sflag:s19] =	ssyncadd.s32 $0xFFFFF600  }
.LBB2_46:
0x23a: {  	_ =	sfence.sel $0x180000  }
0x23b: {  	[bflag:$0x0] =	sbarrier.arrive $0xFFFF  }
0x23c: {  	_ =	strace $0x9000004A  }
0x23d: {  	[bflag:$0x2] =	sbarrier.arrive $0xFFFF  }
0x23e: {  	s0 =	rddreg [dreg:$0x3]  }
0x23f: {  	s0 =	sadd.s32 @!p0 $0x100000, s0  }
0x240: {  	[sflag:s0] =	ssyncadd.tile.s32 @!p0 $0x1;
	_ =	shalt  }
.Lfunc_end2:
_tile_overlayer_lowered:
.L_overlay_start_2:
0x241: {  	(tag) =	ssettag $0x2  }
0x242: {  	s0 =	rddreg [dreg:$0x0];
	s2 =	stileid.u32  }
0x243: {  	s1 =	rddreg [dreg:$0x1];
	p0 =	sne.s32 s2, $0x0  }
0x244: {  	s3 =	rddreg [dreg:$0x2];
	[bflag:$0x3] =	sbarrier.arrive $0xFFFF;
	s2 =	simm.s32 @!p0 $0x1C01  }
0x245: {  	[timem:s3], [sflag:s2] =	dma.local @!p0 [hbm:s0], s1  }
0x246: {  	s0 =	simm.s32 @!p0 $0x1  }
0x247: {  	_ =	swait.ge @!p0 [sflag:s0], s1  }
0x248: {  	s1 =	ssub.s32 @!p0 $0x0, s1;
	[sflag:s0] =	ssyncset.done @!p0 $0x0  }
0x249: {  	[sflag:s0] =	ssyncadd.s32 @!p0 s1  }
0x24a: {  	[bflag:$0x3] =	sbarrier.arrive $0xFFFF  }
0x24b: {  	_ =	shalt  }

</sc_bundles>
